<compile_context>
chip_gen: v7x
topology: tpu7x:2x2x1
jax: 0.10.2.dev20260603
libtpu: 0.0.44.dev20260713+nightly
codegen_flags: <defaults>
</compile_context>

<pallas_src>
import jax
import jax.numpy as jnp
from jax import lax
from jax.experimental import pallas as pl
from jax.experimental.pallas import tpu as pltpu
from jax.experimental.pallas import tpu_sc as plsc

VOCAB = 1000000
D = 64
ROWS = 4096
COLS = 200
B_TOTAL = ROWS * COLS
NC = 2
NS = 16
NW = NC * NS
XROWS_W = ROWS // NW
PER_W = B_TOTAL // NW
BUF = COLS
NSTEP = XROWS_W
STREAMS = (128, 72)
LANES = 16
VPR = D // LANES
RU = 8
SCALE = 8.0


def _body(x_hbm, tab_hbm, out_hbm, idx_v, gb0, gb1, sb0, sb1,
          gsem0, gsem1, ssem0, ssem1):
  c = lax.axis_index("c")
  s = lax.axis_index("s")
  wid = s * NC + c
  base = wid * PER_W
  xbase = wid * XROWS_W

  gbufs = (gb0, gb1)
  sbufs = (sb0, sb1)
  gsems = (gsem0, gsem1)
  ssems = (ssem0, ssem1)

  pltpu.sync_copy(x_hbm.at[pl.ds(base, PER_W)], idx_v)

  def start_gather(j, b):
    off = 0
    for n in STREAMS:
      pltpu.async_copy(
          tab_hbm.at[idx_v.at[pl.ds(j * BUF + off, n)]],
          gbufs[b].at[pl.ds(off, n)],
          gsems[b],
      )
      off += n

  def wait_gather(j, b):
    off = 0
    for n in STREAMS:
      pltpu.make_async_copy(
          tab_hbm.at[idx_v.at[pl.ds(j * BUF + off, n)]],
          gbufs[b].at[pl.ds(off, n)],
          gsems[b],
      ).wait()
      off += n

  def start_scatter(j, b):
    pltpu.async_copy(sbufs[b], out_hbm.at[pl.ds(base + j * BUF, BUF)],
                     ssems[b])

  def wait_scatter(j, b):
    pltpu.make_async_copy(sbufs[b], out_hbm.at[pl.ds(base + j * BUF, BUF)],
                          ssems[b]).wait()

  start_gather(0, 0)
  start_gather(1, 1)

  def outer(jj, carry):
    for b in range(2):
      j = 2 * jj + b
      wait_gather(j, b)

      @pl.when(j >= 2)
      def _():
        wait_scatter(j - 2, b)

      gb, sb = gbufs[b], sbufs[b]

      @plsc.parallel_loop(0, BUF, step=RU)
      def scale8(i):
        for r in range(RU):
          for k in range(VPR):
            sb[i + r, pl.ds(k * LANES, LANES)] = (
                gb[i + r, pl.ds(k * LANES, LANES)] * SCALE
            )

      @pl.when(j + 2 < NSTEP)
      def _():
        start_gather(j + 2, b)

      start_scatter(j, b)
    return carry

  lax.fori_loop(0, NSTEP // 2, outer, 0)

  wait_scatter(NSTEP - 2, 0)
  wait_scatter(NSTEP - 1, 1)


@jax.jit
def _embed(x_flat, table):
  mesh = plsc.VectorSubcoreMesh(core_axis_name="c", subcore_axis_name="s")
  kfn = pl.kernel(
      _body,
      out_type=jax.ShapeDtypeStruct((B_TOTAL, 2 * D), jnp.float32),
      mesh=mesh,
      scratch_types=[
          pltpu.VMEM((PER_W,), jnp.int32),
          pltpu.VMEM((BUF, D), jnp.float32),
          pltpu.VMEM((BUF, D), jnp.float32),
          pltpu.VMEM((BUF, 2 * D), jnp.float32),
          pltpu.VMEM((BUF, 2 * D), jnp.float32),
          pltpu.SemaphoreType.DMA,
          pltpu.SemaphoreType.DMA,
          pltpu.SemaphoreType.DMA,
          pltpu.SemaphoreType.DMA,
      ],
      compiler_params=pltpu.CompilerParams(use_tc_tiling_on_sc=False),
  )
  return kfn(x_flat, table)


def kernel(x, input_embedding):
  x_flat = x.reshape(-1).astype(jnp.int32)
  out = _embed(x_flat, input_embedding)
  return out[:, :D].reshape(ROWS, COLS, D)

# --- scband reference (transcript-rebuilt; emitter-appended) ---
"""Pipeline reference for scband-embedder-55860344652485 (READ-ONLY COPY).

The authoritative reference and input builder live on the scoring server;
editing this copy changes nothing except your own understanding.
"""

import jax, jax.numpy as jnp
import numpy as np

VOCAB = 1000000
EMBED_DIM = 64

def setup_inputs(seed: int = 0) -> dict:
    key = jax.random.key(seed)
    k_idx, k_tab = jax.random.split(key)
    x = jax.random.randint(k_idx, (4096, 200), 0, VOCAB, dtype=jnp.int64 if jax.config.jax_enable_x64 else jnp.int32)
    input_embedding = jax.random.normal(k_tab, (VOCAB, EMBED_DIM), dtype=jnp.float32) * 0.01
    return {"x": x, "input_embedding": input_embedding}

def reference(x, input_embedding):
    # Embedder.encode: gather rows of the embedding table, then scale by sqrt(embed_dim)
    out = jnp.take(input_embedding, x, axis=0)
    out = out * jnp.sqrt(jnp.asarray(out.shape[-1], dtype=out.dtype))
    return out

if __name__ == "__main__":
    import jax
    _d = setup_inputs()
    print(jax.jit(kernel)(*tuple(_d.values())))

</pallas_src>

<mosaic_0001>
#map = affine_map<(d0, d1) -> (0)>
#map1 = affine_map<(d0, d1) -> (0, 0)>
module attributes {stable_mosaic.version = 14 : i64} {
  func.func @_body(%arg0: i32, %arg1: i32, %arg2: memref<819200xi32, #tpu.memory_space<hbm>>, %arg3: memref<1000000x64xf32, #tpu.memory_space<hbm>>, %arg4: memref<819200x128xf32, #tpu.memory_space<hbm>>, %arg5: memref<25600xi32, #tpu.memory_space<vmem>>, %arg6: memref<200x64xf32, #tpu.memory_space<vmem>>, %arg7: memref<200x64xf32, #tpu.memory_space<vmem>>, %arg8: memref<200x128xf32, #tpu.memory_space<vmem>>, %arg9: memref<200x128xf32, #tpu.memory_space<vmem>>, %arg10: memref<!tpu.dma_semaphore, #tpu.memory_space<semaphore_mem>>, %arg11: memref<!tpu.dma_semaphore, #tpu.memory_space<semaphore_mem>>, %arg12: memref<!tpu.dma_semaphore, #tpu.memory_space<semaphore_mem>>, %arg13: memref<!tpu.dma_semaphore, #tpu.memory_space<semaphore_mem>>) attributes {dimension_semantics = [#tpu.dimension_semantics<core_parallel>, #tpu.dimension_semantics<subcore_parallel>], iteration_bounds = array<i64: 2, 16>, scalar_prefetch = 0 : i64, scratch_operands = 9 : i64, tpu.core_type = #tpu.core_type<sc_vector_subcore>, window_params = [{transform_indices = #map}, {transform_indices = #map1}, {transform_indices = #map1}]} {
    %mul3A = arith.constant 2 : i32
    %mul3A_0 = arith.muli %arg1, %mul3A : i32
    %add3A = arith.addi %mul3A_0, %arg0 : i32
    %mul3A_1 = arith.constant 25600 : i32
    %mul3A_2 = arith.muli %add3A, %mul3A_1 : i32
    %mul3A_3 = arith.constant 128 : i32
    %mul3A_4 = arith.muli %add3A, %mul3A_3 : i32
    "tpu.region"() ({
      %run_scoped3A = tpu.sem_alloc : memref<!tpu.dma_semaphore, #tpu.memory_space<semaphore_mem>>
      %dma_start3A_52 = tpu.memref_slice %arg2[%mul3A_2] : memref<819200xi32, #tpu.memory_space<hbm>> -> memref<25600xi32, #tpu.memory_space<hbm>>
      %dma_start3A_53 = tpu.memref_slice %arg2[%mul3A_2] : memref<819200xi32, #tpu.memory_space<hbm>> -> memref<25600xi32, #tpu.memory_space<hbm>>
      tpu.enqueue_dma source(%dma_start3A_53 : memref<25600xi32, #tpu.memory_space<hbm>>) target(%arg5 : memref<25600xi32, #tpu.memory_space<vmem>>) target_semaphore(%run_scoped3A : memref<!tpu.dma_semaphore, #tpu.memory_space<semaphore_mem>>)
      %dma_wait3A_54 = tpu.memref_slice %arg2[%mul3A_2] : memref<819200xi32, #tpu.memory_space<hbm>> -> memref<25600xi32, #tpu.memory_space<hbm>>
      %dma_wait3A_55 = tpu.memref_slice %arg2[%mul3A_2] : memref<819200xi32, #tpu.memory_space<hbm>> -> memref<25600xi32, #tpu.memory_space<hbm>>
      tpu.wait_dma2 semaphore(%run_scoped3A : memref<!tpu.dma_semaphore, #tpu.memory_space<semaphore_mem>>) src(%dma_wait3A_55 : memref<25600xi32, #tpu.memory_space<hbm>>) dst(%arg5 : memref<25600xi32, #tpu.memory_space<vmem>>)
      tpu.yield
    }) : () -> ()
    %dma_start3A = arith.constant 0 : i32
    %dma_start3A_5 = arith.constant 0 : i32
    %dma_start3A_6 = tpu.memref_slice %arg6[%dma_start3A, %dma_start3A_5] : memref<200x64xf32, #tpu.memory_space<vmem>> -> memref<128x64xf32, #tpu.memory_space<vmem>>
    %dma_start3A_7 = arith.constant 0 : i32
    %dma_start3A_8 = tpu.memref_slice %arg5[%dma_start3A_7] : memref<25600xi32, #tpu.memory_space<vmem>> -> memref<128xi32, #tpu.memory_space<vmem>>
    %dma_start3A_9 = arith.constant 0 : i32
    %dma_start3A_10 = arith.constant 0 : i32
    %dma_start3A_11 = tpu.memref_slice %arg3[%dma_start3A_9, %dma_start3A_10] : memref<1000000x64xf32, #tpu.memory_space<hbm>> -> memref<1000000x64xf32, #tpu.memory_space<hbm>>
    tpu.enqueue_indirect_dma source(%dma_start3A_11 : memref<1000000x64xf32, #tpu.memory_space<hbm>>) target(%dma_start3A_6 : memref<128x64xf32, #tpu.memory_space<vmem>>) offsets(%dma_start3A_8 : memref<128xi32, #tpu.memory_space<vmem>>) semaphore(%arg10 : memref<!tpu.dma_semaphore, #tpu.memory_space<semaphore_mem>>)
    %dma_start3A_12 = arith.constant 128 : i32
    %dma_start3A_13 = arith.constant 0 : i32
    %dma_start3A_14 = tpu.memref_slice %arg6[%dma_start3A_12, %dma_start3A_13] : memref<200x64xf32, #tpu.memory_space<vmem>> -> memref<72x64xf32, #tpu.memory_space<vmem>>
    %dma_start3A_15 = arith.constant 128 : i32
    %dma_start3A_16 = tpu.memref_slice %arg5[%dma_start3A_15] : memref<25600xi32, #tpu.memory_space<vmem>> -> memref<72xi32, #tpu.memory_space<vmem>>
    %dma_start3A_17 = arith.constant 0 : i32
    %dma_start3A_18 = arith.constant 0 : i32
    %dma_start3A_19 = tpu.memref_slice %arg3[%dma_start3A_17, %dma_start3A_18] : memref<1000000x64xf32, #tpu.memory_space<hbm>> -> memref<1000000x64xf32, #tpu.memory_space<hbm>>
    tpu.enqueue_indirect_dma source(%dma_start3A_19 : memref<1000000x64xf32, #tpu.memory_space<hbm>>) target(%dma_start3A_14 : memref<72x64xf32, #tpu.memory_space<vmem>>) offsets(%dma_start3A_16 : memref<72xi32, #tpu.memory_space<vmem>>) semaphore(%arg10 : memref<!tpu.dma_semaphore, #tpu.memory_space<semaphore_mem>>)
    %dma_start3A_20 = arith.constant 0 : i32
    %dma_start3A_21 = arith.constant 0 : i32
    %dma_start3A_22 = tpu.memref_slice %arg7[%dma_start3A_20, %dma_start3A_21] : memref<200x64xf32, #tpu.memory_space<vmem>> -> memref<128x64xf32, #tpu.memory_space<vmem>>
    %dma_start3A_23 = arith.constant 200 : i32
    %dma_start3A_24 = tpu.memref_slice %arg5[%dma_start3A_23] : memref<25600xi32, #tpu.memory_space<vmem>> -> memref<128xi32, #tpu.memory_space<vmem>>
    %dma_start3A_25 = arith.constant 0 : i32
    %dma_start3A_26 = arith.constant 0 : i32
    %dma_start3A_27 = tpu.memref_slice %arg3[%dma_start3A_25, %dma_start3A_26] : memref<1000000x64xf32, #tpu.memory_space<hbm>> -> memref<1000000x64xf32, #tpu.memory_space<hbm>>
    tpu.enqueue_indirect_dma source(%dma_start3A_27 : memref<1000000x64xf32, #tpu.memory_space<hbm>>) target(%dma_start3A_22 : memref<128x64xf32, #tpu.memory_space<vmem>>) offsets(%dma_start3A_24 : memref<128xi32, #tpu.memory_space<vmem>>) semaphore(%arg11 : memref<!tpu.dma_semaphore, #tpu.memory_space<semaphore_mem>>)
    %dma_start3A_28 = arith.constant 128 : i32
    %dma_start3A_29 = arith.constant 0 : i32
    %dma_start3A_30 = tpu.memref_slice %arg7[%dma_start3A_28, %dma_start3A_29] : memref<200x64xf32, #tpu.memory_space<vmem>> -> memref<72x64xf32, #tpu.memory_space<vmem>>
    %dma_start3A_31 = arith.constant 328 : i32
    %dma_start3A_32 = tpu.memref_slice %arg5[%dma_start3A_31] : memref<25600xi32, #tpu.memory_space<vmem>> -> memref<72xi32, #tpu.memory_space<vmem>>
    %dma_start3A_33 = arith.constant 0 : i32
    %dma_start3A_34 = arith.constant 0 : i32
    %dma_start3A_35 = tpu.memref_slice %arg3[%dma_start3A_33, %dma_start3A_34] : memref<1000000x64xf32, #tpu.memory_space<hbm>> -> memref<1000000x64xf32, #tpu.memory_space<hbm>>
    tpu.enqueue_indirect_dma source(%dma_start3A_35 : memref<1000000x64xf32, #tpu.memory_space<hbm>>) target(%dma_start3A_30 : memref<72x64xf32, #tpu.memory_space<vmem>>) offsets(%dma_start3A_32 : memref<72xi32, #tpu.memory_space<vmem>>) semaphore(%arg11 : memref<!tpu.dma_semaphore, #tpu.memory_space<semaphore_mem>>)
    %scan3A = arith.constant 0 : i32
    %scan3A_36 = arith.constant 0 : i32
    %scan3A_37 = arith.constant 64 : i32
    %scan3A_38 = arith.addi %scan3A_36, %scan3A_37 : i32
    %scan3A_39 = arith.constant 1 : i32
    scf.for %scan3A_52 = %scan3A_36 to %scan3A_38 step %scan3A_39  : i32 {
      %mul3A_53 = arith.constant 2 : i32
      %mul3A_54 = arith.muli %mul3A_53, %scan3A_52 : i32
      %add3A_55 = arith.constant 0 : i32
      %add3A_56 = arith.addi %mul3A_54, %add3A_55 : i32
      %mul3A_57 = arith.constant 200 : i32
      %mul3A_58 = arith.muli %add3A_56, %mul3A_57 : i32
      %add3A_59 = arith.constant 0 : i32
      %add3A_60 = arith.addi %mul3A_58, %add3A_59 : i32
      %dma_wait3A_61 = arith.constant 0 : i32
      %dma_wait3A_62 = arith.constant 0 : i32
      %dma_wait3A_63 = tpu.memref_slice %arg6[%dma_wait3A_61, %dma_wait3A_62] : memref<200x64xf32, #tpu.memory_space<vmem>> -> memref<128x64xf32, #tpu.memory_space<vmem>>
      %dma_wait3A_64 = tpu.memref_slice %arg5[%add3A_60] : memref<25600xi32, #tpu.memory_space<vmem>> -> memref<128xi32, #tpu.memory_space<vmem>>
      %dma_wait3A_65 = arith.constant 0 : i32
      %dma_wait3A_66 = arith.constant 0 : i32
      %dma_wait3A_67 = tpu.memref_slice %arg3[%dma_wait3A_65, %dma_wait3A_66] : memref<1000000x64xf32, #tpu.memory_space<hbm>> -> memref<1000000x64xf32, #tpu.memory_space<hbm>>
      tpu.wait_indirect_dma semaphore(%arg10 : memref<!tpu.dma_semaphore, #tpu.memory_space<semaphore_mem>>) src(%dma_wait3A_67 : memref<1000000x64xf32, #tpu.memory_space<hbm>>) dst(%dma_wait3A_63 : memref<128x64xf32, #tpu.memory_space<vmem>>)
      %mul3A_68 = arith.constant 200 : i32
      %mul3A_69 = arith.muli %add3A_56, %mul3A_68 : i32
      %add3A_70 = arith.constant 128 : i32
      %add3A_71 = arith.addi %mul3A_69, %add3A_70 : i32
      %dma_wait3A_72 = arith.constant 128 : i32
      %dma_wait3A_73 = arith.constant 0 : i32
      %dma_wait3A_74 = tpu.memref_slice %arg6[%dma_wait3A_72, %dma_wait3A_73] : memref<200x64xf32, #tpu.memory_space<vmem>> -> memref<72x64xf32, #tpu.memory_space<vmem>>
      %dma_wait3A_75 = tpu.memref_slice %arg5[%add3A_71] : memref<25600xi32, #tpu.memory_space<vmem>> -> memref<72xi32, #tpu.memory_space<vmem>>
      %dma_wait3A_76 = arith.constant 0 : i32
      %dma_wait3A_77 = arith.constant 0 : i32
      %dma_wait3A_78 = tpu.memref_slice %arg3[%dma_wait3A_76, %dma_wait3A_77] : memref<1000000x64xf32, #tpu.memory_space<hbm>> -> memref<1000000x64xf32, #tpu.memory_space<hbm>>
      tpu.wait_indirect_dma semaphore(%arg10 : memref<!tpu.dma_semaphore, #tpu.memory_space<semaphore_mem>>) src(%dma_wait3A_78 : memref<1000000x64xf32, #tpu.memory_space<hbm>>) dst(%dma_wait3A_74 : memref<72x64xf32, #tpu.memory_space<vmem>>)
      %ge3A = arith.constant 2 : i32
      %ge3A_79 = arith.cmpi sge, %add3A_56, %ge3A : i32
      %convert_element_type3A = arith.extui %ge3A_79 : i1 to i32
      %cond3A = arith.constant 0 : i32
      %cond3A_80 = arith.cmpi ne, %convert_element_type3A, %cond3A : i32
      scf.if %cond3A_80 {
        %sub3A = arith.constant 2 : i32
        %sub3A_144 = arith.subi %add3A_56, %sub3A : i32
        %mul3A_145 = arith.constant 200 : i32
        %mul3A_146 = arith.muli %sub3A_144, %mul3A_145 : i32
        %add3A_147 = arith.addi %mul3A_2, %mul3A_146 : i32
        %dma_wait3A_148 = arith.constant 0 : i32
        %dma_wait3A_149 = tpu.memref_slice %arg4[%add3A_147, %dma_wait3A_148] : memref<819200x128xf32, #tpu.memory_space<hbm>> -> memref<200x128xf32, #tpu.memory_space<hbm>>
        %dma_wait3A_150 = arith.constant 0 : i32
        %dma_wait3A_151 = tpu.memref_slice %arg4[%add3A_147, %dma_wait3A_150] : memref<819200x128xf32, #tpu.memory_space<hbm>> -> memref<200x128xf32, #tpu.memory_space<hbm>>
        tpu.wait_dma2 semaphore(%arg12 : memref<!tpu.dma_semaphore, #tpu.memory_space<semaphore_mem>>) src(%arg8 : memref<200x128xf32, #tpu.memory_space<vmem>>) dst(%dma_wait3A_151 : memref<200x128xf32, #tpu.memory_space<hbm>>)
      } else {
      }
      %parallel_loop3A = arith.constant 0 : i32
      %parallel_loop3A_81 = arith.constant 200 : i32
      %parallel_loop3A_82 = arith.constant 8 : i32
      scf.for %parallel_loop3A_144 = %parallel_loop3A to %parallel_loop3A_81 step %parallel_loop3A_82  : i32 {
        %parallel_loop3A_145 = arith.constant 0 : i32
        %parallel_loop3A_146 = arith.addi %parallel_loop3A_144, %parallel_loop3A_145 : i32
        %parallel_loop3A_147 = arith.index_cast %parallel_loop3A_146 : i32 to index
        %parallel_loop3A_148 = arith.constant 0 : index
        %parallel_loop3A_149 = tpu.vector_load %arg6[%parallel_loop3A_147, %parallel_loop3A_148] {strides = array<i32>} : memref<200x64xf32, #tpu.memory_space<vmem>>, vector<1x16xf32>,
        %parallel_loop3A_150 = vector.shape_cast %parallel_loop3A_149 : vector<1x16xf32> to vector<16xf32>
        %parallel_loop3A_151 = arith.constant 8.000000e+00 : f32
        %parallel_loop3A_152 = vector.broadcast %parallel_loop3A_151 : f32 to vector<16xf32>
        %parallel_loop3A_153 = arith.mulf %parallel_loop3A_150, %parallel_loop3A_152 : vector<16xf32>
        %parallel_loop3A_154 = arith.constant 0 : i32
        %parallel_loop3A_155 = arith.addi %parallel_loop3A_144, %parallel_loop3A_154 : i32
        %parallel_loop3A_156 = arith.index_cast %parallel_loop3A_155 : i32 to index
        %parallel_loop3A_157 = arith.constant 0 : index
        %parallel_loop3A_158 = tpu.vector_load %arg8[%parallel_loop3A_156, %parallel_loop3A_157] {strides = array<i32>} : memref<200x128xf32, #tpu.memory_space<vmem>>, vector<1x16xf32>,
        %parallel_loop3A_159 = vector.shape_cast %parallel_loop3A_158 : vector<1x16xf32> to vector<16xf32>
        %parallel_loop3A_160 = vector.shape_cast %parallel_loop3A_153 : vector<16xf32> to vector<1x16xf32>
        tpu.vector_store %arg8[%parallel_loop3A_156, %parallel_loop3A_157], %parallel_loop3A_160 {strides = array<i32>} : memref<200x128xf32, #tpu.memory_space<vmem>>, vector<1x16xf32>,
        %parallel_loop3A_161 = arith.constant 0 : i32
        %parallel_loop3A_162 = arith.addi %parallel_loop3A_144, %parallel_loop3A_161 : i32
        %parallel_loop3A_163 = arith.index_cast %parallel_loop3A_162 : i32 to index
        %parallel_loop3A_164 = arith.constant 16 : index
        %parallel_loop3A_165 = tpu.vector_load %arg6[%parallel_loop3A_163, %parallel_loop3A_164] {strides = array<i32>} : memref<200x64xf32, #tpu.memory_space<vmem>>, vector<1x16xf32>,
        %parallel_loop3A_166 = vector.shape_cast %parallel_loop3A_165 : vector<1x16xf32> to vector<16xf32>
        %parallel_loop3A_167 = arith.constant 8.000000e+00 : f32
        %parallel_loop3A_168 = vector.broadcast %parallel_loop3A_167 : f32 to vector<16xf32>
        %parallel_loop3A_169 = arith.mulf %parallel_loop3A_166, %parallel_loop3A_168 : vector<16xf32>
        %parallel_loop3A_170 = arith.constant 0 : i32
        %parallel_loop3A_171 = arith.addi %parallel_loop3A_144, %parallel_loop3A_170 : i32
        %parallel_loop3A_172 = arith.index_cast %parallel_loop3A_171 : i32 to index
        %parallel_loop3A_173 = arith.constant 16 : index
        %parallel_loop3A_174 = tpu.vector_load %arg8[%parallel_loop3A_172, %parallel_loop3A_173] {strides = array<i32>} : memref<200x128xf32, #tpu.memory_space<vmem>>, vector<1x16xf32>,
        %parallel_loop3A_175 = vector.shape_cast %parallel_loop3A_174 : vector<1x16xf32> to vector<16xf32>
        %parallel_loop3A_176 = vector.shape_cast %parallel_loop3A_169 : vector<16xf32> to vector<1x16xf32>
        tpu.vector_store %arg8[%parallel_loop3A_172, %parallel_loop3A_173], %parallel_loop3A_176 {strides = array<i32>} : memref<200x128xf32, #tpu.memory_space<vmem>>, vector<1x16xf32>,
        %parallel_loop3A_177 = arith.constant 0 : i32
        %parallel_loop3A_178 = arith.addi %parallel_loop3A_144, %parallel_loop3A_177 : i32
        %parallel_loop3A_179 = arith.index_cast %parallel_loop3A_178 : i32 to index
        %parallel_loop3A_180 = arith.constant 32 : index
        %parallel_loop3A_181 = tpu.vector_load %arg6[%parallel_loop3A_179, %parallel_loop3A_180] {strides = array<i32>} : memref<200x64xf32, #tpu.memory_space<vmem>>, vector<1x16xf32>,
        %parallel_loop3A_182 = vector.shape_cast %parallel_loop3A_181 : vector<1x16xf32> to vector<16xf32>
        %parallel_loop3A_183 = arith.constant 8.000000e+00 : f32
        %parallel_loop3A_184 = vector.broadcast %parallel_loop3A_183 : f32 to vector<16xf32>
        %parallel_loop3A_185 = arith.mulf %parallel_loop3A_182, %parallel_loop3A_184 : vector<16xf32>
        %parallel_loop3A_186 = arith.constant 0 : i32
        %parallel_loop3A_187 = arith.addi %parallel_loop3A_144, %parallel_loop3A_186 : i32
        %parallel_loop3A_188 = arith.index_cast %parallel_loop3A_187 : i32 to index
        %parallel_loop3A_189 = arith.constant 32 : index
        %parallel_loop3A_190 = tpu.vector_load %arg8[%parallel_loop3A_188, %parallel_loop3A_189] {strides = array<i32>} : memref<200x128xf32, #tpu.memory_space<vmem>>, vector<1x16xf32>,
        %parallel_loop3A_191 = vector.shape_cast %parallel_loop3A_190 : vector<1x16xf32> to vector<16xf32>
        %parallel_loop3A_192 = vector.shape_cast %parallel_loop3A_185 : vector<16xf32> to vector<1x16xf32>
        tpu.vector_store %arg8[%parallel_loop3A_188, %parallel_loop3A_189], %parallel_loop3A_192 {strides = array<i32>} : memref<200x128xf32, #tpu.memory_space<vmem>>, vector<1x16xf32>,
        %parallel_loop3A_193 = arith.constant 0 : i32
        %parallel_loop3A_194 = arith.addi %parallel_loop3A_144, %parallel_loop3A_193 : i32
        %parallel_loop3A_195 = arith.index_cast %parallel_loop3A_194 : i32 to index
        %parallel_loop3A_196 = arith.constant 48 : index
        %parallel_loop3A_197 = tpu.vector_load %arg6[%parallel_loop3A_195, %parallel_loop3A_196] {strides = array<i32>} : memref<200x64xf32, #tpu.memory_space<vmem>>, vector<1x16xf32>,
        %parallel_loop3A_198 = vector.shape_cast %parallel_loop3A_197 : vector<1x16xf32> to vector<16xf32>
        %parallel_loop3A_199 = arith.constant 8.000000e+00 : f32
        %parallel_loop3A_200 = vector.broadcast %parallel_loop3A_199 : f32 to vector<16xf32>
        %parallel_loop3A_201 = arith.mulf %parallel_loop3A_198, %parallel_loop3A_200 : vector<16xf32>
        %parallel_loop3A_202 = arith.constant 0 : i32
        %parallel_loop3A_203 = arith.addi %parallel_loop3A_144, %parallel_loop3A_202 : i32
        %parallel_loop3A_204 = arith.index_cast %parallel_loop3A_203 : i32 to index
        %parallel_loop3A_205 = arith.constant 48 : index
        %parallel_loop3A_206 = tpu.vector_load %arg8[%parallel_loop3A_204, %parallel_loop3A_205] {strides = array<i32>} : memref<200x128xf32, #tpu.memory_space<vmem>>, vector<1x16xf32>,
        %parallel_loop3A_207 = vector.shape_cast %parallel_loop3A_206 : vector<1x16xf32> to vector<16xf32>
        %parallel_loop3A_208 = vector.shape_cast %parallel_loop3A_201 : vector<16xf32> to vector<1x16xf32>
        tpu.vector_store %arg8[%parallel_loop3A_204, %parallel_loop3A_205], %parallel_loop3A_208 {strides = array<i32>} : memref<200x128xf32, #tpu.memory_space<vmem>>, vector<1x16xf32>,
        %parallel_loop3A_209 = arith.constant 1 : i32
        %parallel_loop3A_210 = arith.addi %parallel_loop3A_144, %parallel_loop3A_209 : i32
        %parallel_loop3A_211 = arith.index_cast %parallel_loop3A_210 : i32 to index
        %parallel_loop3A_212 = arith.constant 0 : index
        %parallel_loop3A_213 = tpu.vector_load %arg6[%parallel_loop3A_211, %parallel_loop3A_212] {strides = array<i32>} : memref<200x64xf32, #tpu.memory_space<vmem>>, vector<1x16xf32>,
        %parallel_loop3A_214 = vector.shape_cast %parallel_loop3A_213 : vector<1x16xf32> to vector<16xf32>
        %parallel_loop3A_215 = arith.constant 8.000000e+00 : f32
        %parallel_loop3A_216 = vector.broadcast %parallel_loop3A_215 : f32 to vector<16xf32>
        %parallel_loop3A_217 = arith.mulf %parallel_loop3A_214, %parallel_loop3A_216 : vector<16xf32>
        %parallel_loop3A_218 = arith.constant 1 : i32
        %parallel_loop3A_219 = arith.addi %parallel_loop3A_144, %parallel_loop3A_218 : i32
        %parallel_loop3A_220 = arith.index_cast %parallel_loop3A_219 : i32 to index
        %parallel_loop3A_221 = arith.constant 0 : index
        %parallel_loop3A_222 = tpu.vector_load %arg8[%parallel_loop3A_220, %parallel_loop3A_221] {strides = array<i32>} : memref<200x128xf32, #tpu.memory_space<vmem>>, vector<1x16xf32>,
        %parallel_loop3A_223 = vector.shape_cast %parallel_loop3A_222 : vector<1x16xf32> to vector<16xf32>
        %parallel_loop3A_224 = vector.shape_cast %parallel_loop3A_217 : vector<16xf32> to vector<1x16xf32>
        tpu.vector_store %arg8[%parallel_loop3A_220, %parallel_loop3A_221], %parallel_loop3A_224 {strides = array<i32>} : memref<200x128xf32, #tpu.memory_space<vmem>>, vector<1x16xf32>,
        %parallel_loop3A_225 = arith.constant 1 : i32
        %parallel_loop3A_226 = arith.addi %parallel_loop3A_144, %parallel_loop3A_225 : i32
        %parallel_loop3A_227 = arith.index_cast %parallel_loop3A_226 : i32 to index
        %parallel_loop3A_228 = arith.constant 16 : index
        %parallel_loop3A_229 = tpu.vector_load %arg6[%parallel_loop3A_227, %parallel_loop3A_228] {strides = array<i32>} : memref<200x64xf32, #tpu.memory_space<vmem>>, vector<1x16xf32>,
        %parallel_loop3A_230 = vector.shape_cast %parallel_loop3A_229 : vector<1x16xf32> to vector<16xf32>
        %parallel_loop3A_231 = arith.constant 8.000000e+00 : f32
        %parallel_loop3A_232 = vector.broadcast %parallel_loop3A_231 : f32 to vector<16xf32>
        %parallel_loop3A_233 = arith.mulf %parallel_loop3A_230, %parallel_loop3A_232 : vector<16xf32>
        %parallel_loop3A_234 = arith.constant 1 : i32
        %parallel_loop3A_235 = arith.addi %parallel_loop3A_144, %parallel_loop3A_234 : i32
        %parallel_loop3A_236 = arith.index_cast %parallel_loop3A_235 : i32 to index
        %parallel_loop3A_237 = arith.constant 16 : index
        %parallel_loop3A_238 = tpu.vector_load %arg8[%parallel_loop3A_236, %parallel_loop3A_237] {strides = array<i32>} : memref<200x128xf32, #tpu.memory_space<vmem>>, vector<1x16xf32>,
        %parallel_loop3A_239 = vector.shape_cast %parallel_loop3A_238 : vector<1x16xf32> to vector<16xf32>
        %parallel_loop3A_240 = vector.shape_cast %parallel_loop3A_233 : vector<16xf32> to vector<1x16xf32>
        tpu.vector_store %arg8[%parallel_loop3A_236, %parallel_loop3A_237], %parallel_loop3A_240 {strides = array<i32>} : memref<200x128xf32, #tpu.memory_space<vmem>>, vector<1x16xf32>,
        %parallel_loop3A_241 = arith.constant 1 : i32
        %parallel_loop3A_242 = arith.addi %parallel_loop3A_144, %parallel_loop3A_241 : i32
        %parallel_loop3A_243 = arith.index_cast %parallel_loop3A_242 : i32 to index
        %parallel_loop3A_244 = arith.constant 32 : index
        %parallel_loop3A_245 = tpu.vector_load %arg6[%parallel_loop3A_243, %parallel_loop3A_244] {strides = array<i32>} : memref<200x64xf32, #tpu.memory_space<vmem>>, vector<1x16xf32>,
        %parallel_loop3A_246 = vector.shape_cast %parallel_loop3A_245 : vector<1x16xf32> to vector<16xf32>
        %parallel_loop3A_247 = arith.constant 8.000000e+00 : f32
        %parallel_loop3A_248 = vector.broadcast %parallel_loop3A_247 : f32 to vector<16xf32>
        %parallel_loop3A_249 = arith.mulf %parallel_loop3A_246, %parallel_loop3A_248 : vector<16xf32>
        %parallel_loop3A_250 = arith.constant 1 : i32
        %parallel_loop3A_251 = arith.addi %parallel_loop3A_144, %parallel_loop3A_250 : i32
        %parallel_loop3A_252 = arith.index_cast %parallel_loop3A_251 : i32 to index
        %parallel_loop3A_253 = arith.constant 32 : index
        %parallel_loop3A_254 = tpu.vector_load %arg8[%parallel_loop3A_252, %parallel_loop3A_253] {strides = array<i32>} : memref<200x128xf32, #tpu.memory_space<vmem>>, vector<1x16xf32>,
        %parallel_loop3A_255 = vector.shape_cast %parallel_loop3A_254 : vector<1x16xf32> to vector<16xf32>
        %parallel_loop3A_256 = vector.shape_cast %parallel_loop3A_249 : vector<16xf32> to vector<1x16xf32>
        tpu.vector_store %arg8[%parallel_loop3A_252, %parallel_loop3A_253], %parallel_loop3A_256 {strides = array<i32>} : memref<200x128xf32, #tpu.memory_space<vmem>>, vector<1x16xf32>,
        %parallel_loop3A_257 = arith.constant 1 : i32
        %parallel_loop3A_258 = arith.addi %parallel_loop3A_144, %parallel_loop3A_257 : i32
        %parallel_loop3A_259 = arith.index_cast %parallel_loop3A_258 : i32 to index
        %parallel_loop3A_260 = arith.constant 48 : index
        %parallel_loop3A_261 = tpu.vector_load %arg6[%parallel_loop3A_259, %parallel_loop3A_260] {strides = array<i32>} : memref<200x64xf32, #tpu.memory_space<vmem>>, vector<1x16xf32>,
        %parallel_loop3A_262 = vector.shape_cast %parallel_loop3A_261 : vector<1x16xf32> to vector<16xf32>
        %parallel_loop3A_263 = arith.constant 8.000000e+00 : f32
        %parallel_loop3A_264 = vector.broadcast %parallel_loop3A_263 : f32 to vector<16xf32>
        %parallel_loop3A_265 = arith.mulf %parallel_loop3A_262, %parallel_loop3A_264 : vector<16xf32>
        %parallel_loop3A_266 = arith.constant 1 : i32
        %parallel_loop3A_267 = arith.addi %parallel_loop3A_144, %parallel_loop3A_266 : i32
        %parallel_loop3A_268 = arith.index_cast %parallel_loop3A_267 : i32 to index
        %parallel_loop3A_269 = arith.constant 48 : index
        %parallel_loop3A_270 = tpu.vector_load %arg8[%parallel_loop3A_268, %parallel_loop3A_269] {strides = array<i32>} : memref<200x128xf32, #tpu.memory_space<vmem>>, vector<1x16xf32>,
        %parallel_loop3A_271 = vector.shape_cast %parallel_loop3A_270 : vector<1x16xf32> to vector<16xf32>
        %parallel_loop3A_272 = vector.shape_cast %parallel_loop3A_265 : vector<16xf32> to vector<1x16xf32>
        tpu.vector_store %arg8[%parallel_loop3A_268, %parallel_loop3A_269], %parallel_loop3A_272 {strides = array<i32>} : memref<200x128xf32, #tpu.memory_space<vmem>>, vector<1x16xf32>,
        %parallel_loop3A_273 = arith.constant 2 : i32
        %parallel_loop3A_274 = arith.addi %parallel_loop3A_144, %parallel_loop3A_273 : i32
        %parallel_loop3A_275 = arith.index_cast %parallel_loop3A_274 : i32 to index
        %parallel_loop3A_276 = arith.constant 0 : index
        %parallel_loop3A_277 = tpu.vector_load %arg6[%parallel_loop3A_275, %parallel_loop3A_276] {strides = array<i32>} : memref<200x64xf32, #tpu.memory_space<vmem>>, vector<1x16xf32>,
        %parallel_loop3A_278 = vector.shape_cast %parallel_loop3A_277 : vector<1x16xf32> to vector<16xf32>
        %parallel_loop3A_279 = arith.constant 8.000000e+00 : f32
        %parallel_loop3A_280 = vector.broadcast %parallel_loop3A_279 : f32 to vector<16xf32>
        %parallel_loop3A_281 = arith.mulf %parallel_loop3A_278, %parallel_loop3A_280 : vector<16xf32>
        %parallel_loop3A_282 = arith.constant 2 : i32
        %parallel_loop3A_283 = arith.addi %parallel_loop3A_144, %parallel_loop3A_282 : i32
        %parallel_loop3A_284 = arith.index_cast %parallel_loop3A_283 : i32 to index
        %parallel_loop3A_285 = arith.constant 0 : index
        %parallel_loop3A_286 = tpu.vector_load %arg8[%parallel_loop3A_284, %parallel_loop3A_285] {strides = array<i32>} : memref<200x128xf32, #tpu.memory_space<vmem>>, vector<1x16xf32>,
        %parallel_loop3A_287 = vector.shape_cast %parallel_loop3A_286 : vector<1x16xf32> to vector<16xf32>
        %parallel_loop3A_288 = vector.shape_cast %parallel_loop3A_281 : vector<16xf32> to vector<1x16xf32>
        tpu.vector_store %arg8[%parallel_loop3A_284, %parallel_loop3A_285], %parallel_loop3A_288 {strides = array<i32>} : memref<200x128xf32, #tpu.memory_space<vmem>>, vector<1x16xf32>,
        %parallel_loop3A_289 = arith.constant 2 : i32
        %parallel_loop3A_290 = arith.addi %parallel_loop3A_144, %parallel_loop3A_289 : i32
        %parallel_loop3A_291 = arith.index_cast %parallel_loop3A_290 : i32 to index
        %parallel_loop3A_292 = arith.constant 16 : index
        %parallel_loop3A_293 = tpu.vector_load %arg6[%parallel_loop3A_291, %parallel_loop3A_292] {strides = array<i32>} : memref<200x64xf32, #tpu.memory_space<vmem>>, vector<1x16xf32>,
        %parallel_loop3A_294 = vector.shape_cast %parallel_loop3A_293 : vector<1x16xf32> to vector<16xf32>
        %parallel_loop3A_295 = arith.constant 8.000000e+00 : f32
        %parallel_loop3A_296 = vector.broadcast %parallel_loop3A_295 : f32 to vector<16xf32>
        %parallel_loop3A_297 = arith.mulf %parallel_loop3A_294, %parallel_loop3A_296 : vector<16xf32>
        %parallel_loop3A_298 = arith.constant 2 : i32
        %parallel_loop3A_299 = arith.addi %parallel_loop3A_144, %parallel_loop3A_298 : i32
        %parallel_loop3A_300 = arith.index_cast %parallel_loop3A_299 : i32 to index
        %parallel_loop3A_301 = arith.constant 16 : index
        %parallel_loop3A_302 = tpu.vector_load %arg8[%parallel_loop3A_300, %parallel_loop3A_301] {strides = array<i32>} : memref<200x128xf32, #tpu.memory_space<vmem>>, vector<1x16xf32>,
        %parallel_loop3A_303 = vector.shape_cast %parallel_loop3A_302 : vector<1x16xf32> to vector<16xf32>
        %parallel_loop3A_304 = vector.shape_cast %parallel_loop3A_297 : vector<16xf32> to vector<1x16xf32>
        tpu.vector_store %arg8[%parallel_loop3A_300, %parallel_loop3A_301], %parallel_loop3A_304 {strides = array<i32>} : memref<200x128xf32, #tpu.memory_space<vmem>>, vector<1x16xf32>,
        %parallel_loop3A_305 = arith.constant 2 : i32
        %parallel_loop3A_306 = arith.addi %parallel_loop3A_144, %parallel_loop3A_305 : i32
        %parallel_loop3A_307 = arith.index_cast %parallel_loop3A_306 : i32 to index
        %parallel_loop3A_308 = arith.constant 32 : index
        %parallel_loop3A_309 = tpu.vector_load %arg6[%parallel_loop3A_307, %parallel_loop3A_308] {strides = array<i32>} : memref<200x64xf32, #tpu.memory_space<vmem>>, vector<1x16xf32>,
        %parallel_loop3A_310 = vector.shape_cast %parallel_loop3A_309 : vector<1x16xf32> to vector<16xf32>
        %parallel_loop3A_311 = arith.constant 8.000000e+00 : f32
        %parallel_loop3A_312 = vector.broadcast %parallel_loop3A_311 : f32 to vector<16xf32>
        %parallel_loop3A_313 = arith.mulf %parallel_loop3A_310, %parallel_loop3A_312 : vector<16xf32>
        %parallel_loop3A_314 = arith.constant 2 : i32
        %parallel_loop3A_315 = arith.addi %parallel_loop3A_144, %parallel_loop3A_314 : i32
        %parallel_loop3A_316 = arith.index_cast %parallel_loop3A_315 : i32 to index
        %parallel_loop3A_317 = arith.constant 32 : index
        %parallel_loop3A_318 = tpu.vector_load %arg8[%parallel_loop3A_316, %parallel_loop3A_317] {strides = array<i32>} : memref<200x128xf32, #tpu.memory_space<vmem>>, vector<1x16xf32>,
        %parallel_loop3A_319 = vector.shape_cast %parallel_loop3A_318 : vector<1x16xf32> to vector<16xf32>
        %parallel_loop3A_320 = vector.shape_cast %parallel_loop3A_313 : vector<16xf32> to vector<1x16xf32>
        tpu.vector_store %arg8[%parallel_loop3A_316, %parallel_loop3A_317], %parallel_loop3A_320 {strides = array<i32>} : memref<200x128xf32, #tpu.memory_space<vmem>>, vector<1x16xf32>,
        %parallel_loop3A_321 = arith.constant 2 : i32
        %parallel_loop3A_322 = arith.addi %parallel_loop3A_144, %parallel_loop3A_321 : i32
        %parallel_loop3A_323 = arith.index_cast %parallel_loop3A_322 : i32 to index
        %parallel_loop3A_324 = arith.constant 48 : index
        %parallel_loop3A_325 = tpu.vector_load %arg6[%parallel_loop3A_323, %parallel_loop3A_324] {strides = array<i32>} : memref<200x64xf32, #tpu.memory_space<vmem>>, vector<1x16xf32>,
        %parallel_loop3A_326 = vector.shape_cast %parallel_loop3A_325 : vector<1x16xf32> to vector<16xf32>
        %parallel_loop3A_327 = arith.constant 8.000000e+00 : f32
        %parallel_loop3A_328 = vector.broadcast %parallel_loop3A_327 : f32 to vector<16xf32>
        %parallel_loop3A_329 = arith.mulf %parallel_loop3A_326, %parallel_loop3A_328 : vector<16xf32>
        %parallel_loop3A_330 = arith.constant 2 : i32
        %parallel_loop3A_331 = arith.addi %parallel_loop3A_144, %parallel_loop3A_330 : i32
        %parallel_loop3A_332 = arith.index_cast %parallel_loop3A_331 : i32 to index
        %parallel_loop3A_333 = arith.constant 48 : index
        %parallel_loop3A_334 = tpu.vector_load %arg8[%parallel_loop3A_332, %parallel_loop3A_333] {strides = array<i32>} : memref<200x128xf32, #tpu.memory_space<vmem>>, vector<1x16xf32>,
        %parallel_loop3A_335 = vector.shape_cast %parallel_loop3A_334 : vector<1x16xf32> to vector<16xf32>
        %parallel_loop3A_336 = vector.shape_cast %parallel_loop3A_329 : vector<16xf32> to vector<1x16xf32>
        tpu.vector_store %arg8[%parallel_loop3A_332, %parallel_loop3A_333], %parallel_loop3A_336 {strides = array<i32>} : memref<200x128xf32, #tpu.memory_space<vmem>>, vector<1x16xf32>,
        %parallel_loop3A_337 = arith.constant 3 : i32
        %parallel_loop3A_338 = arith.addi %parallel_loop3A_144, %parallel_loop3A_337 : i32
        %parallel_loop3A_339 = arith.index_cast %parallel_loop3A_338 : i32 to index
        %parallel_loop3A_340 = arith.constant 0 : index
        %parallel_loop3A_341 = tpu.vector_load %arg6[%parallel_loop3A_339, %parallel_loop3A_340] {strides = array<i32>} : memref<200x64xf32, #tpu.memory_space<vmem>>, vector<1x16xf32>,
        %parallel_loop3A_342 = vector.shape_cast %parallel_loop3A_341 : vector<1x16xf32> to vector<16xf32>
        %parallel_loop3A_343 = arith.constant 8.000000e+00 : f32
        %parallel_loop3A_344 = vector.broadcast %parallel_loop3A_343 : f32 to vector<16xf32>
        %parallel_loop3A_345 = arith.mulf %parallel_loop3A_342, %parallel_loop3A_344 : vector<16xf32>
        %parallel_loop3A_346 = arith.constant 3 : i32
        %parallel_loop3A_347 = arith.addi %parallel_loop3A_144, %parallel_loop3A_346 : i32
        %parallel_loop3A_348 = arith.index_cast %parallel_loop3A_347 : i32 to index
        %parallel_loop3A_349 = arith.constant 0 : index
        %parallel_loop3A_350 = tpu.vector_load %arg8[%parallel_loop3A_348, %parallel_loop3A_349] {strides = array<i32>} : memref<200x128xf32, #tpu.memory_space<vmem>>, vector<1x16xf32>,
        %parallel_loop3A_351 = vector.shape_cast %parallel_loop3A_350 : vector<1x16xf32> to vector<16xf32>
        %parallel_loop3A_352 = vector.shape_cast %parallel_loop3A_345 : vector<16xf32> to vector<1x16xf32>
        tpu.vector_store %arg8[%parallel_loop3A_348, %parallel_loop3A_349], %parallel_loop3A_352 {strides = array<i32>} : memref<200x128xf32, #tpu.memory_space<vmem>>, vector<1x16xf32>,
        %parallel_loop3A_353 = arith.constant 3 : i32
        %parallel_loop3A_354 = arith.addi %parallel_loop3A_144, %parallel_loop3A_353 : i32
        %parallel_loop3A_355 = arith.index_cast %parallel_loop3A_354 : i32 to index
        %parallel_loop3A_356 = arith.constant 16 : index
        %parallel_loop3A_357 = tpu.vector_load %arg6[%parallel_loop3A_355, %parallel_loop3A_356] {strides = array<i32>} : memref<200x64xf32, #tpu.memory_space<vmem>>, vector<1x16xf32>,
        %parallel_loop3A_358 = vector.shape_cast %parallel_loop3A_357 : vector<1x16xf32> to vector<16xf32>
        %parallel_loop3A_359 = arith.constant 8.000000e+00 : f32
        %parallel_loop3A_360 = vector.broadcast %parallel_loop3A_359 : f32 to vector<16xf32>
        %parallel_loop3A_361 = arith.mulf %parallel_loop3A_358, %parallel_loop3A_360 : vector<16xf32>
        %parallel_loop3A_362 = arith.constant 3 : i32
        %parallel_loop3A_363 = arith.addi %parallel_loop3A_144, %parallel_loop3A_362 : i32
        %parallel_loop3A_364 = arith.index_cast %parallel_loop3A_363 : i32 to index
        %parallel_loop3A_365 = arith.constant 16 : index
        %parallel_loop3A_366 = tpu.vector_load %arg8[%parallel_loop3A_364, %parallel_loop3A_365] {strides = array<i32>} : memref<200x128xf32, #tpu.memory_space<vmem>>, vector<1x16xf32>,
        %parallel_loop3A_367 = vector.shape_cast %parallel_loop3A_366 : vector<1x16xf32> to vector<16xf32>
        %parallel_loop3A_368 = vector.shape_cast %parallel_loop3A_361 : vector<16xf32> to vector<1x16xf32>
        tpu.vector_store %arg8[%parallel_loop3A_364, %parallel_loop3A_365], %parallel_loop3A_368 {strides = array<i32>} : memref<200x128xf32, #tpu.memory_space<vmem>>, vector<1x16xf32>,
        %parallel_loop3A_369 = arith.constant 3 : i32
        %parallel_loop3A_370 = arith.addi %parallel_loop3A_144, %parallel_loop3A_369 : i32
        %parallel_loop3A_371 = arith.index_cast %parallel_loop3A_370 : i32 to index
        %parallel_loop3A_372 = arith.constant 32 : index
        %parallel_loop3A_373 = tpu.vector_load %arg6[%parallel_loop3A_371, %parallel_loop3A_372] {strides = array<i32>} : memref<200x64xf32, #tpu.memory_space<vmem>>, vector<1x16xf32>,
        %parallel_loop3A_374 = vector.shape_cast %parallel_loop3A_373 : vector<1x16xf32> to vector<16xf32>
        %parallel_loop3A_375 = arith.constant 8.000000e+00 : f32
        %parallel_loop3A_376 = vector.broadcast %parallel_loop3A_375 : f32 to vector<16xf32>
        %parallel_loop3A_377 = arith.mulf %parallel_loop3A_374, %parallel_loop3A_376 : vector<16xf32>
        %parallel_loop3A_378 = arith.constant 3 : i32
        %parallel_loop3A_379 = arith.addi %parallel_loop3A_144, %parallel_loop3A_378 : i32
        %parallel_loop3A_380 = arith.index_cast %parallel_loop3A_379 : i32 to index
        %parallel_loop3A_381 = arith.constant 32 : index
        %parallel_loop3A_382 = tpu.vector_load %arg8[%parallel_loop3A_380, %parallel_loop3A_381] {strides = array<i32>} : memref<200x128xf32, #tpu.memory_space<vmem>>, vector<1x16xf32>,
        %parallel_loop3A_383 = vector.shape_cast %parallel_loop3A_382 : vector<1x16xf32> to vector<16xf32>
        %parallel_loop3A_384 = vector.shape_cast %parallel_loop3A_377 : vector<16xf32> to vector<1x16xf32>
        tpu.vector_store %arg8[%parallel_loop3A_380, %parallel_loop3A_381], %parallel_loop3A_384 {strides = array<i32>} : memref<200x128xf32, #tpu.memory_space<vmem>>, vector<1x16xf32>,
        %parallel_loop3A_385 = arith.constant 3 : i32
        %parallel_loop3A_386 = arith.addi %parallel_loop3A_144, %parallel_loop3A_385 : i32
        %parallel_loop3A_387 = arith.index_cast %parallel_loop3A_386 : i32 to index
        %parallel_loop3A_388 = arith.constant 48 : index
        %parallel_loop3A_389 = tpu.vector_load %arg6[%parallel_loop3A_387, %parallel_loop3A_388] {strides = array<i32>} : memref<200x64xf32, #tpu.memory_space<vmem>>, vector<1x16xf32>,
        %parallel_loop3A_390 = vector.shape_cast %parallel_loop3A_389 : vector<1x16xf32> to vector<16xf32>
        %parallel_loop3A_391 = arith.constant 8.000000e+00 : f32
        %parallel_loop3A_392 = vector.broadcast %parallel_loop3A_391 : f32 to vector<16xf32>
        %parallel_loop3A_393 = arith.mulf %parallel_loop3A_390, %parallel_loop3A_392 : vector<16xf32>
        %parallel_loop3A_394 = arith.constant 3 : i32
        %parallel_loop3A_395 = arith.addi %parallel_loop3A_144, %parallel_loop3A_394 : i32
        %parallel_loop3A_396 = arith.index_cast %parallel_loop3A_395 : i32 to index
        %parallel_loop3A_397 = arith.constant 48 : index
        %parallel_loop3A_398 = tpu.vector_load %arg8[%parallel_loop3A_396, %parallel_loop3A_397] {strides = array<i32>} : memref<200x128xf32, #tpu.memory_space<vmem>>, vector<1x16xf32>,
        %parallel_loop3A_399 = vector.shape_cast %parallel_loop3A_398 : vector<1x16xf32> to vector<16xf32>
        %parallel_loop3A_400 = vector.shape_cast %parallel_loop3A_393 : vector<16xf32> to vector<1x16xf32>
        tpu.vector_store %arg8[%parallel_loop3A_396, %parallel_loop3A_397], %parallel_loop3A_400 {strides = array<i32>} : memref<200x128xf32, #tpu.memory_space<vmem>>, vector<1x16xf32>,
        %parallel_loop3A_401 = arith.constant 4 : i32
        %parallel_loop3A_402 = arith.addi %parallel_loop3A_144, %parallel_loop3A_401 : i32
        %parallel_loop3A_403 = arith.index_cast %parallel_loop3A_402 : i32 to index
        %parallel_loop3A_404 = arith.constant 0 : index
        %parallel_loop3A_405 = tpu.vector_load %arg6[%parallel_loop3A_403, %parallel_loop3A_404] {strides = array<i32>} : memref<200x64xf32, #tpu.memory_space<vmem>>, vector<1x16xf32>,
        %parallel_loop3A_406 = vector.shape_cast %parallel_loop3A_405 : vector<1x16xf32> to vector<16xf32>
        %parallel_loop3A_407 = arith.constant 8.000000e+00 : f32
        %parallel_loop3A_408 = vector.broadcast %parallel_loop3A_407 : f32 to vector<16xf32>
        %parallel_loop3A_409 = arith.mulf %parallel_loop3A_406, %parallel_loop3A_408 : vector<16xf32>
        %parallel_loop3A_410 = arith.constant 4 : i32
        %parallel_loop3A_411 = arith.addi %parallel_loop3A_144, %parallel_loop3A_410 : i32
        %parallel_loop3A_412 = arith.index_cast %parallel_loop3A_411 : i32 to index
        %parallel_loop3A_413 = arith.constant 0 : index
        %parallel_loop3A_414 = tpu.vector_load %arg8[%parallel_loop3A_412, %parallel_loop3A_413] {strides = array<i32>} : memref<200x128xf32, #tpu.memory_space<vmem>>, vector<1x16xf32>,
        %parallel_loop3A_415 = vector.shape_cast %parallel_loop3A_414 : vector<1x16xf32> to vector<16xf32>
        %parallel_loop3A_416 = vector.shape_cast %parallel_loop3A_409 : vector<16xf32> to vector<1x16xf32>
        tpu.vector_store %arg8[%parallel_loop3A_412, %parallel_loop3A_413], %parallel_loop3A_416 {strides = array<i32>} : memref<200x128xf32, #tpu.memory_space<vmem>>, vector<1x16xf32>,
        %parallel_loop3A_417 = arith.constant 4 : i32
        %parallel_loop3A_418 = arith.addi %parallel_loop3A_144, %parallel_loop3A_417 : i32
        %parallel_loop3A_419 = arith.index_cast %parallel_loop3A_418 : i32 to index
        %parallel_loop3A_420 = arith.constant 16 : index
        %parallel_loop3A_421 = tpu.vector_load %arg6[%parallel_loop3A_419, %parallel_loop3A_420] {strides = array<i32>} : memref<200x64xf32, #tpu.memory_space<vmem>>, vector<1x16xf32>,
        %parallel_loop3A_422 = vector.shape_cast %parallel_loop3A_421 : vector<1x16xf32> to vector<16xf32>
        %parallel_loop3A_423 = arith.constant 8.000000e+00 : f32
        %parallel_loop3A_424 = vector.broadcast %parallel_loop3A_423 : f32 to vector<16xf32>
        %parallel_loop3A_425 = arith.mulf %parallel_loop3A_422, %parallel_loop3A_424 : vector<16xf32>
        %parallel_loop3A_426 = arith.constant 4 : i32
        %parallel_loop3A_427 = arith.addi %parallel_loop3A_144, %parallel_loop3A_426 : i32
        %parallel_loop3A_428 = arith.index_cast %parallel_loop3A_427 : i32 to index
        %parallel_loop3A_429 = arith.constant 16 : index
        %parallel_loop3A_430 = tpu.vector_load %arg8[%parallel_loop3A_428, %parallel_loop3A_429] {strides = array<i32>} : memref<200x128xf32, #tpu.memory_space<vmem>>, vector<1x16xf32>,
        %parallel_loop3A_431 = vector.shape_cast %parallel_loop3A_430 : vector<1x16xf32> to vector<16xf32>
        %parallel_loop3A_432 = vector.shape_cast %parallel_loop3A_425 : vector<16xf32> to vector<1x16xf32>
        tpu.vector_store %arg8[%parallel_loop3A_428, %parallel_loop3A_429], %parallel_loop3A_432 {strides = array<i32>} : memref<200x128xf32, #tpu.memory_space<vmem>>, vector<1x16xf32>,
        %parallel_loop3A_433 = arith.constant 4 : i32
        %parallel_loop3A_434 = arith.addi %parallel_loop3A_144, %parallel_loop3A_433 : i32
        %parallel_loop3A_435 = arith.index_cast %parallel_loop3A_434 : i32 to index
        %parallel_loop3A_436 = arith.constant 32 : index
        %parallel_loop3A_437 = tpu.vector_load %arg6[%parallel_loop3A_435, %parallel_loop3A_436] {strides = array<i32>} : memref<200x64xf32, #tpu.memory_space<vmem>>, vector<1x16xf32>,
        %parallel_loop3A_438 = vector.shape_cast %parallel_loop3A_437 : vector<1x16xf32> to vector<16xf32>
        %parallel_loop3A_439 = arith.constant 8.000000e+00 : f32
        %parallel_loop3A_440 = vector.broadcast %parallel_loop3A_439 : f32 to vector<16xf32>
        %parallel_loop3A_441 = arith.mulf %parallel_loop3A_438, %parallel_loop3A_440 : vector<16xf32>
        %parallel_loop3A_442 = arith.constant 4 : i32
        %parallel_loop3A_443 = arith.addi %parallel_loop3A_144, %parallel_loop3A_442 : i32
        %parallel_loop3A_444 = arith.index_cast %parallel_loop3A_443 : i32 to index
        %parallel_loop3A_445 = arith.constant 32 : index
        %parallel_loop3A_446 = tpu.vector_load %arg8[%parallel_loop3A_444, %parallel_loop3A_445] {strides = array<i32>} : memref<200x128xf32, #tpu.memory_space<vmem>>, vector<1x16xf32>,
        %parallel_loop3A_447 = vector.shape_cast %parallel_loop3A_446 : vector<1x16xf32> to vector<16xf32>
        %parallel_loop3A_448 = vector.shape_cast %parallel_loop3A_441 : vector<16xf32> to vector<1x16xf32>
        tpu.vector_store %arg8[%parallel_loop3A_444, %parallel_loop3A_445], %parallel_loop3A_448 {strides = array<i32>} : memref<200x128xf32, #tpu.memory_space<vmem>>, vector<1x16xf32>,
        %parallel_loop3A_449 = arith.constant 4 : i32
        %parallel_loop3A_450 = arith.addi %parallel_loop3A_144, %parallel_loop3A_449 : i32
        %parallel_loop3A_451 = arith.index_cast %parallel_loop3A_450 : i32 to index
        %parallel_loop3A_452 = arith.constant 48 : index
        %parallel_loop3A_453 = tpu.vector_load %arg6[%parallel_loop3A_451, %parallel_loop3A_452] {strides = array<i32>} : memref<200x64xf32, #tpu.memory_space<vmem>>, vector<1x16xf32>,
        %parallel_loop3A_454 = vector.shape_cast %parallel_loop3A_453 : vector<1x16xf32> to vector<16xf32>
        %parallel_loop3A_455 = arith.constant 8.000000e+00 : f32
        %parallel_loop3A_456 = vector.broadcast %parallel_loop3A_455 : f32 to vector<16xf32>
        %parallel_loop3A_457 = arith.mulf %parallel_loop3A_454, %parallel_loop3A_456 : vector<16xf32>
        %parallel_loop3A_458 = arith.constant 4 : i32
        %parallel_loop3A_459 = arith.addi %parallel_loop3A_144, %parallel_loop3A_458 : i32
        %parallel_loop3A_460 = arith.index_cast %parallel_loop3A_459 : i32 to index
        %parallel_loop3A_461 = arith.constant 48 : index
        %parallel_loop3A_462 = tpu.vector_load %arg8[%parallel_loop3A_460, %parallel_loop3A_461] {strides = array<i32>} : memref<200x128xf32, #tpu.memory_space<vmem>>, vector<1x16xf32>,
        %parallel_loop3A_463 = vector.shape_cast %parallel_loop3A_462 : vector<1x16xf32> to vector<16xf32>
        %parallel_loop3A_464 = vector.shape_cast %parallel_loop3A_457 : vector<16xf32> to vector<1x16xf32>
        tpu.vector_store %arg8[%parallel_loop3A_460, %parallel_loop3A_461], %parallel_loop3A_464 {strides = array<i32>} : memref<200x128xf32, #tpu.memory_space<vmem>>, vector<1x16xf32>,
        %parallel_loop3A_465 = arith.constant 5 : i32
        %parallel_loop3A_466 = arith.addi %parallel_loop3A_144, %parallel_loop3A_465 : i32
        %parallel_loop3A_467 = arith.index_cast %parallel_loop3A_466 : i32 to index
        %parallel_loop3A_468 = arith.constant 0 : index
        %parallel_loop3A_469 = tpu.vector_load %arg6[%parallel_loop3A_467, %parallel_loop3A_468] {strides = array<i32>} : memref<200x64xf32, #tpu.memory_space<vmem>>, vector<1x16xf32>,
        %parallel_loop3A_470 = vector.shape_cast %parallel_loop3A_469 : vector<1x16xf32> to vector<16xf32>
        %parallel_loop3A_471 = arith.constant 8.000000e+00 : f32
        %parallel_loop3A_472 = vector.broadcast %parallel_loop3A_471 : f32 to vector<16xf32>
        %parallel_loop3A_473 = arith.mulf %parallel_loop3A_470, %parallel_loop3A_472 : vector<16xf32>
        %parallel_loop3A_474 = arith.constant 5 : i32
        %parallel_loop3A_475 = arith.addi %parallel_loop3A_144, %parallel_loop3A_474 : i32
        %parallel_loop3A_476 = arith.index_cast %parallel_loop3A_475 : i32 to index
        %parallel_loop3A_477 = arith.constant 0 : index
        %parallel_loop3A_478 = tpu.vector_load %arg8[%parallel_loop3A_476, %parallel_loop3A_477] {strides = array<i32>} : memref<200x128xf32, #tpu.memory_space<vmem>>, vector<1x16xf32>,
        %parallel_loop3A_479 = vector.shape_cast %parallel_loop3A_478 : vector<1x16xf32> to vector<16xf32>
        %parallel_loop3A_480 = vector.shape_cast %parallel_loop3A_473 : vector<16xf32> to vector<1x16xf32>
        tpu.vector_store %arg8[%parallel_loop3A_476, %parallel_loop3A_477], %parallel_loop3A_480 {strides = array<i32>} : memref<200x128xf32, #tpu.memory_space<vmem>>, vector<1x16xf32>,
        %parallel_loop3A_481 = arith.constant 5 : i32
        %parallel_loop3A_482 = arith.addi %parallel_loop3A_144, %parallel_loop3A_481 : i32
        %parallel_loop3A_483 = arith.index_cast %parallel_loop3A_482 : i32 to index
        %parallel_loop3A_484 = arith.constant 16 : index
        %parallel_loop3A_485 = tpu.vector_load %arg6[%parallel_loop3A_483, %parallel_loop3A_484] {strides = array<i32>} : memref<200x64xf32, #tpu.memory_space<vmem>>, vector<1x16xf32>,
        %parallel_loop3A_486 = vector.shape_cast %parallel_loop3A_485 : vector<1x16xf32> to vector<16xf32>
        %parallel_loop3A_487 = arith.constant 8.000000e+00 : f32
        %parallel_loop3A_488 = vector.broadcast %parallel_loop3A_487 : f32 to vector<16xf32>
        %parallel_loop3A_489 = arith.mulf %parallel_loop3A_486, %parallel_loop3A_488 : vector<16xf32>
        %parallel_loop3A_490 = arith.constant 5 : i32
        %parallel_loop3A_491 = arith.addi %parallel_loop3A_144, %parallel_loop3A_490 : i32
        %parallel_loop3A_492 = arith.index_cast %parallel_loop3A_491 : i32 to index
        %parallel_loop3A_493 = arith.constant 16 : index
        %parallel_loop3A_494 = tpu.vector_load %arg8[%parallel_loop3A_492, %parallel_loop3A_493] {strides = array<i32>} : memref<200x128xf32, #tpu.memory_space<vmem>>, vector<1x16xf32>,
        %parallel_loop3A_495 = vector.shape_cast %parallel_loop3A_494 : vector<1x16xf32> to vector<16xf32>
        %parallel_loop3A_496 = vector.shape_cast %parallel_loop3A_489 : vector<16xf32> to vector<1x16xf32>
        tpu.vector_store %arg8[%parallel_loop3A_492, %parallel_loop3A_493], %parallel_loop3A_496 {strides = array<i32>} : memref<200x128xf32, #tpu.memory_space<vmem>>, vector<1x16xf32>,
        %parallel_loop3A_497 = arith.constant 5 : i32
        %parallel_loop3A_498 = arith.addi %parallel_loop3A_144, %parallel_loop3A_497 : i32
        %parallel_loop3A_499 = arith.index_cast %parallel_loop3A_498 : i32 to index
        %parallel_loop3A_500 = arith.constant 32 : index
        %parallel_loop3A_501 = tpu.vector_load %arg6[%parallel_loop3A_499, %parallel_loop3A_500] {strides = array<i32>} : memref<200x64xf32, #tpu.memory_space<vmem>>, vector<1x16xf32>,
        %parallel_loop3A_502 = vector.shape_cast %parallel_loop3A_501 : vector<1x16xf32> to vector<16xf32>
        %parallel_loop3A_503 = arith.constant 8.000000e+00 : f32
        %parallel_loop3A_504 = vector.broadcast %parallel_loop3A_503 : f32 to vector<16xf32>
        %parallel_loop3A_505 = arith.mulf %parallel_loop3A_502, %parallel_loop3A_504 : vector<16xf32>
        %parallel_loop3A_506 = arith.constant 5 : i32
        %parallel_loop3A_507 = arith.addi %parallel_loop3A_144, %parallel_loop3A_506 : i32
        %parallel_loop3A_508 = arith.index_cast %parallel_loop3A_507 : i32 to index
        %parallel_loop3A_509 = arith.constant 32 : index
        %parallel_loop3A_510 = tpu.vector_load %arg8[%parallel_loop3A_508, %parallel_loop3A_509] {strides = array<i32>} : memref<200x128xf32, #tpu.memory_space<vmem>>, vector<1x16xf32>,
        %parallel_loop3A_511 = vector.shape_cast %parallel_loop3A_510 : vector<1x16xf32> to vector<16xf32>
        %parallel_loop3A_512 = vector.shape_cast %parallel_loop3A_505 : vector<16xf32> to vector<1x16xf32>
        tpu.vector_store %arg8[%parallel_loop3A_508, %parallel_loop3A_509], %parallel_loop3A_512 {strides = array<i32>} : memref<200x128xf32, #tpu.memory_space<vmem>>, vector<1x16xf32>,
        %parallel_loop3A_513 = arith.constant 5 : i32
        %parallel_loop3A_514 = arith.addi %parallel_loop3A_144, %parallel_loop3A_513 : i32
        %parallel_loop3A_515 = arith.index_cast %parallel_loop3A_514 : i32 to index
        %parallel_loop3A_516 = arith.constant 48 : index
        %parallel_loop3A_517 = tpu.vector_load %arg6[%parallel_loop3A_515, %parallel_loop3A_516] {strides = array<i32>} : memref<200x64xf32, #tpu.memory_space<vmem>>, vector<1x16xf32>,
        %parallel_loop3A_518 = vector.shape_cast %parallel_loop3A_517 : vector<1x16xf32> to vector<16xf32>
        %parallel_loop3A_519 = arith.constant 8.000000e+00 : f32
        %parallel_loop3A_520 = vector.broadcast %parallel_loop3A_519 : f32 to vector<16xf32>
        %parallel_loop3A_521 = arith.mulf %parallel_loop3A_518, %parallel_loop3A_520 : vector<16xf32>
        %parallel_loop3A_522 = arith.constant 5 : i32
        %parallel_loop3A_523 = arith.addi %parallel_loop3A_144, %parallel_loop3A_522 : i32
        %parallel_loop3A_524 = arith.index_cast %parallel_loop3A_523 : i32 to index
        %parallel_loop3A_525 = arith.constant 48 : index
        %parallel_loop3A_526 = tpu.vector_load %arg8[%parallel_loop3A_524, %parallel_loop3A_525] {strides = array<i32>} : memref<200x128xf32, #tpu.memory_space<vmem>>, vector<1x16xf32>,
        %parallel_loop3A_527 = vector.shape_cast %parallel_loop3A_526 : vector<1x16xf32> to vector<16xf32>
        %parallel_loop3A_528 = vector.shape_cast %parallel_loop3A_521 : vector<16xf32> to vector<1x16xf32>
        tpu.vector_store %arg8[%parallel_loop3A_524, %parallel_loop3A_525], %parallel_loop3A_528 {strides = array<i32>} : memref<200x128xf32, #tpu.memory_space<vmem>>, vector<1x16xf32>,
        %parallel_loop3A_529 = arith.constant 6 : i32
        %parallel_loop3A_530 = arith.addi %parallel_loop3A_144, %parallel_loop3A_529 : i32
        %parallel_loop3A_531 = arith.index_cast %parallel_loop3A_530 : i32 to index
        %parallel_loop3A_532 = arith.constant 0 : index
        %parallel_loop3A_533 = tpu.vector_load %arg6[%parallel_loop3A_531, %parallel_loop3A_532] {strides = array<i32>} : memref<200x64xf32, #tpu.memory_space<vmem>>, vector<1x16xf32>,
        %parallel_loop3A_534 = vector.shape_cast %parallel_loop3A_533 : vector<1x16xf32> to vector<16xf32>
        %parallel_loop3A_535 = arith.constant 8.000000e+00 : f32
        %parallel_loop3A_536 = vector.broadcast %parallel_loop3A_535 : f32 to vector<16xf32>
        %parallel_loop3A_537 = arith.mulf %parallel_loop3A_534, %parallel_loop3A_536 : vector<16xf32>
        %parallel_loop3A_538 = arith.constant 6 : i32
        %parallel_loop3A_539 = arith.addi %parallel_loop3A_144, %parallel_loop3A_538 : i32
        %parallel_loop3A_540 = arith.index_cast %parallel_loop3A_539 : i32 to index
        %parallel_loop3A_541 = arith.constant 0 : index
        %parallel_loop3A_542 = tpu.vector_load %arg8[%parallel_loop3A_540, %parallel_loop3A_541] {strides = array<i32>} : memref<200x128xf32, #tpu.memory_space<vmem>>, vector<1x16xf32>,
        %parallel_loop3A_543 = vector.shape_cast %parallel_loop3A_542 : vector<1x16xf32> to vector<16xf32>
        %parallel_loop3A_544 = vector.shape_cast %parallel_loop3A_537 : vector<16xf32> to vector<1x16xf32>
        tpu.vector_store %arg8[%parallel_loop3A_540, %parallel_loop3A_541], %parallel_loop3A_544 {strides = array<i32>} : memref<200x128xf32, #tpu.memory_space<vmem>>, vector<1x16xf32>,
        %parallel_loop3A_545 = arith.constant 6 : i32
        %parallel_loop3A_546 = arith.addi %parallel_loop3A_144, %parallel_loop3A_545 : i32
        %parallel_loop3A_547 = arith.index_cast %parallel_loop3A_546 : i32 to index
        %parallel_loop3A_548 = arith.constant 16 : index
        %parallel_loop3A_549 = tpu.vector_load %arg6[%parallel_loop3A_547, %parallel_loop3A_548] {strides = array<i32>} : memref<200x64xf32, #tpu.memory_space<vmem>>, vector<1x16xf32>,
        %parallel_loop3A_550 = vector.shape_cast %parallel_loop3A_549 : vector<1x16xf32> to vector<16xf32>
        %parallel_loop3A_551 = arith.constant 8.000000e+00 : f32
        %parallel_loop3A_552 = vector.broadcast %parallel_loop3A_551 : f32 to vector<16xf32>
        %parallel_loop3A_553 = arith.mulf %parallel_loop3A_550, %parallel_loop3A_552 : vector<16xf32>
        %parallel_loop3A_554 = arith.constant 6 : i32
        %parallel_loop3A_555 = arith.addi %parallel_loop3A_144, %parallel_loop3A_554 : i32
        %parallel_loop3A_556 = arith.index_cast %parallel_loop3A_555 : i32 to index
        %parallel_loop3A_557 = arith.constant 16 : index
        %parallel_loop3A_558 = tpu.vector_load %arg8[%parallel_loop3A_556, %parallel_loop3A_557] {strides = array<i32>} : memref<200x128xf32, #tpu.memory_space<vmem>>, vector<1x16xf32>,
        %parallel_loop3A_559 = vector.shape_cast %parallel_loop3A_558 : vector<1x16xf32> to vector<16xf32>
        %parallel_loop3A_560 = vector.shape_cast %parallel_loop3A_553 : vector<16xf32> to vector<1x16xf32>
        tpu.vector_store %arg8[%parallel_loop3A_556, %parallel_loop3A_557], %parallel_loop3A_560 {strides = array<i32>} : memref<200x128xf32, #tpu.memory_space<vmem>>, vector<1x16xf32>,
        %parallel_loop3A_561 = arith.constant 6 : i32
        %parallel_loop3A_562 = arith.addi %parallel_loop3A_144, %parallel_loop3A_561 : i32
        %parallel_loop3A_563 = arith.index_cast %parallel_loop3A_562 : i32 to index
        %parallel_loop3A_564 = arith.constant 32 : index
        %parallel_loop3A_565 = tpu.vector_load %arg6[%parallel_loop3A_563, %parallel_loop3A_564] {strides = array<i32>} : memref<200x64xf32, #tpu.memory_space<vmem>>, vector<1x16xf32>,
        %parallel_loop3A_566 = vector.shape_cast %parallel_loop3A_565 : vector<1x16xf32> to vector<16xf32>
        %parallel_loop3A_567 = arith.constant 8.000000e+00 : f32
        %parallel_loop3A_568 = vector.broadcast %parallel_loop3A_567 : f32 to vector<16xf32>
        %parallel_loop3A_569 = arith.mulf %parallel_loop3A_566, %parallel_loop3A_568 : vector<16xf32>
        %parallel_loop3A_570 = arith.constant 6 : i32
        %parallel_loop3A_571 = arith.addi %parallel_loop3A_144, %parallel_loop3A_570 : i32
        %parallel_loop3A_572 = arith.index_cast %parallel_loop3A_571 : i32 to index
        %parallel_loop3A_573 = arith.constant 32 : index
        %parallel_loop3A_574 = tpu.vector_load %arg8[%parallel_loop3A_572, %parallel_loop3A_573] {strides = array<i32>} : memref<200x128xf32, #tpu.memory_space<vmem>>, vector<1x16xf32>,
        %parallel_loop3A_575 = vector.shape_cast %parallel_loop3A_574 : vector<1x16xf32> to vector<16xf32>
        %parallel_loop3A_576 = vector.shape_cast %parallel_loop3A_569 : vector<16xf32> to vector<1x16xf32>
        tpu.vector_store %arg8[%parallel_loop3A_572, %parallel_loop3A_573], %parallel_loop3A_576 {strides = array<i32>} : memref<200x128xf32, #tpu.memory_space<vmem>>, vector<1x16xf32>,
        %parallel_loop3A_577 = arith.constant 6 : i32
        %parallel_loop3A_578 = arith.addi %parallel_loop3A_144, %parallel_loop3A_577 : i32
        %parallel_loop3A_579 = arith.index_cast %parallel_loop3A_578 : i32 to index
        %parallel_loop3A_580 = arith.constant 48 : index
        %parallel_loop3A_581 = tpu.vector_load %arg6[%parallel_loop3A_579, %parallel_loop3A_580] {strides = array<i32>} : memref<200x64xf32, #tpu.memory_space<vmem>>, vector<1x16xf32>,
        %parallel_loop3A_582 = vector.shape_cast %parallel_loop3A_581 : vector<1x16xf32> to vector<16xf32>
        %parallel_loop3A_583 = arith.constant 8.000000e+00 : f32
        %parallel_loop3A_584 = vector.broadcast %parallel_loop3A_583 : f32 to vector<16xf32>
        %parallel_loop3A_585 = arith.mulf %parallel_loop3A_582, %parallel_loop3A_584 : vector<16xf32>
        %parallel_loop3A_586 = arith.constant 6 : i32
        %parallel_loop3A_587 = arith.addi %parallel_loop3A_144, %parallel_loop3A_586 : i32
        %parallel_loop3A_588 = arith.index_cast %parallel_loop3A_587 : i32 to index
        %parallel_loop3A_589 = arith.constant 48 : index
        %parallel_loop3A_590 = tpu.vector_load %arg8[%parallel_loop3A_588, %parallel_loop3A_589] {strides = array<i32>} : memref<200x128xf32, #tpu.memory_space<vmem>>, vector<1x16xf32>,
        %parallel_loop3A_591 = vector.shape_cast %parallel_loop3A_590 : vector<1x16xf32> to vector<16xf32>
        %parallel_loop3A_592 = vector.shape_cast %parallel_loop3A_585 : vector<16xf32> to vector<1x16xf32>
        tpu.vector_store %arg8[%parallel_loop3A_588, %parallel_loop3A_589], %parallel_loop3A_592 {strides = array<i32>} : memref<200x128xf32, #tpu.memory_space<vmem>>, vector<1x16xf32>,
        %parallel_loop3A_593 = arith.constant 7 : i32
        %parallel_loop3A_594 = arith.addi %parallel_loop3A_144, %parallel_loop3A_593 : i32
        %parallel_loop3A_595 = arith.index_cast %parallel_loop3A_594 : i32 to index
        %parallel_loop3A_596 = arith.constant 0 : index
        %parallel_loop3A_597 = tpu.vector_load %arg6[%parallel_loop3A_595, %parallel_loop3A_596] {strides = array<i32>} : memref<200x64xf32, #tpu.memory_space<vmem>>, vector<1x16xf32>,
        %parallel_loop3A_598 = vector.shape_cast %parallel_loop3A_597 : vector<1x16xf32> to vector<16xf32>
        %parallel_loop3A_599 = arith.constant 8.000000e+00 : f32
        %parallel_loop3A_600 = vector.broadcast %parallel_loop3A_599 : f32 to vector<16xf32>
        %parallel_loop3A_601 = arith.mulf %parallel_loop3A_598, %parallel_loop3A_600 : vector<16xf32>
        %parallel_loop3A_602 = arith.constant 7 : i32
        %parallel_loop3A_603 = arith.addi %parallel_loop3A_144, %parallel_loop3A_602 : i32
        %parallel_loop3A_604 = arith.index_cast %parallel_loop3A_603 : i32 to index
        %parallel_loop3A_605 = arith.constant 0 : index
        %parallel_loop3A_606 = tpu.vector_load %arg8[%parallel_loop3A_604, %parallel_loop3A_605] {strides = array<i32>} : memref<200x128xf32, #tpu.memory_space<vmem>>, vector<1x16xf32>,
        %parallel_loop3A_607 = vector.shape_cast %parallel_loop3A_606 : vector<1x16xf32> to vector<16xf32>
        %parallel_loop3A_608 = vector.shape_cast %parallel_loop3A_601 : vector<16xf32> to vector<1x16xf32>
        tpu.vector_store %arg8[%parallel_loop3A_604, %parallel_loop3A_605], %parallel_loop3A_608 {strides = array<i32>} : memref<200x128xf32, #tpu.memory_space<vmem>>, vector<1x16xf32>,
        %parallel_loop3A_609 = arith.constant 7 : i32
        %parallel_loop3A_610 = arith.addi %parallel_loop3A_144, %parallel_loop3A_609 : i32
        %parallel_loop3A_611 = arith.index_cast %parallel_loop3A_610 : i32 to index
        %parallel_loop3A_612 = arith.constant 16 : index
        %parallel_loop3A_613 = tpu.vector_load %arg6[%parallel_loop3A_611, %parallel_loop3A_612] {strides = array<i32>} : memref<200x64xf32, #tpu.memory_space<vmem>>, vector<1x16xf32>,
        %parallel_loop3A_614 = vector.shape_cast %parallel_loop3A_613 : vector<1x16xf32> to vector<16xf32>
        %parallel_loop3A_615 = arith.constant 8.000000e+00 : f32
        %parallel_loop3A_616 = vector.broadcast %parallel_loop3A_615 : f32 to vector<16xf32>
        %parallel_loop3A_617 = arith.mulf %parallel_loop3A_614, %parallel_loop3A_616 : vector<16xf32>
        %parallel_loop3A_618 = arith.constant 7 : i32
        %parallel_loop3A_619 = arith.addi %parallel_loop3A_144, %parallel_loop3A_618 : i32
        %parallel_loop3A_620 = arith.index_cast %parallel_loop3A_619 : i32 to index
        %parallel_loop3A_621 = arith.constant 16 : index
        %parallel_loop3A_622 = tpu.vector_load %arg8[%parallel_loop3A_620, %parallel_loop3A_621] {strides = array<i32>} : memref<200x128xf32, #tpu.memory_space<vmem>>, vector<1x16xf32>,
        %parallel_loop3A_623 = vector.shape_cast %parallel_loop3A_622 : vector<1x16xf32> to vector<16xf32>
        %parallel_loop3A_624 = vector.shape_cast %parallel_loop3A_617 : vector<16xf32> to vector<1x16xf32>
        tpu.vector_store %arg8[%parallel_loop3A_620, %parallel_loop3A_621], %parallel_loop3A_624 {strides = array<i32>} : memref<200x128xf32, #tpu.memory_space<vmem>>, vector<1x16xf32>,
        %parallel_loop3A_625 = arith.constant 7 : i32
        %parallel_loop3A_626 = arith.addi %parallel_loop3A_144, %parallel_loop3A_625 : i32
        %parallel_loop3A_627 = arith.index_cast %parallel_loop3A_626 : i32 to index
        %parallel_loop3A_628 = arith.constant 32 : index
        %parallel_loop3A_629 = tpu.vector_load %arg6[%parallel_loop3A_627, %parallel_loop3A_628] {strides = array<i32>} : memref<200x64xf32, #tpu.memory_space<vmem>>, vector<1x16xf32>,
        %parallel_loop3A_630 = vector.shape_cast %parallel_loop3A_629 : vector<1x16xf32> to vector<16xf32>
        %parallel_loop3A_631 = arith.constant 8.000000e+00 : f32
        %parallel_loop3A_632 = vector.broadcast %parallel_loop3A_631 : f32 to vector<16xf32>
        %parallel_loop3A_633 = arith.mulf %parallel_loop3A_630, %parallel_loop3A_632 : vector<16xf32>
        %parallel_loop3A_634 = arith.constant 7 : i32
        %parallel_loop3A_635 = arith.addi %parallel_loop3A_144, %parallel_loop3A_634 : i32
        %parallel_loop3A_636 = arith.index_cast %parallel_loop3A_635 : i32 to index
        %parallel_loop3A_637 = arith.constant 32 : index
        %parallel_loop3A_638 = tpu.vector_load %arg8[%parallel_loop3A_636, %parallel_loop3A_637] {strides = array<i32>} : memref<200x128xf32, #tpu.memory_space<vmem>>, vector<1x16xf32>,
        %parallel_loop3A_639 = vector.shape_cast %parallel_loop3A_638 : vector<1x16xf32> to vector<16xf32>
        %parallel_loop3A_640 = vector.shape_cast %parallel_loop3A_633 : vector<16xf32> to vector<1x16xf32>
        tpu.vector_store %arg8[%parallel_loop3A_636, %parallel_loop3A_637], %parallel_loop3A_640 {strides = array<i32>} : memref<200x128xf32, #tpu.memory_space<vmem>>, vector<1x16xf32>,
        %parallel_loop3A_641 = arith.constant 7 : i32
        %parallel_loop3A_642 = arith.addi %parallel_loop3A_144, %parallel_loop3A_641 : i32
        %parallel_loop3A_643 = arith.index_cast %parallel_loop3A_642 : i32 to index
        %parallel_loop3A_644 = arith.constant 48 : index
        %parallel_loop3A_645 = tpu.vector_load %arg6[%parallel_loop3A_643, %parallel_loop3A_644] {strides = array<i32>} : memref<200x64xf32, #tpu.memory_space<vmem>>, vector<1x16xf32>,
        %parallel_loop3A_646 = vector.shape_cast %parallel_loop3A_645 : vector<1x16xf32> to vector<16xf32>
        %parallel_loop3A_647 = arith.constant 8.000000e+00 : f32
        %parallel_loop3A_648 = vector.broadcast %parallel_loop3A_647 : f32 to vector<16xf32>
        %parallel_loop3A_649 = arith.mulf %parallel_loop3A_646, %parallel_loop3A_648 : vector<16xf32>
        %parallel_loop3A_650 = arith.constant 7 : i32
        %parallel_loop3A_651 = arith.addi %parallel_loop3A_144, %parallel_loop3A_650 : i32
        %parallel_loop3A_652 = arith.index_cast %parallel_loop3A_651 : i32 to index
        %parallel_loop3A_653 = arith.constant 48 : index
        %parallel_loop3A_654 = tpu.vector_load %arg8[%parallel_loop3A_652, %parallel_loop3A_653] {strides = array<i32>} : memref<200x128xf32, #tpu.memory_space<vmem>>, vector<1x16xf32>,
        %parallel_loop3A_655 = vector.shape_cast %parallel_loop3A_654 : vector<1x16xf32> to vector<16xf32>
        %parallel_loop3A_656 = vector.shape_cast %parallel_loop3A_649 : vector<16xf32> to vector<1x16xf32>
        tpu.vector_store %arg8[%parallel_loop3A_652, %parallel_loop3A_653], %parallel_loop3A_656 {strides = array<i32>} : memref<200x128xf32, #tpu.memory_space<vmem>>, vector<1x16xf32>,
      } {sc.loop_unroll_factor = 1 : i64, sc.parallel_access}
      %add3A_83 = arith.constant 2 : i32
      %add3A_84 = arith.addi %add3A_56, %add3A_83 : i32
      %lt3A = arith.constant 128 : i32
      %lt3A_85 = arith.cmpi slt, %add3A_84, %lt3A : i32
      %convert_element_type3A_86 = arith.extui %lt3A_85 : i1 to i32
      %cond3A_87 = arith.constant 0 : i32
      %cond3A_88 = arith.cmpi ne, %convert_element_type3A_86, %cond3A_87 : i32
      scf.if %cond3A_88 {
        %add3A_144 = arith.constant 2 : i32
        %add3A_145 = arith.addi %add3A_56, %add3A_144 : i32
        %mul3A_146 = arith.constant 200 : i32
        %mul3A_147 = arith.muli %add3A_145, %mul3A_146 : i32
        %add3A_148 = arith.constant 0 : i32
        %add3A_149 = arith.addi %mul3A_147, %add3A_148 : i32
        %dma_start3A_150 = arith.constant 0 : i32
        %dma_start3A_151 = arith.constant 0 : i32
        %dma_start3A_152 = tpu.memref_slice %arg6[%dma_start3A_150, %dma_start3A_151] : memref<200x64xf32, #tpu.memory_space<vmem>> -> memref<128x64xf32, #tpu.memory_space<vmem>>
        %dma_start3A_153 = tpu.memref_slice %arg5[%add3A_149] : memref<25600xi32, #tpu.memory_space<vmem>> -> memref<128xi32, #tpu.memory_space<vmem>>
        %dma_start3A_154 = arith.constant 0 : i32
        %dma_start3A_155 = arith.constant 0 : i32
        %dma_start3A_156 = tpu.memref_slice %arg3[%dma_start3A_154, %dma_start3A_155] : memref<1000000x64xf32, #tpu.memory_space<hbm>> -> memref<1000000x64xf32, #tpu.memory_space<hbm>>
        tpu.enqueue_indirect_dma source(%dma_start3A_156 : memref<1000000x64xf32, #tpu.memory_space<hbm>>) target(%dma_start3A_152 : memref<128x64xf32, #tpu.memory_space<vmem>>) offsets(%dma_start3A_153 : memref<128xi32, #tpu.memory_space<vmem>>) semaphore(%arg10 : memref<!tpu.dma_semaphore, #tpu.memory_space<semaphore_mem>>)
        %mul3A_157 = arith.constant 200 : i32
        %mul3A_158 = arith.muli %add3A_145, %mul3A_157 : i32
        %add3A_159 = arith.constant 128 : i32
        %add3A_160 = arith.addi %mul3A_158, %add3A_159 : i32
        %dma_start3A_161 = arith.constant 128 : i32
        %dma_start3A_162 = arith.constant 0 : i32
        %dma_start3A_163 = tpu.memref_slice %arg6[%dma_start3A_161, %dma_start3A_162] : memref<200x64xf32, #tpu.memory_space<vmem>> -> memref<72x64xf32, #tpu.memory_space<vmem>>
        %dma_start3A_164 = tpu.memref_slice %arg5[%add3A_160] : memref<25600xi32, #tpu.memory_space<vmem>> -> memref<72xi32, #tpu.memory_space<vmem>>
        %dma_start3A_165 = arith.constant 0 : i32
        %dma_start3A_166 = arith.constant 0 : i32
        %dma_start3A_167 = tpu.memref_slice %arg3[%dma_start3A_165, %dma_start3A_166] : memref<1000000x64xf32, #tpu.memory_space<hbm>> -> memref<1000000x64xf32, #tpu.memory_space<hbm>>
        tpu.enqueue_indirect_dma source(%dma_start3A_167 : memref<1000000x64xf32, #tpu.memory_space<hbm>>) target(%dma_start3A_163 : memref<72x64xf32, #tpu.memory_space<vmem>>) offsets(%dma_start3A_164 : memref<72xi32, #tpu.memory_space<vmem>>) semaphore(%arg10 : memref<!tpu.dma_semaphore, #tpu.memory_space<semaphore_mem>>)
      } else {
      }
      %mul3A_89 = arith.constant 200 : i32
      %mul3A_90 = arith.muli %add3A_56, %mul3A_89 : i32
      %add3A_91 = arith.addi %mul3A_2, %mul3A_90 : i32
      %dma_start3A_92 = arith.constant 0 : i32
      %dma_start3A_93 = tpu.memref_slice %arg4[%add3A_91, %dma_start3A_92] : memref<819200x128xf32, #tpu.memory_space<hbm>> -> memref<200x128xf32, #tpu.memory_space<hbm>>
      %dma_start3A_94 = arith.constant 0 : i32
      %dma_start3A_95 = tpu.memref_slice %arg4[%add3A_91, %dma_start3A_94] : memref<819200x128xf32, #tpu.memory_space<hbm>> -> memref<200x128xf32, #tpu.memory_space<hbm>>
      tpu.enqueue_dma source(%arg8 : memref<200x128xf32, #tpu.memory_space<vmem>>) target(%dma_start3A_95 : memref<200x128xf32, #tpu.memory_space<hbm>>) target_semaphore(%arg12 : memref<!tpu.dma_semaphore, #tpu.memory_space<semaphore_mem>>)
      %mul3A_96 = arith.constant 2 : i32
      %mul3A_97 = arith.muli %mul3A_96, %scan3A_52 : i32
      %add3A_98 = arith.constant 1 : i32
      %add3A_99 = arith.addi %mul3A_97, %add3A_98 : i32
      %mul3A_100 = arith.constant 200 : i32
      %mul3A_101 = arith.muli %add3A_99, %mul3A_100 : i32
      %add3A_102 = arith.constant 0 : i32
      %add3A_103 = arith.addi %mul3A_101, %add3A_102 : i32
      %dma_wait3A_104 = arith.constant 0 : i32
      %dma_wait3A_105 = arith.constant 0 : i32
      %dma_wait3A_106 = tpu.memref_slice %arg7[%dma_wait3A_104, %dma_wait3A_105] : memref<200x64xf32, #tpu.memory_space<vmem>> -> memref<128x64xf32, #tpu.memory_space<vmem>>
      %dma_wait3A_107 = tpu.memref_slice %arg5[%add3A_103] : memref<25600xi32, #tpu.memory_space<vmem>> -> memref<128xi32, #tpu.memory_space<vmem>>
      %dma_wait3A_108 = arith.constant 0 : i32
      %dma_wait3A_109 = arith.constant 0 : i32
      %dma_wait3A_110 = tpu.memref_slice %arg3[%dma_wait3A_108, %dma_wait3A_109] : memref<1000000x64xf32, #tpu.memory_space<hbm>> -> memref<1000000x64xf32, #tpu.memory_space<hbm>>
      tpu.wait_indirect_dma semaphore(%arg11 : memref<!tpu.dma_semaphore, #tpu.memory_space<semaphore_mem>>) src(%dma_wait3A_110 : memref<1000000x64xf32, #tpu.memory_space<hbm>>) dst(%dma_wait3A_106 : memref<128x64xf32, #tpu.memory_space<vmem>>)
      %mul3A_111 = arith.constant 200 : i32
      %mul3A_112 = arith.muli %add3A_99, %mul3A_111 : i32
      %add3A_113 = arith.constant 128 : i32
      %add3A_114 = arith.addi %mul3A_112, %add3A_113 : i32
      %dma_wait3A_115 = arith.constant 128 : i32
      %dma_wait3A_116 = arith.constant 0 : i32
      %dma_wait3A_117 = tpu.memref_slice %arg7[%dma_wait3A_115, %dma_wait3A_116] : memref<200x64xf32, #tpu.memory_space<vmem>> -> memref<72x64xf32, #tpu.memory_space<vmem>>
      %dma_wait3A_118 = tpu.memref_slice %arg5[%add3A_114] : memref<25600xi32, #tpu.memory_space<vmem>> -> memref<72xi32, #tpu.memory_space<vmem>>
      %dma_wait3A_119 = arith.constant 0 : i32
      %dma_wait3A_120 = arith.constant 0 : i32
      %dma_wait3A_121 = tpu.memref_slice %arg3[%dma_wait3A_119, %dma_wait3A_120] : memref<1000000x64xf32, #tpu.memory_space<hbm>> -> memref<1000000x64xf32, #tpu.memory_space<hbm>>
      tpu.wait_indirect_dma semaphore(%arg11 : memref<!tpu.dma_semaphore, #tpu.memory_space<semaphore_mem>>) src(%dma_wait3A_121 : memref<1000000x64xf32, #tpu.memory_space<hbm>>) dst(%dma_wait3A_117 : memref<72x64xf32, #tpu.memory_space<vmem>>)
      %ge3A_122 = arith.constant 2 : i32
      %ge3A_123 = arith.cmpi sge, %add3A_99, %ge3A_122 : i32
      %convert_element_type3A_124 = arith.extui %ge3A_123 : i1 to i32
      %cond3A_125 = arith.constant 0 : i32
      %cond3A_126 = arith.cmpi ne, %convert_element_type3A_124, %cond3A_125 : i32
      scf.if %cond3A_126 {
        %sub3A = arith.constant 2 : i32
        %sub3A_144 = arith.subi %add3A_99, %sub3A : i32
        %mul3A_145 = arith.constant 200 : i32
        %mul3A_146 = arith.muli %sub3A_144, %mul3A_145 : i32
        %add3A_147 = arith.addi %mul3A_2, %mul3A_146 : i32
        %dma_wait3A_148 = arith.constant 0 : i32
        %dma_wait3A_149 = tpu.memref_slice %arg4[%add3A_147, %dma_wait3A_148] : memref<819200x128xf32, #tpu.memory_space<hbm>> -> memref<200x128xf32, #tpu.memory_space<hbm>>
        %dma_wait3A_150 = arith.constant 0 : i32
        %dma_wait3A_151 = tpu.memref_slice %arg4[%add3A_147, %dma_wait3A_150] : memref<819200x128xf32, #tpu.memory_space<hbm>> -> memref<200x128xf32, #tpu.memory_space<hbm>>
        tpu.wait_dma2 semaphore(%arg13 : memref<!tpu.dma_semaphore, #tpu.memory_space<semaphore_mem>>) src(%arg9 : memref<200x128xf32, #tpu.memory_space<vmem>>) dst(%dma_wait3A_151 : memref<200x128xf32, #tpu.memory_space<hbm>>)
      } else {
      }
      %parallel_loop3A_127 = arith.constant 0 : i32
      %parallel_loop3A_128 = arith.constant 200 : i32
      %parallel_loop3A_129 = arith.constant 8 : i32
      scf.for %parallel_loop3A_144 = %parallel_loop3A_127 to %parallel_loop3A_128 step %parallel_loop3A_129  : i32 {
        %parallel_loop3A_145 = arith.constant 0 : i32
        %parallel_loop3A_146 = arith.addi %parallel_loop3A_144, %parallel_loop3A_145 : i32
        %parallel_loop3A_147 = arith.index_cast %parallel_loop3A_146 : i32 to index
        %parallel_loop3A_148 = arith.constant 0 : index
        %parallel_loop3A_149 = tpu.vector_load %arg7[%parallel_loop3A_147, %parallel_loop3A_148] {strides = array<i32>} : memref<200x64xf32, #tpu.memory_space<vmem>>, vector<1x16xf32>,
        %parallel_loop3A_150 = vector.shape_cast %parallel_loop3A_149 : vector<1x16xf32> to vector<16xf32>
        %parallel_loop3A_151 = arith.constant 8.000000e+00 : f32
        %parallel_loop3A_152 = vector.broadcast %parallel_loop3A_151 : f32 to vector<16xf32>
        %parallel_loop3A_153 = arith.mulf %parallel_loop3A_150, %parallel_loop3A_152 : vector<16xf32>
        %parallel_loop3A_154 = arith.constant 0 : i32
        %parallel_loop3A_155 = arith.addi %parallel_loop3A_144, %parallel_loop3A_154 : i32
        %parallel_loop3A_156 = arith.index_cast %parallel_loop3A_155 : i32 to index
        %parallel_loop3A_157 = arith.constant 0 : index
        %parallel_loop3A_158 = tpu.vector_load %arg9[%parallel_loop3A_156, %parallel_loop3A_157] {strides = array<i32>} : memref<200x128xf32, #tpu.memory_space<vmem>>, vector<1x16xf32>,
        %parallel_loop3A_159 = vector.shape_cast %parallel_loop3A_158 : vector<1x16xf32> to vector<16xf32>
        %parallel_loop3A_160 = vector.shape_cast %parallel_loop3A_153 : vector<16xf32> to vector<1x16xf32>
        tpu.vector_store %arg9[%parallel_loop3A_156, %parallel_loop3A_157], %parallel_loop3A_160 {strides = array<i32>} : memref<200x128xf32, #tpu.memory_space<vmem>>, vector<1x16xf32>,
        %parallel_loop3A_161 = arith.constant 0 : i32
        %parallel_loop3A_162 = arith.addi %parallel_loop3A_144, %parallel_loop3A_161 : i32
        %parallel_loop3A_163 = arith.index_cast %parallel_loop3A_162 : i32 to index
        %parallel_loop3A_164 = arith.constant 16 : index
        %parallel_loop3A_165 = tpu.vector_load %arg7[%parallel_loop3A_163, %parallel_loop3A_164] {strides = array<i32>} : memref<200x64xf32, #tpu.memory_space<vmem>>, vector<1x16xf32>,
        %parallel_loop3A_166 = vector.shape_cast %parallel_loop3A_165 : vector<1x16xf32> to vector<16xf32>
        %parallel_loop3A_167 = arith.constant 8.000000e+00 : f32
        %parallel_loop3A_168 = vector.broadcast %parallel_loop3A_167 : f32 to vector<16xf32>
        %parallel_loop3A_169 = arith.mulf %parallel_loop3A_166, %parallel_loop3A_168 : vector<16xf32>
        %parallel_loop3A_170 = arith.constant 0 : i32
        %parallel_loop3A_171 = arith.addi %parallel_loop3A_144, %parallel_loop3A_170 : i32
        %parallel_loop3A_172 = arith.index_cast %parallel_loop3A_171 : i32 to index
        %parallel_loop3A_173 = arith.constant 16 : index
        %parallel_loop3A_174 = tpu.vector_load %arg9[%parallel_loop3A_172, %parallel_loop3A_173] {strides = array<i32>} : memref<200x128xf32, #tpu.memory_space<vmem>>, vector<1x16xf32>,
        %parallel_loop3A_175 = vector.shape_cast %parallel_loop3A_174 : vector<1x16xf32> to vector<16xf32>
        %parallel_loop3A_176 = vector.shape_cast %parallel_loop3A_169 : vector<16xf32> to vector<1x16xf32>
        tpu.vector_store %arg9[%parallel_loop3A_172, %parallel_loop3A_173], %parallel_loop3A_176 {strides = array<i32>} : memref<200x128xf32, #tpu.memory_space<vmem>>, vector<1x16xf32>,
        %parallel_loop3A_177 = arith.constant 0 : i32
        %parallel_loop3A_178 = arith.addi %parallel_loop3A_144, %parallel_loop3A_177 : i32
        %parallel_loop3A_179 = arith.index_cast %parallel_loop3A_178 : i32 to index
        %parallel_loop3A_180 = arith.constant 32 : index
        %parallel_loop3A_181 = tpu.vector_load %arg7[%parallel_loop3A_179, %parallel_loop3A_180] {strides = array<i32>} : memref<200x64xf32, #tpu.memory_space<vmem>>, vector<1x16xf32>,
        %parallel_loop3A_182 = vector.shape_cast %parallel_loop3A_181 : vector<1x16xf32> to vector<16xf32>
        %parallel_loop3A_183 = arith.constant 8.000000e+00 : f32
        %parallel_loop3A_184 = vector.broadcast %parallel_loop3A_183 : f32 to vector<16xf32>
        %parallel_loop3A_185 = arith.mulf %parallel_loop3A_182, %parallel_loop3A_184 : vector<16xf32>
        %parallel_loop3A_186 = arith.constant 0 : i32
        %parallel_loop3A_187 = arith.addi %parallel_loop3A_144, %parallel_loop3A_186 : i32
        %parallel_loop3A_188 = arith.index_cast %parallel_loop3A_187 : i32 to index
        %parallel_loop3A_189 = arith.constant 32 : index
        %parallel_loop3A_190 = tpu.vector_load %arg9[%parallel_loop3A_188, %parallel_loop3A_189] {strides = array<i32>} : memref<200x128xf32, #tpu.memory_space<vmem>>, vector<1x16xf32>,
        %parallel_loop3A_191 = vector.shape_cast %parallel_loop3A_190 : vector<1x16xf32> to vector<16xf32>
        %parallel_loop3A_192 = vector.shape_cast %parallel_loop3A_185 : vector<16xf32> to vector<1x16xf32>
        tpu.vector_store %arg9[%parallel_loop3A_188, %parallel_loop3A_189], %parallel_loop3A_192 {strides = array<i32>} : memref<200x128xf32, #tpu.memory_space<vmem>>, vector<1x16xf32>,
        %parallel_loop3A_193 = arith.constant 0 : i32
        %parallel_loop3A_194 = arith.addi %parallel_loop3A_144, %parallel_loop3A_193 : i32
        %parallel_loop3A_195 = arith.index_cast %parallel_loop3A_194 : i32 to index
        %parallel_loop3A_196 = arith.constant 48 : index
        %parallel_loop3A_197 = tpu.vector_load %arg7[%parallel_loop3A_195, %parallel_loop3A_196] {strides = array<i32>} : memref<200x64xf32, #tpu.memory_space<vmem>>, vector<1x16xf32>,
        %parallel_loop3A_198 = vector.shape_cast %parallel_loop3A_197 : vector<1x16xf32> to vector<16xf32>
        %parallel_loop3A_199 = arith.constant 8.000000e+00 : f32
        %parallel_loop3A_200 = vector.broadcast %parallel_loop3A_199 : f32 to vector<16xf32>
        %parallel_loop3A_201 = arith.mulf %parallel_loop3A_198, %parallel_loop3A_200 : vector<16xf32>
        %parallel_loop3A_202 = arith.constant 0 : i32
        %parallel_loop3A_203 = arith.addi %parallel_loop3A_144, %parallel_loop3A_202 : i32
        %parallel_loop3A_204 = arith.index_cast %parallel_loop3A_203 : i32 to index
        %parallel_loop3A_205 = arith.constant 48 : index
        %parallel_loop3A_206 = tpu.vector_load %arg9[%parallel_loop3A_204, %parallel_loop3A_205] {strides = array<i32>} : memref<200x128xf32, #tpu.memory_space<vmem>>, vector<1x16xf32>,
        %parallel_loop3A_207 = vector.shape_cast %parallel_loop3A_206 : vector<1x16xf32> to vector<16xf32>
        %parallel_loop3A_208 = vector.shape_cast %parallel_loop3A_201 : vector<16xf32> to vector<1x16xf32>
        tpu.vector_store %arg9[%parallel_loop3A_204, %parallel_loop3A_205], %parallel_loop3A_208 {strides = array<i32>} : memref<200x128xf32, #tpu.memory_space<vmem>>, vector<1x16xf32>,
        %parallel_loop3A_209 = arith.constant 1 : i32
        %parallel_loop3A_210 = arith.addi %parallel_loop3A_144, %parallel_loop3A_209 : i32
        %parallel_loop3A_211 = arith.index_cast %parallel_loop3A_210 : i32 to index
        %parallel_loop3A_212 = arith.constant 0 : index
        %parallel_loop3A_213 = tpu.vector_load %arg7[%parallel_loop3A_211, %parallel_loop3A_212] {strides = array<i32>} : memref<200x64xf32, #tpu.memory_space<vmem>>, vector<1x16xf32>,
        %parallel_loop3A_214 = vector.shape_cast %parallel_loop3A_213 : vector<1x16xf32> to vector<16xf32>
        %parallel_loop3A_215 = arith.constant 8.000000e+00 : f32
        %parallel_loop3A_216 = vector.broadcast %parallel_loop3A_215 : f32 to vector<16xf32>
        %parallel_loop3A_217 = arith.mulf %parallel_loop3A_214, %parallel_loop3A_216 : vector<16xf32>
        %parallel_loop3A_218 = arith.constant 1 : i32
        %parallel_loop3A_219 = arith.addi %parallel_loop3A_144, %parallel_loop3A_218 : i32
        %parallel_loop3A_220 = arith.index_cast %parallel_loop3A_219 : i32 to index
        %parallel_loop3A_221 = arith.constant 0 : index
        %parallel_loop3A_222 = tpu.vector_load %arg9[%parallel_loop3A_220, %parallel_loop3A_221] {strides = array<i32>} : memref<200x128xf32, #tpu.memory_space<vmem>>, vector<1x16xf32>,
        %parallel_loop3A_223 = vector.shape_cast %parallel_loop3A_222 : vector<1x16xf32> to vector<16xf32>
        %parallel_loop3A_224 = vector.shape_cast %parallel_loop3A_217 : vector<16xf32> to vector<1x16xf32>
        tpu.vector_store %arg9[%parallel_loop3A_220, %parallel_loop3A_221], %parallel_loop3A_224 {strides = array<i32>} : memref<200x128xf32, #tpu.memory_space<vmem>>, vector<1x16xf32>,
        %parallel_loop3A_225 = arith.constant 1 : i32
        %parallel_loop3A_226 = arith.addi %parallel_loop3A_144, %parallel_loop3A_225 : i32
        %parallel_loop3A_227 = arith.index_cast %parallel_loop3A_226 : i32 to index
        %parallel_loop3A_228 = arith.constant 16 : index
        %parallel_loop3A_229 = tpu.vector_load %arg7[%parallel_loop3A_227, %parallel_loop3A_228] {strides = array<i32>} : memref<200x64xf32, #tpu.memory_space<vmem>>, vector<1x16xf32>,
        %parallel_loop3A_230 = vector.shape_cast %parallel_loop3A_229 : vector<1x16xf32> to vector<16xf32>
        %parallel_loop3A_231 = arith.constant 8.000000e+00 : f32
        %parallel_loop3A_232 = vector.broadcast %parallel_loop3A_231 : f32 to vector<16xf32>
        %parallel_loop3A_233 = arith.mulf %parallel_loop3A_230, %parallel_loop3A_232 : vector<16xf32>
        %parallel_loop3A_234 = arith.constant 1 : i32
        %parallel_loop3A_235 = arith.addi %parallel_loop3A_144, %parallel_loop3A_234 : i32
        %parallel_loop3A_236 = arith.index_cast %parallel_loop3A_235 : i32 to index
        %parallel_loop3A_237 = arith.constant 16 : index
        %parallel_loop3A_238 = tpu.vector_load %arg9[%parallel_loop3A_236, %parallel_loop3A_237] {strides = array<i32>} : memref<200x128xf32, #tpu.memory_space<vmem>>, vector<1x16xf32>,
        %parallel_loop3A_239 = vector.shape_cast %parallel_loop3A_238 : vector<1x16xf32> to vector<16xf32>
        %parallel_loop3A_240 = vector.shape_cast %parallel_loop3A_233 : vector<16xf32> to vector<1x16xf32>
        tpu.vector_store %arg9[%parallel_loop3A_236, %parallel_loop3A_237], %parallel_loop3A_240 {strides = array<i32>} : memref<200x128xf32, #tpu.memory_space<vmem>>, vector<1x16xf32>,
        %parallel_loop3A_241 = arith.constant 1 : i32
        %parallel_loop3A_242 = arith.addi %parallel_loop3A_144, %parallel_loop3A_241 : i32
        %parallel_loop3A_243 = arith.index_cast %parallel_loop3A_242 : i32 to index
        %parallel_loop3A_244 = arith.constant 32 : index
        %parallel_loop3A_245 = tpu.vector_load %arg7[%parallel_loop3A_243, %parallel_loop3A_244] {strides = array<i32>} : memref<200x64xf32, #tpu.memory_space<vmem>>, vector<1x16xf32>,
        %parallel_loop3A_246 = vector.shape_cast %parallel_loop3A_245 : vector<1x16xf32> to vector<16xf32>
        %parallel_loop3A_247 = arith.constant 8.000000e+00 : f32
        %parallel_loop3A_248 = vector.broadcast %parallel_loop3A_247 : f32 to vector<16xf32>
        %parallel_loop3A_249 = arith.mulf %parallel_loop3A_246, %parallel_loop3A_248 : vector<16xf32>
        %parallel_loop3A_250 = arith.constant 1 : i32
        %parallel_loop3A_251 = arith.addi %parallel_loop3A_144, %parallel_loop3A_250 : i32
        %parallel_loop3A_252 = arith.index_cast %parallel_loop3A_251 : i32 to index
        %parallel_loop3A_253 = arith.constant 32 : index
        %parallel_loop3A_254 = tpu.vector_load %arg9[%parallel_loop3A_252, %parallel_loop3A_253] {strides = array<i32>} : memref<200x128xf32, #tpu.memory_space<vmem>>, vector<1x16xf32>,
        %parallel_loop3A_255 = vector.shape_cast %parallel_loop3A_254 : vector<1x16xf32> to vector<16xf32>
        %parallel_loop3A_256 = vector.shape_cast %parallel_loop3A_249 : vector<16xf32> to vector<1x16xf32>
        tpu.vector_store %arg9[%parallel_loop3A_252, %parallel_loop3A_253], %parallel_loop3A_256 {strides = array<i32>} : memref<200x128xf32, #tpu.memory_space<vmem>>, vector<1x16xf32>,
        %parallel_loop3A_257 = arith.constant 1 : i32
        %parallel_loop3A_258 = arith.addi %parallel_loop3A_144, %parallel_loop3A_257 : i32
        %parallel_loop3A_259 = arith.index_cast %parallel_loop3A_258 : i32 to index
        %parallel_loop3A_260 = arith.constant 48 : index
        %parallel_loop3A_261 = tpu.vector_load %arg7[%parallel_loop3A_259, %parallel_loop3A_260] {strides = array<i32>} : memref<200x64xf32, #tpu.memory_space<vmem>>, vector<1x16xf32>,
        %parallel_loop3A_262 = vector.shape_cast %parallel_loop3A_261 : vector<1x16xf32> to vector<16xf32>
        %parallel_loop3A_263 = arith.constant 8.000000e+00 : f32
        %parallel_loop3A_264 = vector.broadcast %parallel_loop3A_263 : f32 to vector<16xf32>
        %parallel_loop3A_265 = arith.mulf %parallel_loop3A_262, %parallel_loop3A_264 : vector<16xf32>
        %parallel_loop3A_266 = arith.constant 1 : i32
        %parallel_loop3A_267 = arith.addi %parallel_loop3A_144, %parallel_loop3A_266 : i32
        %parallel_loop3A_268 = arith.index_cast %parallel_loop3A_267 : i32 to index
        %parallel_loop3A_269 = arith.constant 48 : index
        %parallel_loop3A_270 = tpu.vector_load %arg9[%parallel_loop3A_268, %parallel_loop3A_269] {strides = array<i32>} : memref<200x128xf32, #tpu.memory_space<vmem>>, vector<1x16xf32>,
        %parallel_loop3A_271 = vector.shape_cast %parallel_loop3A_270 : vector<1x16xf32> to vector<16xf32>
        %parallel_loop3A_272 = vector.shape_cast %parallel_loop3A_265 : vector<16xf32> to vector<1x16xf32>
        tpu.vector_store %arg9[%parallel_loop3A_268, %parallel_loop3A_269], %parallel_loop3A_272 {strides = array<i32>} : memref<200x128xf32, #tpu.memory_space<vmem>>, vector<1x16xf32>,
        %parallel_loop3A_273 = arith.constant 2 : i32
        %parallel_loop3A_274 = arith.addi %parallel_loop3A_144, %parallel_loop3A_273 : i32
        %parallel_loop3A_275 = arith.index_cast %parallel_loop3A_274 : i32 to index
        %parallel_loop3A_276 = arith.constant 0 : index
        %parallel_loop3A_277 = tpu.vector_load %arg7[%parallel_loop3A_275, %parallel_loop3A_276] {strides = array<i32>} : memref<200x64xf32, #tpu.memory_space<vmem>>, vector<1x16xf32>,
        %parallel_loop3A_278 = vector.shape_cast %parallel_loop3A_277 : vector<1x16xf32> to vector<16xf32>
        %parallel_loop3A_279 = arith.constant 8.000000e+00 : f32
        %parallel_loop3A_280 = vector.broadcast %parallel_loop3A_279 : f32 to vector<16xf32>
        %parallel_loop3A_281 = arith.mulf %parallel_loop3A_278, %parallel_loop3A_280 : vector<16xf32>
        %parallel_loop3A_282 = arith.constant 2 : i32
        %parallel_loop3A_283 = arith.addi %parallel_loop3A_144, %parallel_loop3A_282 : i32
        %parallel_loop3A_284 = arith.index_cast %parallel_loop3A_283 : i32 to index
        %parallel_loop3A_285 = arith.constant 0 : index
        %parallel_loop3A_286 = tpu.vector_load %arg9[%parallel_loop3A_284, %parallel_loop3A_285] {strides = array<i32>} : memref<200x128xf32, #tpu.memory_space<vmem>>, vector<1x16xf32>,
        %parallel_loop3A_287 = vector.shape_cast %parallel_loop3A_286 : vector<1x16xf32> to vector<16xf32>
        %parallel_loop3A_288 = vector.shape_cast %parallel_loop3A_281 : vector<16xf32> to vector<1x16xf32>
        tpu.vector_store %arg9[%parallel_loop3A_284, %parallel_loop3A_285], %parallel_loop3A_288 {strides = array<i32>} : memref<200x128xf32, #tpu.memory_space<vmem>>, vector<1x16xf32>,
        %parallel_loop3A_289 = arith.constant 2 : i32
        %parallel_loop3A_290 = arith.addi %parallel_loop3A_144, %parallel_loop3A_289 : i32
        %parallel_loop3A_291 = arith.index_cast %parallel_loop3A_290 : i32 to index
        %parallel_loop3A_292 = arith.constant 16 : index
        %parallel_loop3A_293 = tpu.vector_load %arg7[%parallel_loop3A_291, %parallel_loop3A_292] {strides = array<i32>} : memref<200x64xf32, #tpu.memory_space<vmem>>, vector<1x16xf32>,
        %parallel_loop3A_294 = vector.shape_cast %parallel_loop3A_293 : vector<1x16xf32> to vector<16xf32>
        %parallel_loop3A_295 = arith.constant 8.000000e+00 : f32
        %parallel_loop3A_296 = vector.broadcast %parallel_loop3A_295 : f32 to vector<16xf32>
        %parallel_loop3A_297 = arith.mulf %parallel_loop3A_294, %parallel_loop3A_296 : vector<16xf32>
        %parallel_loop3A_298 = arith.constant 2 : i32
        %parallel_loop3A_299 = arith.addi %parallel_loop3A_144, %parallel_loop3A_298 : i32
        %parallel_loop3A_300 = arith.index_cast %parallel_loop3A_299 : i32 to index
        %parallel_loop3A_301 = arith.constant 16 : index
        %parallel_loop3A_302 = tpu.vector_load %arg9[%parallel_loop3A_300, %parallel_loop3A_301] {strides = array<i32>} : memref<200x128xf32, #tpu.memory_space<vmem>>, vector<1x16xf32>,
        %parallel_loop3A_303 = vector.shape_cast %parallel_loop3A_302 : vector<1x16xf32> to vector<16xf32>
        %parallel_loop3A_304 = vector.shape_cast %parallel_loop3A_297 : vector<16xf32> to vector<1x16xf32>
        tpu.vector_store %arg9[%parallel_loop3A_300, %parallel_loop3A_301], %parallel_loop3A_304 {strides = array<i32>} : memref<200x128xf32, #tpu.memory_space<vmem>>, vector<1x16xf32>,
        %parallel_loop3A_305 = arith.constant 2 : i32
        %parallel_loop3A_306 = arith.addi %parallel_loop3A_144, %parallel_loop3A_305 : i32
        %parallel_loop3A_307 = arith.index_cast %parallel_loop3A_306 : i32 to index
        %parallel_loop3A_308 = arith.constant 32 : index
        %parallel_loop3A_309 = tpu.vector_load %arg7[%parallel_loop3A_307, %parallel_loop3A_308] {strides = array<i32>} : memref<200x64xf32, #tpu.memory_space<vmem>>, vector<1x16xf32>,
        %parallel_loop3A_310 = vector.shape_cast %parallel_loop3A_309 : vector<1x16xf32> to vector<16xf32>
        %parallel_loop3A_311 = arith.constant 8.000000e+00 : f32
        %parallel_loop3A_312 = vector.broadcast %parallel_loop3A_311 : f32 to vector<16xf32>
        %parallel_loop3A_313 = arith.mulf %parallel_loop3A_310, %parallel_loop3A_312 : vector<16xf32>
        %parallel_loop3A_314 = arith.constant 2 : i32
        %parallel_loop3A_315 = arith.addi %parallel_loop3A_144, %parallel_loop3A_314 : i32
        %parallel_loop3A_316 = arith.index_cast %parallel_loop3A_315 : i32 to index
        %parallel_loop3A_317 = arith.constant 32 : index
        %parallel_loop3A_318 = tpu.vector_load %arg9[%parallel_loop3A_316, %parallel_loop3A_317] {strides = array<i32>} : memref<200x128xf32, #tpu.memory_space<vmem>>, vector<1x16xf32>,
        %parallel_loop3A_319 = vector.shape_cast %parallel_loop3A_318 : vector<1x16xf32> to vector<16xf32>
        %parallel_loop3A_320 = vector.shape_cast %parallel_loop3A_313 : vector<16xf32> to vector<1x16xf32>
        tpu.vector_store %arg9[%parallel_loop3A_316, %parallel_loop3A_317], %parallel_loop3A_320 {strides = array<i32>} : memref<200x128xf32, #tpu.memory_space<vmem>>, vector<1x16xf32>,
        %parallel_loop3A_321 = arith.constant 2 : i32
        %parallel_loop3A_322 = arith.addi %parallel_loop3A_144, %parallel_loop3A_321 : i32
        %parallel_loop3A_323 = arith.index_cast %parallel_loop3A_322 : i32 to index
        %parallel_loop3A_324 = arith.constant 48 : index
        %parallel_loop3A_325 = tpu.vector_load %arg7[%parallel_loop3A_323, %parallel_loop3A_324] {strides = array<i32>} : memref<200x64xf32, #tpu.memory_space<vmem>>, vector<1x16xf32>,
        %parallel_loop3A_326 = vector.shape_cast %parallel_loop3A_325 : vector<1x16xf32> to vector<16xf32>
        %parallel_loop3A_327 = arith.constant 8.000000e+00 : f32
        %parallel_loop3A_328 = vector.broadcast %parallel_loop3A_327 : f32 to vector<16xf32>
        %parallel_loop3A_329 = arith.mulf %parallel_loop3A_326, %parallel_loop3A_328 : vector<16xf32>
        %parallel_loop3A_330 = arith.constant 2 : i32
        %parallel_loop3A_331 = arith.addi %parallel_loop3A_144, %parallel_loop3A_330 : i32
        %parallel_loop3A_332 = arith.index_cast %parallel_loop3A_331 : i32 to index
        %parallel_loop3A_333 = arith.constant 48 : index
        %parallel_loop3A_334 = tpu.vector_load %arg9[%parallel_loop3A_332, %parallel_loop3A_333] {strides = array<i32>} : memref<200x128xf32, #tpu.memory_space<vmem>>, vector<1x16xf32>,
        %parallel_loop3A_335 = vector.shape_cast %parallel_loop3A_334 : vector<1x16xf32> to vector<16xf32>
        %parallel_loop3A_336 = vector.shape_cast %parallel_loop3A_329 : vector<16xf32> to vector<1x16xf32>
        tpu.vector_store %arg9[%parallel_loop3A_332, %parallel_loop3A_333], %parallel_loop3A_336 {strides = array<i32>} : memref<200x128xf32, #tpu.memory_space<vmem>>, vector<1x16xf32>,
        %parallel_loop3A_337 = arith.constant 3 : i32
        %parallel_loop3A_338 = arith.addi %parallel_loop3A_144, %parallel_loop3A_337 : i32
        %parallel_loop3A_339 = arith.index_cast %parallel_loop3A_338 : i32 to index
        %parallel_loop3A_340 = arith.constant 0 : index
        %parallel_loop3A_341 = tpu.vector_load %arg7[%parallel_loop3A_339, %parallel_loop3A_340] {strides = array<i32>} : memref<200x64xf32, #tpu.memory_space<vmem>>, vector<1x16xf32>,
        %parallel_loop3A_342 = vector.shape_cast %parallel_loop3A_341 : vector<1x16xf32> to vector<16xf32>
        %parallel_loop3A_343 = arith.constant 8.000000e+00 : f32
        %parallel_loop3A_344 = vector.broadcast %parallel_loop3A_343 : f32 to vector<16xf32>
        %parallel_loop3A_345 = arith.mulf %parallel_loop3A_342, %parallel_loop3A_344 : vector<16xf32>
        %parallel_loop3A_346 = arith.constant 3 : i32
        %parallel_loop3A_347 = arith.addi %parallel_loop3A_144, %parallel_loop3A_346 : i32
        %parallel_loop3A_348 = arith.index_cast %parallel_loop3A_347 : i32 to index
        %parallel_loop3A_349 = arith.constant 0 : index
        %parallel_loop3A_350 = tpu.vector_load %arg9[%parallel_loop3A_348, %parallel_loop3A_349] {strides = array<i32>} : memref<200x128xf32, #tpu.memory_space<vmem>>, vector<1x16xf32>,
        %parallel_loop3A_351 = vector.shape_cast %parallel_loop3A_350 : vector<1x16xf32> to vector<16xf32>
        %parallel_loop3A_352 = vector.shape_cast %parallel_loop3A_345 : vector<16xf32> to vector<1x16xf32>
        tpu.vector_store %arg9[%parallel_loop3A_348, %parallel_loop3A_349], %parallel_loop3A_352 {strides = array<i32>} : memref<200x128xf32, #tpu.memory_space<vmem>>, vector<1x16xf32>,
        %parallel_loop3A_353 = arith.constant 3 : i32
        %parallel_loop3A_354 = arith.addi %parallel_loop3A_144, %parallel_loop3A_353 : i32
        %parallel_loop3A_355 = arith.index_cast %parallel_loop3A_354 : i32 to index
        %parallel_loop3A_356 = arith.constant 16 : index
        %parallel_loop3A_357 = tpu.vector_load %arg7[%parallel_loop3A_355, %parallel_loop3A_356] {strides = array<i32>} : memref<200x64xf32, #tpu.memory_space<vmem>>, vector<1x16xf32>,
        %parallel_loop3A_358 = vector.shape_cast %parallel_loop3A_357 : vector<1x16xf32> to vector<16xf32>
        %parallel_loop3A_359 = arith.constant 8.000000e+00 : f32
        %parallel_loop3A_360 = vector.broadcast %parallel_loop3A_359 : f32 to vector<16xf32>
        %parallel_loop3A_361 = arith.mulf %parallel_loop3A_358, %parallel_loop3A_360 : vector<16xf32>
        %parallel_loop3A_362 = arith.constant 3 : i32
        %parallel_loop3A_363 = arith.addi %parallel_loop3A_144, %parallel_loop3A_362 : i32
        %parallel_loop3A_364 = arith.index_cast %parallel_loop3A_363 : i32 to index
        %parallel_loop3A_365 = arith.constant 16 : index
        %parallel_loop3A_366 = tpu.vector_load %arg9[%parallel_loop3A_364, %parallel_loop3A_365] {strides = array<i32>} : memref<200x128xf32, #tpu.memory_space<vmem>>, vector<1x16xf32>,
        %parallel_loop3A_367 = vector.shape_cast %parallel_loop3A_366 : vector<1x16xf32> to vector<16xf32>
        %parallel_loop3A_368 = vector.shape_cast %parallel_loop3A_361 : vector<16xf32> to vector<1x16xf32>
        tpu.vector_store %arg9[%parallel_loop3A_364, %parallel_loop3A_365], %parallel_loop3A_368 {strides = array<i32>} : memref<200x128xf32, #tpu.memory_space<vmem>>, vector<1x16xf32>,
        %parallel_loop3A_369 = arith.constant 3 : i32
        %parallel_loop3A_370 = arith.addi %parallel_loop3A_144, %parallel_loop3A_369 : i32
        %parallel_loop3A_371 = arith.index_cast %parallel_loop3A_370 : i32 to index
        %parallel_loop3A_372 = arith.constant 32 : index
        %parallel_loop3A_373 = tpu.vector_load %arg7[%parallel_loop3A_371, %parallel_loop3A_372] {strides = array<i32>} : memref<200x64xf32, #tpu.memory_space<vmem>>, vector<1x16xf32>,
        %parallel_loop3A_374 = vector.shape_cast %parallel_loop3A_373 : vector<1x16xf32> to vector<16xf32>
        %parallel_loop3A_375 = arith.constant 8.000000e+00 : f32
        %parallel_loop3A_376 = vector.broadcast %parallel_loop3A_375 : f32 to vector<16xf32>
        %parallel_loop3A_377 = arith.mulf %parallel_loop3A_374, %parallel_loop3A_376 : vector<16xf32>
        %parallel_loop3A_378 = arith.constant 3 : i32
        %parallel_loop3A_379 = arith.addi %parallel_loop3A_144, %parallel_loop3A_378 : i32
        %parallel_loop3A_380 = arith.index_cast %parallel_loop3A_379 : i32 to index
        %parallel_loop3A_381 = arith.constant 32 : index
        %parallel_loop3A_382 = tpu.vector_load %arg9[%parallel_loop3A_380, %parallel_loop3A_381] {strides = array<i32>} : memref<200x128xf32, #tpu.memory_space<vmem>>, vector<1x16xf32>,
        %parallel_loop3A_383 = vector.shape_cast %parallel_loop3A_382 : vector<1x16xf32> to vector<16xf32>
        %parallel_loop3A_384 = vector.shape_cast %parallel_loop3A_377 : vector<16xf32> to vector<1x16xf32>
        tpu.vector_store %arg9[%parallel_loop3A_380, %parallel_loop3A_381], %parallel_loop3A_384 {strides = array<i32>} : memref<200x128xf32, #tpu.memory_space<vmem>>, vector<1x16xf32>,
        %parallel_loop3A_385 = arith.constant 3 : i32
        %parallel_loop3A_386 = arith.addi %parallel_loop3A_144, %parallel_loop3A_385 : i32
        %parallel_loop3A_387 = arith.index_cast %parallel_loop3A_386 : i32 to index
        %parallel_loop3A_388 = arith.constant 48 : index
        %parallel_loop3A_389 = tpu.vector_load %arg7[%parallel_loop3A_387, %parallel_loop3A_388] {strides = array<i32>} : memref<200x64xf32, #tpu.memory_space<vmem>>, vector<1x16xf32>,
        %parallel_loop3A_390 = vector.shape_cast %parallel_loop3A_389 : vector<1x16xf32> to vector<16xf32>
        %parallel_loop3A_391 = arith.constant 8.000000e+00 : f32
        %parallel_loop3A_392 = vector.broadcast %parallel_loop3A_391 : f32 to vector<16xf32>
        %parallel_loop3A_393 = arith.mulf %parallel_loop3A_390, %parallel_loop3A_392 : vector<16xf32>
        %parallel_loop3A_394 = arith.constant 3 : i32
        %parallel_loop3A_395 = arith.addi %parallel_loop3A_144, %parallel_loop3A_394 : i32
        %parallel_loop3A_396 = arith.index_cast %parallel_loop3A_395 : i32 to index
        %parallel_loop3A_397 = arith.constant 48 : index
        %parallel_loop3A_398 = tpu.vector_load %arg9[%parallel_loop3A_396, %parallel_loop3A_397] {strides = array<i32>} : memref<200x128xf32, #tpu.memory_space<vmem>>, vector<1x16xf32>,
        %parallel_loop3A_399 = vector.shape_cast %parallel_loop3A_398 : vector<1x16xf32> to vector<16xf32>
        %parallel_loop3A_400 = vector.shape_cast %parallel_loop3A_393 : vector<16xf32> to vector<1x16xf32>
        tpu.vector_store %arg9[%parallel_loop3A_396, %parallel_loop3A_397], %parallel_loop3A_400 {strides = array<i32>} : memref<200x128xf32, #tpu.memory_space<vmem>>, vector<1x16xf32>,
        %parallel_loop3A_401 = arith.constant 4 : i32
        %parallel_loop3A_402 = arith.addi %parallel_loop3A_144, %parallel_loop3A_401 : i32
        %parallel_loop3A_403 = arith.index_cast %parallel_loop3A_402 : i32 to index
        %parallel_loop3A_404 = arith.constant 0 : index
        %parallel_loop3A_405 = tpu.vector_load %arg7[%parallel_loop3A_403, %parallel_loop3A_404] {strides = array<i32>} : memref<200x64xf32, #tpu.memory_space<vmem>>, vector<1x16xf32>,
        %parallel_loop3A_406 = vector.shape_cast %parallel_loop3A_405 : vector<1x16xf32> to vector<16xf32>
        %parallel_loop3A_407 = arith.constant 8.000000e+00 : f32
        %parallel_loop3A_408 = vector.broadcast %parallel_loop3A_407 : f32 to vector<16xf32>
        %parallel_loop3A_409 = arith.mulf %parallel_loop3A_406, %parallel_loop3A_408 : vector<16xf32>
        %parallel_loop3A_410 = arith.constant 4 : i32
        %parallel_loop3A_411 = arith.addi %parallel_loop3A_144, %parallel_loop3A_410 : i32
        %parallel_loop3A_412 = arith.index_cast %parallel_loop3A_411 : i32 to index
        %parallel_loop3A_413 = arith.constant 0 : index
        %parallel_loop3A_414 = tpu.vector_load %arg9[%parallel_loop3A_412, %parallel_loop3A_413] {strides = array<i32>} : memref<200x128xf32, #tpu.memory_space<vmem>>, vector<1x16xf32>,
        %parallel_loop3A_415 = vector.shape_cast %parallel_loop3A_414 : vector<1x16xf32> to vector<16xf32>
        %parallel_loop3A_416 = vector.shape_cast %parallel_loop3A_409 : vector<16xf32> to vector<1x16xf32>
        tpu.vector_store %arg9[%parallel_loop3A_412, %parallel_loop3A_413], %parallel_loop3A_416 {strides = array<i32>} : memref<200x128xf32, #tpu.memory_space<vmem>>, vector<1x16xf32>,
        %parallel_loop3A_417 = arith.constant 4 : i32
        %parallel_loop3A_418 = arith.addi %parallel_loop3A_144, %parallel_loop3A_417 : i32
        %parallel_loop3A_419 = arith.index_cast %parallel_loop3A_418 : i32 to index
        %parallel_loop3A_420 = arith.constant 16 : index
        %parallel_loop3A_421 = tpu.vector_load %arg7[%parallel_loop3A_419, %parallel_loop3A_420] {strides = array<i32>} : memref<200x64xf32, #tpu.memory_space<vmem>>, vector<1x16xf32>,
        %parallel_loop3A_422 = vector.shape_cast %parallel_loop3A_421 : vector<1x16xf32> to vector<16xf32>
        %parallel_loop3A_423 = arith.constant 8.000000e+00 : f32
        %parallel_loop3A_424 = vector.broadcast %parallel_loop3A_423 : f32 to vector<16xf32>
        %parallel_loop3A_425 = arith.mulf %parallel_loop3A_422, %parallel_loop3A_424 : vector<16xf32>
        %parallel_loop3A_426 = arith.constant 4 : i32
        %parallel_loop3A_427 = arith.addi %parallel_loop3A_144, %parallel_loop3A_426 : i32
        %parallel_loop3A_428 = arith.index_cast %parallel_loop3A_427 : i32 to index
        %parallel_loop3A_429 = arith.constant 16 : index
        %parallel_loop3A_430 = tpu.vector_load %arg9[%parallel_loop3A_428, %parallel_loop3A_429] {strides = array<i32>} : memref<200x128xf32, #tpu.memory_space<vmem>>, vector<1x16xf32>,
        %parallel_loop3A_431 = vector.shape_cast %parallel_loop3A_430 : vector<1x16xf32> to vector<16xf32>
        %parallel_loop3A_432 = vector.shape_cast %parallel_loop3A_425 : vector<16xf32> to vector<1x16xf32>
        tpu.vector_store %arg9[%parallel_loop3A_428, %parallel_loop3A_429], %parallel_loop3A_432 {strides = array<i32>} : memref<200x128xf32, #tpu.memory_space<vmem>>, vector<1x16xf32>,
        %parallel_loop3A_433 = arith.constant 4 : i32
        %parallel_loop3A_434 = arith.addi %parallel_loop3A_144, %parallel_loop3A_433 : i32
        %parallel_loop3A_435 = arith.index_cast %parallel_loop3A_434 : i32 to index
        %parallel_loop3A_436 = arith.constant 32 : index
        %parallel_loop3A_437 = tpu.vector_load %arg7[%parallel_loop3A_435, %parallel_loop3A_436] {strides = array<i32>} : memref<200x64xf32, #tpu.memory_space<vmem>>, vector<1x16xf32>,
        %parallel_loop3A_438 = vector.shape_cast %parallel_loop3A_437 : vector<1x16xf32> to vector<16xf32>
        %parallel_loop3A_439 = arith.constant 8.000000e+00 : f32
        %parallel_loop3A_440 = vector.broadcast %parallel_loop3A_439 : f32 to vector<16xf32>
        %parallel_loop3A_441 = arith.mulf %parallel_loop3A_438, %parallel_loop3A_440 : vector<16xf32>
        %parallel_loop3A_442 = arith.constant 4 : i32
        %parallel_loop3A_443 = arith.addi %parallel_loop3A_144, %parallel_loop3A_442 : i32
        %parallel_loop3A_444 = arith.index_cast %parallel_loop3A_443 : i32 to index
        %parallel_loop3A_445 = arith.constant 32 : index
        %parallel_loop3A_446 = tpu.vector_load %arg9[%parallel_loop3A_444, %parallel_loop3A_445] {strides = array<i32>} : memref<200x128xf32, #tpu.memory_space<vmem>>, vector<1x16xf32>,
        %parallel_loop3A_447 = vector.shape_cast %parallel_loop3A_446 : vector<1x16xf32> to vector<16xf32>
        %parallel_loop3A_448 = vector.shape_cast %parallel_loop3A_441 : vector<16xf32> to vector<1x16xf32>
        tpu.vector_store %arg9[%parallel_loop3A_444, %parallel_loop3A_445], %parallel_loop3A_448 {strides = array<i32>} : memref<200x128xf32, #tpu.memory_space<vmem>>, vector<1x16xf32>,
        %parallel_loop3A_449 = arith.constant 4 : i32
        %parallel_loop3A_450 = arith.addi %parallel_loop3A_144, %parallel_loop3A_449 : i32
        %parallel_loop3A_451 = arith.index_cast %parallel_loop3A_450 : i32 to index
        %parallel_loop3A_452 = arith.constant 48 : index
        %parallel_loop3A_453 = tpu.vector_load %arg7[%parallel_loop3A_451, %parallel_loop3A_452] {strides = array<i32>} : memref<200x64xf32, #tpu.memory_space<vmem>>, vector<1x16xf32>,
        %parallel_loop3A_454 = vector.shape_cast %parallel_loop3A_453 : vector<1x16xf32> to vector<16xf32>
        %parallel_loop3A_455 = arith.constant 8.000000e+00 : f32
        %parallel_loop3A_456 = vector.broadcast %parallel_loop3A_455 : f32 to vector<16xf32>
        %parallel_loop3A_457 = arith.mulf %parallel_loop3A_454, %parallel_loop3A_456 : vector<16xf32>
        %parallel_loop3A_458 = arith.constant 4 : i32
        %parallel_loop3A_459 = arith.addi %parallel_loop3A_144, %parallel_loop3A_458 : i32
        %parallel_loop3A_460 = arith.index_cast %parallel_loop3A_459 : i32 to index
        %parallel_loop3A_461 = arith.constant 48 : index
        %parallel_loop3A_462 = tpu.vector_load %arg9[%parallel_loop3A_460, %parallel_loop3A_461] {strides = array<i32>} : memref<200x128xf32, #tpu.memory_space<vmem>>, vector<1x16xf32>,
        %parallel_loop3A_463 = vector.shape_cast %parallel_loop3A_462 : vector<1x16xf32> to vector<16xf32>
        %parallel_loop3A_464 = vector.shape_cast %parallel_loop3A_457 : vector<16xf32> to vector<1x16xf32>
        tpu.vector_store %arg9[%parallel_loop3A_460, %parallel_loop3A_461], %parallel_loop3A_464 {strides = array<i32>} : memref<200x128xf32, #tpu.memory_space<vmem>>, vector<1x16xf32>,
        %parallel_loop3A_465 = arith.constant 5 : i32
        %parallel_loop3A_466 = arith.addi %parallel_loop3A_144, %parallel_loop3A_465 : i32
        %parallel_loop3A_467 = arith.index_cast %parallel_loop3A_466 : i32 to index
        %parallel_loop3A_468 = arith.constant 0 : index
        %parallel_loop3A_469 = tpu.vector_load %arg7[%parallel_loop3A_467, %parallel_loop3A_468] {strides = array<i32>} : memref<200x64xf32, #tpu.memory_space<vmem>>, vector<1x16xf32>,
        %parallel_loop3A_470 = vector.shape_cast %parallel_loop3A_469 : vector<1x16xf32> to vector<16xf32>
        %parallel_loop3A_471 = arith.constant 8.000000e+00 : f32
        %parallel_loop3A_472 = vector.broadcast %parallel_loop3A_471 : f32 to vector<16xf32>
        %parallel_loop3A_473 = arith.mulf %parallel_loop3A_470, %parallel_loop3A_472 : vector<16xf32>
        %parallel_loop3A_474 = arith.constant 5 : i32
        %parallel_loop3A_475 = arith.addi %parallel_loop3A_144, %parallel_loop3A_474 : i32
        %parallel_loop3A_476 = arith.index_cast %parallel_loop3A_475 : i32 to index
        %parallel_loop3A_477 = arith.constant 0 : index
        %parallel_loop3A_478 = tpu.vector_load %arg9[%parallel_loop3A_476, %parallel_loop3A_477] {strides = array<i32>} : memref<200x128xf32, #tpu.memory_space<vmem>>, vector<1x16xf32>,
        %parallel_loop3A_479 = vector.shape_cast %parallel_loop3A_478 : vector<1x16xf32> to vector<16xf32>
        %parallel_loop3A_480 = vector.shape_cast %parallel_loop3A_473 : vector<16xf32> to vector<1x16xf32>
        tpu.vector_store %arg9[%parallel_loop3A_476, %parallel_loop3A_477], %parallel_loop3A_480 {strides = array<i32>} : memref<200x128xf32, #tpu.memory_space<vmem>>, vector<1x16xf32>,
        %parallel_loop3A_481 = arith.constant 5 : i32
        %parallel_loop3A_482 = arith.addi %parallel_loop3A_144, %parallel_loop3A_481 : i32
        %parallel_loop3A_483 = arith.index_cast %parallel_loop3A_482 : i32 to index
        %parallel_loop3A_484 = arith.constant 16 : index
        %parallel_loop3A_485 = tpu.vector_load %arg7[%parallel_loop3A_483, %parallel_loop3A_484] {strides = array<i32>} : memref<200x64xf32, #tpu.memory_space<vmem>>, vector<1x16xf32>,
        %parallel_loop3A_486 = vector.shape_cast %parallel_loop3A_485 : vector<1x16xf32> to vector<16xf32>
        %parallel_loop3A_487 = arith.constant 8.000000e+00 : f32
        %parallel_loop3A_488 = vector.broadcast %parallel_loop3A_487 : f32 to vector<16xf32>
        %parallel_loop3A_489 = arith.mulf %parallel_loop3A_486, %parallel_loop3A_488 : vector<16xf32>
        %parallel_loop3A_490 = arith.constant 5 : i32
        %parallel_loop3A_491 = arith.addi %parallel_loop3A_144, %parallel_loop3A_490 : i32
        %parallel_loop3A_492 = arith.index_cast %parallel_loop3A_491 : i32 to index
        %parallel_loop3A_493 = arith.constant 16 : index
        %parallel_loop3A_494 = tpu.vector_load %arg9[%parallel_loop3A_492, %parallel_loop3A_493] {strides = array<i32>} : memref<200x128xf32, #tpu.memory_space<vmem>>, vector<1x16xf32>,
        %parallel_loop3A_495 = vector.shape_cast %parallel_loop3A_494 : vector<1x16xf32> to vector<16xf32>
        %parallel_loop3A_496 = vector.shape_cast %parallel_loop3A_489 : vector<16xf32> to vector<1x16xf32>
        tpu.vector_store %arg9[%parallel_loop3A_492, %parallel_loop3A_493], %parallel_loop3A_496 {strides = array<i32>} : memref<200x128xf32, #tpu.memory_space<vmem>>, vector<1x16xf32>,
        %parallel_loop3A_497 = arith.constant 5 : i32
        %parallel_loop3A_498 = arith.addi %parallel_loop3A_144, %parallel_loop3A_497 : i32
        %parallel_loop3A_499 = arith.index_cast %parallel_loop3A_498 : i32 to index
        %parallel_loop3A_500 = arith.constant 32 : index
        %parallel_loop3A_501 = tpu.vector_load %arg7[%parallel_loop3A_499, %parallel_loop3A_500] {strides = array<i32>} : memref<200x64xf32, #tpu.memory_space<vmem>>, vector<1x16xf32>,
        %parallel_loop3A_502 = vector.shape_cast %parallel_loop3A_501 : vector<1x16xf32> to vector<16xf32>
        %parallel_loop3A_503 = arith.constant 8.000000e+00 : f32
        %parallel_loop3A_504 = vector.broadcast %parallel_loop3A_503 : f32 to vector<16xf32>
        %parallel_loop3A_505 = arith.mulf %parallel_loop3A_502, %parallel_loop3A_504 : vector<16xf32>
        %parallel_loop3A_506 = arith.constant 5 : i32
        %parallel_loop3A_507 = arith.addi %parallel_loop3A_144, %parallel_loop3A_506 : i32
        %parallel_loop3A_508 = arith.index_cast %parallel_loop3A_507 : i32 to index
        %parallel_loop3A_509 = arith.constant 32 : index
        %parallel_loop3A_510 = tpu.vector_load %arg9[%parallel_loop3A_508, %parallel_loop3A_509] {strides = array<i32>} : memref<200x128xf32, #tpu.memory_space<vmem>>, vector<1x16xf32>,
        %parallel_loop3A_511 = vector.shape_cast %parallel_loop3A_510 : vector<1x16xf32> to vector<16xf32>
        %parallel_loop3A_512 = vector.shape_cast %parallel_loop3A_505 : vector<16xf32> to vector<1x16xf32>
        tpu.vector_store %arg9[%parallel_loop3A_508, %parallel_loop3A_509], %parallel_loop3A_512 {strides = array<i32>} : memref<200x128xf32, #tpu.memory_space<vmem>>, vector<1x16xf32>,
        %parallel_loop3A_513 = arith.constant 5 : i32
        %parallel_loop3A_514 = arith.addi %parallel_loop3A_144, %parallel_loop3A_513 : i32
        %parallel_loop3A_515 = arith.index_cast %parallel_loop3A_514 : i32 to index
        %parallel_loop3A_516 = arith.constant 48 : index
        %parallel_loop3A_517 = tpu.vector_load %arg7[%parallel_loop3A_515, %parallel_loop3A_516] {strides = array<i32>} : memref<200x64xf32, #tpu.memory_space<vmem>>, vector<1x16xf32>,
        %parallel_loop3A_518 = vector.shape_cast %parallel_loop3A_517 : vector<1x16xf32> to vector<16xf32>
        %parallel_loop3A_519 = arith.constant 8.000000e+00 : f32
        %parallel_loop3A_520 = vector.broadcast %parallel_loop3A_519 : f32 to vector<16xf32>
        %parallel_loop3A_521 = arith.mulf %parallel_loop3A_518, %parallel_loop3A_520 : vector<16xf32>
        %parallel_loop3A_522 = arith.constant 5 : i32
        %parallel_loop3A_523 = arith.addi %parallel_loop3A_144, %parallel_loop3A_522 : i32
        %parallel_loop3A_524 = arith.index_cast %parallel_loop3A_523 : i32 to index
        %parallel_loop3A_525 = arith.constant 48 : index
        %parallel_loop3A_526 = tpu.vector_load %arg9[%parallel_loop3A_524, %parallel_loop3A_525] {strides = array<i32>} : memref<200x128xf32, #tpu.memory_space<vmem>>, vector<1x16xf32>,
        %parallel_loop3A_527 = vector.shape_cast %parallel_loop3A_526 : vector<1x16xf32> to vector<16xf32>
        %parallel_loop3A_528 = vector.shape_cast %parallel_loop3A_521 : vector<16xf32> to vector<1x16xf32>
        tpu.vector_store %arg9[%parallel_loop3A_524, %parallel_loop3A_525], %parallel_loop3A_528 {strides = array<i32>} : memref<200x128xf32, #tpu.memory_space<vmem>>, vector<1x16xf32>,
        %parallel_loop3A_529 = arith.constant 6 : i32
        %parallel_loop3A_530 = arith.addi %parallel_loop3A_144, %parallel_loop3A_529 : i32
        %parallel_loop3A_531 = arith.index_cast %parallel_loop3A_530 : i32 to index
        %parallel_loop3A_532 = arith.constant 0 : index
        %parallel_loop3A_533 = tpu.vector_load %arg7[%parallel_loop3A_531, %parallel_loop3A_532] {strides = array<i32>} : memref<200x64xf32, #tpu.memory_space<vmem>>, vector<1x16xf32>,
        %parallel_loop3A_534 = vector.shape_cast %parallel_loop3A_533 : vector<1x16xf32> to vector<16xf32>
        %parallel_loop3A_535 = arith.constant 8.000000e+00 : f32
        %parallel_loop3A_536 = vector.broadcast %parallel_loop3A_535 : f32 to vector<16xf32>
        %parallel_loop3A_537 = arith.mulf %parallel_loop3A_534, %parallel_loop3A_536 : vector<16xf32>
        %parallel_loop3A_538 = arith.constant 6 : i32
        %parallel_loop3A_539 = arith.addi %parallel_loop3A_144, %parallel_loop3A_538 : i32
        %parallel_loop3A_540 = arith.index_cast %parallel_loop3A_539 : i32 to index
        %parallel_loop3A_541 = arith.constant 0 : index
        %parallel_loop3A_542 = tpu.vector_load %arg9[%parallel_loop3A_540, %parallel_loop3A_541] {strides = array<i32>} : memref<200x128xf32, #tpu.memory_space<vmem>>, vector<1x16xf32>,
        %parallel_loop3A_543 = vector.shape_cast %parallel_loop3A_542 : vector<1x16xf32> to vector<16xf32>
        %parallel_loop3A_544 = vector.shape_cast %parallel_loop3A_537 : vector<16xf32> to vector<1x16xf32>
        tpu.vector_store %arg9[%parallel_loop3A_540, %parallel_loop3A_541], %parallel_loop3A_544 {strides = array<i32>} : memref<200x128xf32, #tpu.memory_space<vmem>>, vector<1x16xf32>,
        %parallel_loop3A_545 = arith.constant 6 : i32
        %parallel_loop3A_546 = arith.addi %parallel_loop3A_144, %parallel_loop3A_545 : i32
        %parallel_loop3A_547 = arith.index_cast %parallel_loop3A_546 : i32 to index
        %parallel_loop3A_548 = arith.constant 16 : index
        %parallel_loop3A_549 = tpu.vector_load %arg7[%parallel_loop3A_547, %parallel_loop3A_548] {strides = array<i32>} : memref<200x64xf32, #tpu.memory_space<vmem>>, vector<1x16xf32>,
        %parallel_loop3A_550 = vector.shape_cast %parallel_loop3A_549 : vector<1x16xf32> to vector<16xf32>
        %parallel_loop3A_551 = arith.constant 8.000000e+00 : f32
        %parallel_loop3A_552 = vector.broadcast %parallel_loop3A_551 : f32 to vector<16xf32>
        %parallel_loop3A_553 = arith.mulf %parallel_loop3A_550, %parallel_loop3A_552 : vector<16xf32>
        %parallel_loop3A_554 = arith.constant 6 : i32
        %parallel_loop3A_555 = arith.addi %parallel_loop3A_144, %parallel_loop3A_554 : i32
        %parallel_loop3A_556 = arith.index_cast %parallel_loop3A_555 : i32 to index
        %parallel_loop3A_557 = arith.constant 16 : index
        %parallel_loop3A_558 = tpu.vector_load %arg9[%parallel_loop3A_556, %parallel_loop3A_557] {strides = array<i32>} : memref<200x128xf32, #tpu.memory_space<vmem>>, vector<1x16xf32>,
        %parallel_loop3A_559 = vector.shape_cast %parallel_loop3A_558 : vector<1x16xf32> to vector<16xf32>
        %parallel_loop3A_560 = vector.shape_cast %parallel_loop3A_553 : vector<16xf32> to vector<1x16xf32>
        tpu.vector_store %arg9[%parallel_loop3A_556, %parallel_loop3A_557], %parallel_loop3A_560 {strides = array<i32>} : memref<200x128xf32, #tpu.memory_space<vmem>>, vector<1x16xf32>,
        %parallel_loop3A_561 = arith.constant 6 : i32
        %parallel_loop3A_562 = arith.addi %parallel_loop3A_144, %parallel_loop3A_561 : i32
        %parallel_loop3A_563 = arith.index_cast %parallel_loop3A_562 : i32 to index
        %parallel_loop3A_564 = arith.constant 32 : index
        %parallel_loop3A_565 = tpu.vector_load %arg7[%parallel_loop3A_563, %parallel_loop3A_564] {strides = array<i32>} : memref<200x64xf32, #tpu.memory_space<vmem>>, vector<1x16xf32>,
        %parallel_loop3A_566 = vector.shape_cast %parallel_loop3A_565 : vector<1x16xf32> to vector<16xf32>
        %parallel_loop3A_567 = arith.constant 8.000000e+00 : f32
        %parallel_loop3A_568 = vector.broadcast %parallel_loop3A_567 : f32 to vector<16xf32>
        %parallel_loop3A_569 = arith.mulf %parallel_loop3A_566, %parallel_loop3A_568 : vector<16xf32>
        %parallel_loop3A_570 = arith.constant 6 : i32
        %parallel_loop3A_571 = arith.addi %parallel_loop3A_144, %parallel_loop3A_570 : i32
        %parallel_loop3A_572 = arith.index_cast %parallel_loop3A_571 : i32 to index
        %parallel_loop3A_573 = arith.constant 32 : index
        %parallel_loop3A_574 = tpu.vector_load %arg9[%parallel_loop3A_572, %parallel_loop3A_573] {strides = array<i32>} : memref<200x128xf32, #tpu.memory_space<vmem>>, vector<1x16xf32>,
        %parallel_loop3A_575 = vector.shape_cast %parallel_loop3A_574 : vector<1x16xf32> to vector<16xf32>
        %parallel_loop3A_576 = vector.shape_cast %parallel_loop3A_569 : vector<16xf32> to vector<1x16xf32>
        tpu.vector_store %arg9[%parallel_loop3A_572, %parallel_loop3A_573], %parallel_loop3A_576 {strides = array<i32>} : memref<200x128xf32, #tpu.memory_space<vmem>>, vector<1x16xf32>,
        %parallel_loop3A_577 = arith.constant 6 : i32
        %parallel_loop3A_578 = arith.addi %parallel_loop3A_144, %parallel_loop3A_577 : i32
        %parallel_loop3A_579 = arith.index_cast %parallel_loop3A_578 : i32 to index
        %parallel_loop3A_580 = arith.constant 48 : index
        %parallel_loop3A_581 = tpu.vector_load %arg7[%parallel_loop3A_579, %parallel_loop3A_580] {strides = array<i32>} : memref<200x64xf32, #tpu.memory_space<vmem>>, vector<1x16xf32>,
        %parallel_loop3A_582 = vector.shape_cast %parallel_loop3A_581 : vector<1x16xf32> to vector<16xf32>
        %parallel_loop3A_583 = arith.constant 8.000000e+00 : f32
        %parallel_loop3A_584 = vector.broadcast %parallel_loop3A_583 : f32 to vector<16xf32>
        %parallel_loop3A_585 = arith.mulf %parallel_loop3A_582, %parallel_loop3A_584 : vector<16xf32>
        %parallel_loop3A_586 = arith.constant 6 : i32
        %parallel_loop3A_587 = arith.addi %parallel_loop3A_144, %parallel_loop3A_586 : i32
        %parallel_loop3A_588 = arith.index_cast %parallel_loop3A_587 : i32 to index
        %parallel_loop3A_589 = arith.constant 48 : index
        %parallel_loop3A_590 = tpu.vector_load %arg9[%parallel_loop3A_588, %parallel_loop3A_589] {strides = array<i32>} : memref<200x128xf32, #tpu.memory_space<vmem>>, vector<1x16xf32>,
        %parallel_loop3A_591 = vector.shape_cast %parallel_loop3A_590 : vector<1x16xf32> to vector<16xf32>
        %parallel_loop3A_592 = vector.shape_cast %parallel_loop3A_585 : vector<16xf32> to vector<1x16xf32>
        tpu.vector_store %arg9[%parallel_loop3A_588, %parallel_loop3A_589], %parallel_loop3A_592 {strides = array<i32>} : memref<200x128xf32, #tpu.memory_space<vmem>>, vector<1x16xf32>,
        %parallel_loop3A_593 = arith.constant 7 : i32
        %parallel_loop3A_594 = arith.addi %parallel_loop3A_144, %parallel_loop3A_593 : i32
        %parallel_loop3A_595 = arith.index_cast %parallel_loop3A_594 : i32 to index
        %parallel_loop3A_596 = arith.constant 0 : index
        %parallel_loop3A_597 = tpu.vector_load %arg7[%parallel_loop3A_595, %parallel_loop3A_596] {strides = array<i32>} : memref<200x64xf32, #tpu.memory_space<vmem>>, vector<1x16xf32>,
        %parallel_loop3A_598 = vector.shape_cast %parallel_loop3A_597 : vector<1x16xf32> to vector<16xf32>
        %parallel_loop3A_599 = arith.constant 8.000000e+00 : f32
        %parallel_loop3A_600 = vector.broadcast %parallel_loop3A_599 : f32 to vector<16xf32>
        %parallel_loop3A_601 = arith.mulf %parallel_loop3A_598, %parallel_loop3A_600 : vector<16xf32>
        %parallel_loop3A_602 = arith.constant 7 : i32
        %parallel_loop3A_603 = arith.addi %parallel_loop3A_144, %parallel_loop3A_602 : i32
        %parallel_loop3A_604 = arith.index_cast %parallel_loop3A_603 : i32 to index
        %parallel_loop3A_605 = arith.constant 0 : index
        %parallel_loop3A_606 = tpu.vector_load %arg9[%parallel_loop3A_604, %parallel_loop3A_605] {strides = array<i32>} : memref<200x128xf32, #tpu.memory_space<vmem>>, vector<1x16xf32>,
        %parallel_loop3A_607 = vector.shape_cast %parallel_loop3A_606 : vector<1x16xf32> to vector<16xf32>
        %parallel_loop3A_608 = vector.shape_cast %parallel_loop3A_601 : vector<16xf32> to vector<1x16xf32>
        tpu.vector_store %arg9[%parallel_loop3A_604, %parallel_loop3A_605], %parallel_loop3A_608 {strides = array<i32>} : memref<200x128xf32, #tpu.memory_space<vmem>>, vector<1x16xf32>,
        %parallel_loop3A_609 = arith.constant 7 : i32
        %parallel_loop3A_610 = arith.addi %parallel_loop3A_144, %parallel_loop3A_609 : i32
        %parallel_loop3A_611 = arith.index_cast %parallel_loop3A_610 : i32 to index
        %parallel_loop3A_612 = arith.constant 16 : index
        %parallel_loop3A_613 = tpu.vector_load %arg7[%parallel_loop3A_611, %parallel_loop3A_612] {strides = array<i32>} : memref<200x64xf32, #tpu.memory_space<vmem>>, vector<1x16xf32>,
        %parallel_loop3A_614 = vector.shape_cast %parallel_loop3A_613 : vector<1x16xf32> to vector<16xf32>
        %parallel_loop3A_615 = arith.constant 8.000000e+00 : f32
        %parallel_loop3A_616 = vector.broadcast %parallel_loop3A_615 : f32 to vector<16xf32>
        %parallel_loop3A_617 = arith.mulf %parallel_loop3A_614, %parallel_loop3A_616 : vector<16xf32>
        %parallel_loop3A_618 = arith.constant 7 : i32
        %parallel_loop3A_619 = arith.addi %parallel_loop3A_144, %parallel_loop3A_618 : i32
        %parallel_loop3A_620 = arith.index_cast %parallel_loop3A_619 : i32 to index
        %parallel_loop3A_621 = arith.constant 16 : index
        %parallel_loop3A_622 = tpu.vector_load %arg9[%parallel_loop3A_620, %parallel_loop3A_621] {strides = array<i32>} : memref<200x128xf32, #tpu.memory_space<vmem>>, vector<1x16xf32>,
        %parallel_loop3A_623 = vector.shape_cast %parallel_loop3A_622 : vector<1x16xf32> to vector<16xf32>
        %parallel_loop3A_624 = vector.shape_cast %parallel_loop3A_617 : vector<16xf32> to vector<1x16xf32>
        tpu.vector_store %arg9[%parallel_loop3A_620, %parallel_loop3A_621], %parallel_loop3A_624 {strides = array<i32>} : memref<200x128xf32, #tpu.memory_space<vmem>>, vector<1x16xf32>,
        %parallel_loop3A_625 = arith.constant 7 : i32
        %parallel_loop3A_626 = arith.addi %parallel_loop3A_144, %parallel_loop3A_625 : i32
        %parallel_loop3A_627 = arith.index_cast %parallel_loop3A_626 : i32 to index
        %parallel_loop3A_628 = arith.constant 32 : index
        %parallel_loop3A_629 = tpu.vector_load %arg7[%parallel_loop3A_627, %parallel_loop3A_628] {strides = array<i32>} : memref<200x64xf32, #tpu.memory_space<vmem>>, vector<1x16xf32>,
        %parallel_loop3A_630 = vector.shape_cast %parallel_loop3A_629 : vector<1x16xf32> to vector<16xf32>
        %parallel_loop3A_631 = arith.constant 8.000000e+00 : f32
        %parallel_loop3A_632 = vector.broadcast %parallel_loop3A_631 : f32 to vector<16xf32>
        %parallel_loop3A_633 = arith.mulf %parallel_loop3A_630, %parallel_loop3A_632 : vector<16xf32>
        %parallel_loop3A_634 = arith.constant 7 : i32
        %parallel_loop3A_635 = arith.addi %parallel_loop3A_144, %parallel_loop3A_634 : i32
        %parallel_loop3A_636 = arith.index_cast %parallel_loop3A_635 : i32 to index
        %parallel_loop3A_637 = arith.constant 32 : index
        %parallel_loop3A_638 = tpu.vector_load %arg9[%parallel_loop3A_636, %parallel_loop3A_637] {strides = array<i32>} : memref<200x128xf32, #tpu.memory_space<vmem>>, vector<1x16xf32>,
        %parallel_loop3A_639 = vector.shape_cast %parallel_loop3A_638 : vector<1x16xf32> to vector<16xf32>
        %parallel_loop3A_640 = vector.shape_cast %parallel_loop3A_633 : vector<16xf32> to vector<1x16xf32>
        tpu.vector_store %arg9[%parallel_loop3A_636, %parallel_loop3A_637], %parallel_loop3A_640 {strides = array<i32>} : memref<200x128xf32, #tpu.memory_space<vmem>>, vector<1x16xf32>,
        %parallel_loop3A_641 = arith.constant 7 : i32
        %parallel_loop3A_642 = arith.addi %parallel_loop3A_144, %parallel_loop3A_641 : i32
        %parallel_loop3A_643 = arith.index_cast %parallel_loop3A_642 : i32 to index
        %parallel_loop3A_644 = arith.constant 48 : index
        %parallel_loop3A_645 = tpu.vector_load %arg7[%parallel_loop3A_643, %parallel_loop3A_644] {strides = array<i32>} : memref<200x64xf32, #tpu.memory_space<vmem>>, vector<1x16xf32>,
        %parallel_loop3A_646 = vector.shape_cast %parallel_loop3A_645 : vector<1x16xf32> to vector<16xf32>
        %parallel_loop3A_647 = arith.constant 8.000000e+00 : f32
        %parallel_loop3A_648 = vector.broadcast %parallel_loop3A_647 : f32 to vector<16xf32>
        %parallel_loop3A_649 = arith.mulf %parallel_loop3A_646, %parallel_loop3A_648 : vector<16xf32>
        %parallel_loop3A_650 = arith.constant 7 : i32
        %parallel_loop3A_651 = arith.addi %parallel_loop3A_144, %parallel_loop3A_650 : i32
        %parallel_loop3A_652 = arith.index_cast %parallel_loop3A_651 : i32 to index
        %parallel_loop3A_653 = arith.constant 48 : index
        %parallel_loop3A_654 = tpu.vector_load %arg9[%parallel_loop3A_652, %parallel_loop3A_653] {strides = array<i32>} : memref<200x128xf32, #tpu.memory_space<vmem>>, vector<1x16xf32>,
        %parallel_loop3A_655 = vector.shape_cast %parallel_loop3A_654 : vector<1x16xf32> to vector<16xf32>
        %parallel_loop3A_656 = vector.shape_cast %parallel_loop3A_649 : vector<16xf32> to vector<1x16xf32>
        tpu.vector_store %arg9[%parallel_loop3A_652, %parallel_loop3A_653], %parallel_loop3A_656 {strides = array<i32>} : memref<200x128xf32, #tpu.memory_space<vmem>>, vector<1x16xf32>,
      } {sc.loop_unroll_factor = 1 : i64, sc.parallel_access}
      %add3A_130 = arith.constant 2 : i32
      %add3A_131 = arith.addi %add3A_99, %add3A_130 : i32
      %lt3A_132 = arith.constant 128 : i32
      %lt3A_133 = arith.cmpi slt, %add3A_131, %lt3A_132 : i32
      %convert_element_type3A_134 = arith.extui %lt3A_133 : i1 to i32
      %cond3A_135 = arith.constant 0 : i32
      %cond3A_136 = arith.cmpi ne, %convert_element_type3A_134, %cond3A_135 : i32
      scf.if %cond3A_136 {
        %add3A_144 = arith.constant 2 : i32
        %add3A_145 = arith.addi %add3A_99, %add3A_144 : i32
        %mul3A_146 = arith.constant 200 : i32
        %mul3A_147 = arith.muli %add3A_145, %mul3A_146 : i32
        %add3A_148 = arith.constant 0 : i32
        %add3A_149 = arith.addi %mul3A_147, %add3A_148 : i32
        %dma_start3A_150 = arith.constant 0 : i32
        %dma_start3A_151 = arith.constant 0 : i32
        %dma_start3A_152 = tpu.memref_slice %arg7[%dma_start3A_150, %dma_start3A_151] : memref<200x64xf32, #tpu.memory_space<vmem>> -> memref<128x64xf32, #tpu.memory_space<vmem>>
        %dma_start3A_153 = tpu.memref_slice %arg5[%add3A_149] : memref<25600xi32, #tpu.memory_space<vmem>> -> memref<128xi32, #tpu.memory_space<vmem>>
        %dma_start3A_154 = arith.constant 0 : i32
        %dma_start3A_155 = arith.constant 0 : i32
        %dma_start3A_156 = tpu.memref_slice %arg3[%dma_start3A_154, %dma_start3A_155] : memref<1000000x64xf32, #tpu.memory_space<hbm>> -> memref<1000000x64xf32, #tpu.memory_space<hbm>>
        tpu.enqueue_indirect_dma source(%dma_start3A_156 : memref<1000000x64xf32, #tpu.memory_space<hbm>>) target(%dma_start3A_152 : memref<128x64xf32, #tpu.memory_space<vmem>>) offsets(%dma_start3A_153 : memref<128xi32, #tpu.memory_space<vmem>>) semaphore(%arg11 : memref<!tpu.dma_semaphore, #tpu.memory_space<semaphore_mem>>)
        %mul3A_157 = arith.constant 200 : i32
        %mul3A_158 = arith.muli %add3A_145, %mul3A_157 : i32
        %add3A_159 = arith.constant 128 : i32
        %add3A_160 = arith.addi %mul3A_158, %add3A_159 : i32
        %dma_start3A_161 = arith.constant 128 : i32
        %dma_start3A_162 = arith.constant 0 : i32
        %dma_start3A_163 = tpu.memref_slice %arg7[%dma_start3A_161, %dma_start3A_162] : memref<200x64xf32, #tpu.memory_space<vmem>> -> memref<72x64xf32, #tpu.memory_space<vmem>>
        %dma_start3A_164 = tpu.memref_slice %arg5[%add3A_160] : memref<25600xi32, #tpu.memory_space<vmem>> -> memref<72xi32, #tpu.memory_space<vmem>>
        %dma_start3A_165 = arith.constant 0 : i32
        %dma_start3A_166 = arith.constant 0 : i32
        %dma_start3A_167 = tpu.memref_slice %arg3[%dma_start3A_165, %dma_start3A_166] : memref<1000000x64xf32, #tpu.memory_space<hbm>> -> memref<1000000x64xf32, #tpu.memory_space<hbm>>
        tpu.enqueue_indirect_dma source(%dma_start3A_167 : memref<1000000x64xf32, #tpu.memory_space<hbm>>) target(%dma_start3A_163 : memref<72x64xf32, #tpu.memory_space<vmem>>) offsets(%dma_start3A_164 : memref<72xi32, #tpu.memory_space<vmem>>) semaphore(%arg11 : memref<!tpu.dma_semaphore, #tpu.memory_space<semaphore_mem>>)
      } else {
      }
      %mul3A_137 = arith.constant 200 : i32
      %mul3A_138 = arith.muli %add3A_99, %mul3A_137 : i32
      %add3A_139 = arith.addi %mul3A_2, %mul3A_138 : i32
      %dma_start3A_140 = arith.constant 0 : i32
      %dma_start3A_141 = tpu.memref_slice %arg4[%add3A_139, %dma_start3A_140] : memref<819200x128xf32, #tpu.memory_space<hbm>> -> memref<200x128xf32, #tpu.memory_space<hbm>>
      %dma_start3A_142 = arith.constant 0 : i32
      %dma_start3A_143 = tpu.memref_slice %arg4[%add3A_139, %dma_start3A_142] : memref<819200x128xf32, #tpu.memory_space<hbm>> -> memref<200x128xf32, #tpu.memory_space<hbm>>
      tpu.enqueue_dma source(%arg9 : memref<200x128xf32, #tpu.memory_space<vmem>>) target(%dma_start3A_143 : memref<200x128xf32, #tpu.memory_space<hbm>>) target_semaphore(%arg13 : memref<!tpu.dma_semaphore, #tpu.memory_space<semaphore_mem>>)
    }
    %scan3A_40 = arith.constant 64 : i32
    %add3A_41 = arith.constant 25200 : i32
    %add3A_42 = arith.addi %mul3A_2, %add3A_41 : i32
    %dma_wait3A = arith.constant 0 : i32
    %dma_wait3A_43 = tpu.memref_slice %arg4[%add3A_42, %dma_wait3A] : memref<819200x128xf32, #tpu.memory_space<hbm>> -> memref<200x128xf32, #tpu.memory_space<hbm>>
    %dma_wait3A_44 = arith.constant 0 : i32
    %dma_wait3A_45 = tpu.memref_slice %arg4[%add3A_42, %dma_wait3A_44] : memref<819200x128xf32, #tpu.memory_space<hbm>> -> memref<200x128xf32, #tpu.memory_space<hbm>>
    tpu.wait_dma2 semaphore(%arg12 : memref<!tpu.dma_semaphore, #tpu.memory_space<semaphore_mem>>) src(%arg8 : memref<200x128xf32, #tpu.memory_space<vmem>>) dst(%dma_wait3A_45 : memref<200x128xf32, #tpu.memory_space<hbm>>)
    %add3A_46 = arith.constant 25400 : i32
    %add3A_47 = arith.addi %mul3A_2, %add3A_46 : i32
    %dma_wait3A_48 = arith.constant 0 : i32
    %dma_wait3A_49 = tpu.memref_slice %arg4[%add3A_47, %dma_wait3A_48] : memref<819200x128xf32, #tpu.memory_space<hbm>> -> memref<200x128xf32, #tpu.memory_space<hbm>>
    %dma_wait3A_50 = arith.constant 0 : i32
    %dma_wait3A_51 = tpu.memref_slice %arg4[%add3A_47, %dma_wait3A_50] : memref<819200x128xf32, #tpu.memory_space<hbm>> -> memref<200x128xf32, #tpu.memory_space<hbm>>
    tpu.wait_dma2 semaphore(%arg13 : memref<!tpu.dma_semaphore, #tpu.memory_space<semaphore_mem>>) src(%arg9 : memref<200x128xf32, #tpu.memory_space<vmem>>) dst(%dma_wait3A_51 : memref<200x128xf32, #tpu.memory_space<hbm>>)
    return
  }
}

</mosaic_0001>

<sc_bundles>
// kernel: _embed.3.cloned.1.call-start
scs
__scs_entry_jumppad:
0x0: {  	(pc) =	sbr.rel $0x88, $3  }
0x1: {  	(tag) =	ssettag $0x0;
	lr =	simm.s32 $0x1  }
0x2: {  	[smem:$0x3F9F] =	sst lr;
	_ =	strace $0xD0000000  }
0x3: {  	_ = 	snop  }
0x4: {  	_ = 	snop  }
0x5: {  	_ = 	snop  }
0x6: {  	_ = 	snop  }
0x7: {  	_ = 	snop  }
__scs_overlays_trampoline_lowered:
0x8: {  	[smem:$0x3FAE] =	sst s0  }
0x9: {  	[smem:$0x3FAF] =	sst s1  }
0xa: {  	[smem:$0x3FB0] =	sst s2  }
0xb: {  	[smem:$0x3FB1] =	sst s3  }
0xc: {  	[smem:$0x3FB2] =	sst s4  }
0xd: {  	[smem:$0x3FB3] =	sst s5  }
0xe: {  	[smem:$0x3FB4] =	sst s6  }
0xf: {  	[smem:$0x3FB5] =	sst s7  }
0x10: {  	[smem:$0x3FB6] =	sst s8  }
0x11: {  	[smem:$0x3FB7] =	sst s9;
	s0 =	simm.s32 @!p0 $0x0  }
0x12: {  	s1 =	sld [smem:$0x3F9D];
	s0 =	simm.s32 @p0 $0x1  }
0x13: {  	[smem:$0x3FB8] =	sst s0;
	s0 =	simm.s32 @!p1 $0x0  }
0x14: {  	s2 =	sld [smem:$0x3F9C];
	s0 =	simm.s32 @p1 $0x1  }
0x15: {  	[smem:$0x3FB9] =	sst s0;
	s0 =	simm.s32 @!p2 $0x0  }
0x16: {  	s3 =	sld [smem:$0x3FDB];
	s0 =	simm.s32 @p2 $0x1  }
0x17: {  	s4 =	simm.s32 $0x1BF5;
	[smem:$0x3FBB] =	sst s0  }
0x18: {  	s0 =	sld [smem:$0x3F9E];
	_ =	swait.ge [sflag:s4], $0x0  }
0x19: {  	s7 =	sld [smem:$0x3F9F]  }
0x1a: {  	s8 =	sadd.s32 $0xFFFFE003, lr  }
0x1b: {  	s9 =	sadd.s32 $0xFFFFFEF7, lr;
	s5 =	simm.s32 $0xFFFFFFFF;
	p2 =	slt.u32 s8, $0xFFFFF086  }
0x1c: {  	p1 =	slt.u32 s9, $0xF7A;
	s5 =	simm.s32 @!p2 $0x0  }
0x1d: {  	s5 =	simm.s32 @p1 $0x1;
	p0 =	seq.s32 s7, s2  }
0x1e: {  	s7 =	smul.u32 @!p0 $0xF7A, s2;
	p2 =	seq.s32 @!p0 s5, $0x0  }
0x1f: {  	s9 =	smul.u32 $0xF7A, s1;
	s8 =	simm.s32 @!p0 $0x1BF5;
	p2 =	por !p2, p0  }
0x20: {  	[sflag:s8] =	ssyncset.s32 @!p0 $0xFFFFF086;
	s6 =	sadd.s32 @!p0 s3, s7;
	s7 =	simm.s32 @!p0 $0x108  }
0x21: {  	s3 =	sadd.s32 s3, s9;
	s6 =	sadd.s32 @!p0 $0x88, s6;
	s7 =	simm.s32 @p2 $0x1082  }
0x22: {  	[simem:s7], [sflag:s8] =	dma.local @!p0 [hbm:s6], $0xF7A  }
0x23: {  	s9 =	sor.u32 $0xD0000000, s2;
	s6 =	simm.s32 $0x108;
	_ =	swait.ge @!p0 [sflag:s8], $0x0  }
0x24: {  	s3 =	sadd.s32 $0x88, s3;
	s6 =	simm.s32 @!p1 $0x1082;
	[sflag:s4] =	ssyncset.s32 $0xFFFFF086  }
0x25: {  	[simem:s6], [sflag:s4] =	dma.local [hbm:s3], $0xF7A  }
0x26: {  	[smem:$0x3F9F] =	sst s1;
	(tag) =	ssettag s2;
	_ =	strace s9  }
0x27: {  	s1 =	sld [smem:$0x3FAF]  }
0x28: {  	s2 =	sld [smem:$0x3FB0]  }
0x29: {  	s4 =	sld [smem:$0x3FB2]  }
0x2a: {  	p0 =	seq.s32 s5, $0x0;
	s5 =	sld [smem:$0x3FB3]  }
0x2b: {  	s6 =	sld [smem:$0x3FB4]  }
0x2c: {  	s7 =	sld [smem:$0x3FB5]  }
0x2d: {  	s3 =	simm.s32 $0x108;
	s8 =	sld [smem:$0x3FB6]  }
0x2e: {  	s3 =	simm.s32 @!p0 $0x1082;
	s9 =	sld [smem:$0x3FB7]  }
0x2f: {  	lr =	sadd.s32 s0, s3;
	s0 =	sld [smem:$0x3FAE]  }
0x30: {  	s3 =	sld [smem:$0x3FB1]  }
0x31: {  	[smem:$0x3FBA] =	sst s10  }
0x32: {  	s10 =	sld [smem:$0x3FB8];
	_ =	sdelay $0x3  }
0x33: {  	p0 =	seq.s32 s10, $0x1;
	s10 =	sld [smem:$0x3FBA];
	_ =	sdelay $0x3  }
0x34: {  	[smem:$0x3FBA] =	sst s10  }
0x35: {  	s10 =	sld [smem:$0x3FB9];
	_ =	sdelay $0x3  }
0x36: {  	p1 =	seq.s32 s10, $0x1;
	s10 =	sld [smem:$0x3FBA];
	_ =	sdelay $0x3  }
0x37: {  	[smem:$0x3FBA] =	sst s10  }
0x38: {  	s10 =	sld [smem:$0x3FBB]  }
0x39: {  	_ = 	snop;
	(pc) =	sbr.ind lr, $3  }
0x3a: {  	_ = 	snop  }
0x3b: {  	_ = 	snop  }
0x3c: {  	p2 =	seq.s32 s10, $0x1;
	s10 =	sld [smem:$0x3FBA]  }
0x3d: {  	_ =	shalt  }
0x3e: {  	_ =	shalt  }
0x3f: {  	_ =	shalt  }
0x40: {  	_ =	shalt  }
0x41: {  	_ =	shalt  }
0x42: {  	_ =	shalt  }
0x43: {  	_ =	shalt  }
0x44: {  	_ =	shalt  }
0x45: {  	_ =	shalt  }
0x46: {  	_ =	shalt  }
0x47: {  	_ =	shalt  }
0x48: {  	_ =	shalt  }
0x49: {  	_ =	shalt  }
0x4a: {  	_ =	shalt  }
0x4b: {  	_ =	shalt  }
0x4c: {  	_ =	shalt  }
0x4d: {  	_ =	shalt  }
0x4e: {  	_ =	shalt  }
0x4f: {  	_ =	shalt  }
0x50: {  	_ =	shalt  }
0x51: {  	_ =	shalt  }
0x52: {  	_ =	shalt  }
0x53: {  	_ =	shalt  }
0x54: {  	_ =	shalt  }
0x55: {  	_ =	shalt  }
0x56: {  	_ =	shalt  }
0x57: {  	_ =	shalt  }
0x58: {  	_ =	shalt  }
0x59: {  	_ =	shalt  }
0x5a: {  	_ =	shalt  }
0x5b: {  	_ =	shalt  }
0x5c: {  	_ =	shalt  }
0x5d: {  	_ =	shalt  }
0x5e: {  	_ =	shalt  }
0x5f: {  	_ =	shalt  }
0x60: {  	_ =	shalt  }
0x61: {  	_ =	shalt  }
0x62: {  	_ =	shalt  }
0x63: {  	_ =	shalt  }
0x64: {  	_ =	shalt  }
0x65: {  	_ =	shalt  }
0x66: {  	_ =	shalt  }
0x67: {  	_ =	shalt  }
0x68: {  	_ =	shalt  }
0x69: {  	_ =	shalt  }
0x6a: {  	_ =	shalt  }
0x6b: {  	_ =	shalt  }
0x6c: {  	_ =	shalt  }
0x6d: {  	_ =	shalt  }
0x6e: {  	_ =	shalt  }
0x6f: {  	_ =	shalt  }
0x70: {  	_ =	shalt  }
0x71: {  	_ =	shalt  }
0x72: {  	_ =	shalt  }
0x73: {  	_ =	shalt  }
0x74: {  	_ =	shalt  }
0x75: {  	_ =	shalt  }
0x76: {  	_ =	shalt  }
0x77: {  	_ =	shalt  }
0x78: {  	_ =	shalt  }
0x79: {  	_ =	shalt  }
0x7a: {  	_ =	shalt  }
0x7b: {  	_ =	shalt  }
0x7c: {  	_ =	shalt  }
0x7d: {  	_ =	shalt  }
0x7e: {  	_ =	shalt  }
0x7f: {  	_ =	shalt  }
0x80: {  	_ =	shalt  }
0x81: {  	_ =	shalt  }
0x82: {  	_ =	shalt  }
0x83: {  	_ =	shalt  }
0x84: {  	_ =	shalt  }
0x85: {  	_ =	shalt  }
0x86: {  	_ =	shalt  }
0x87: {  	_ =	shalt  }
.Lfunc_end0:
.L_simem_size_0:
called_computation_lowered:
.L_overlay_start_0:
0x88: {  	s2 =	sld [smem:$0x3FD9]  }
0x89: {  	s3 =	sld [smem:$0x3FFE];
	_ =	sdelay $0x1  }
0x8a: {  	s1 =	srdreg.scid  }
0x8b: {  	s0 =	sand.u32 $0x1, s1  }
0x8c: {  	s17 =	sshll.u32 s0, $0xA;
	s2 =	sadd.s32 s3, s2  }
0x8d: {  	s2 =	sadd.s32 s2, s17  }
0x8e: {  	[smem:$0x3FC6] =	sst s2  }
0x8f: {  	_ = 	snop  }
0x90: {  	s2 =	sld [smem:$0x3FC9]  }
0x91: {  	s18 =	sld [smem:$0x3FD0];
	(tm) =	ssettm $0x1  }
0x92: {  	s4 =	sld [smem:$0x3FFB];
	_ =	sdelay $0x3  }
0x93: {  	_ =	strace s4  }
0x94: {  	s4 =	sld [smem:$0x3FFC];
	_ =	sdelay $0x3  }
0x95: {  	_ =	strace s4  }
0x96: {  	s4 =	sld [smem:$0x3FFD];
	_ =	sdelay $0x3  }
0x97: {  	_ =	strace s4  }
0x98: {  	_ =	strace $0x8FFFFFFF  }
0x99: {  	s19 =	sld [smem:$0x3FDB];
	_ =	sdelay $0x1  }
0x9a: {  	s5 =	simm.s32 $_scs_section_size  }
0x9b: {  	s6 =	simm.s32 $_size__tile_overlayer_lowered;
	s7 =	simm.s32 $_tile_overlayer_lowered  }
0x9c: {  	s22 =	simm.s32 $0x1BFF;
	s21 =	sshll.u32 s7, $0x1;
	s4 =	sadd.s32 s5, s19  }
0x9d: {  	s8 =	simm.s32 $0x0;
	s20 =	sshll.u32 s6, $0x1;
	s6 =	sadd.s32 s21, s4  }
0x9e: {  	[timem:s8], [sflag:s22] =	dma.local [hbm:s6], s20  }
0x9f: {  	_ =	swait.ge [sflag:s22], s20  }
0xa0: {  	s5 =	ssub.s32 $0x0, s20;
	[sflag:s22] =	ssyncset.done $0x0  }
0xa1: {  	[sflag:s22] =	ssyncadd.s32 s5;
	_ =	sdelay $0x1  }
0xa2: {  	s23 =	simm.s32 $0x1B8B  }
0xa3: {  	_ =	swait.ge [sflag:s23], $0x1  }
0xa4: {  	[sflag:s23] =	ssyncset.done $0x0  }
0xa5: {  	s25 =	simm.s32 $0x1B8E;
	s24 =	sld [smem:$0x3FFE];
	[sflag:s23] =	ssyncadd.s32 $0xFFFFFFFF  }
0xa6: {  	s26 =	simm.s32 $execute0_lowered;
	[smem:$0x3FD2] =	sst s25  }
0xa7: {  	s6 =	sshll.u32 s26, $0x1;
	_ =	strace $0x80000046;
	[dreg:$0x1] =	wrdreg $0xFFFFFFFF  }
0xa8: {  	s28 =	simm.s32 $_size_execute0_lowered;
	s4 =	sadd.s32 s4, s6;
	[dreg:$0x0] =	wrdreg $0x0  }
0xa9: {  	s6 =	sshll.u32 s28, $0x1;
	[dreg:$0x2] =	wrdreg s4  }
0xaa: {  	[dreg:$0x3] =	wrdreg s6  }
0xab: {  	[dreg:$0x4] =	wrdreg $0xC0  }
0xac: {  	_ =	task [dreg:s8], $0x5FFFF  }
0xad: {  	[dreg:$0x1] =	wrdreg $0xFFFFFFFF  }
0xae: {  	[dreg:$0x0] =	wrdreg $0x60  }
0xaf: {  	[dreg:$0x2] =	wrdreg s2  }
0xb0: {  	[dreg:$0x3] =	wrdreg s24  }
0xb1: {  	[dreg:$0x4] =	wrdreg s18  }
0xb2: {  	[dreg:$0x5] =	wrdreg $0x9  }
0xb3: {  	_ =	task.clear_ibuf [dreg:s8], $0x6FFFF;
	_ =	strace $0x90000046  }
0xb4: {  	s29 =	simm.s32 $0x9;
	_ =	strace $0x80000048  }
0xb5: {  	_ =	swait.ge [sflag:s29], $0x1  }
0xb6: {  	[sflag:s29] =	ssyncadd.s32 $0xFFFFFFFF  }
0xb7: {  	_ =	strace $0x90000048  }
0xb8: {  	_ =	sfence  }
0xb9: {  	s30 =	sld [smem:$0x0];
	_ =	sdelay $0x2  }
0xba: {  	s31 =	sshll.u32 s1, $0xD;
	s1 =	sshrl.u32 s1, $0x2  }
0xbb: {  	s3 =	sand.u32 $0x4000, s31;
	s1 =	sadd.s32 s1, s30  }
0xbc: {  	s0 =	sor.u32 s3, s0;
	s1 =	sshll.u32 s1, $0x11  }
0xbd: {  	s0 =	sor.u32 s1, s0  }
0xbe: {  	s0 =	sadd.s32 $0x8F2B, s0  }
0xbf: {  	[sflag:s0] =	ssyncadd.remote.s32 $0x1  }
0xc0: {  	_ =	sfence.sel $0xFFFF  }
0xc1: {  	[dreg:$0x0] =	wrdreg $0xFFFFFFFF;
	(pc) =	sbr.abs _section_cstart, $3  }
0xc2: {  	[dreg:$0x1] =	wrdreg $0xFFFFFFFF  }
0xc3: {  	_ =	task.clear_ibuf [dreg:s8], $0x2FFFF;
	_ =	strace $0x9FFFFFFF  }
0xc4: {  	(tm) =	ssettm $0x7FFFFFFF  }
0xc5: {  	_ =	shalt  }
tec
execute0_lowered:
.L_overlay_start_1:
0x0: {  	(tag) =	ssettag $0x1  }
0x1: {  	s0 =	rddreg [dreg:$0x0]  }
0x2: {  	s1 =	srdreg.scid;
	s2 =	stileid.u32  }
0x3: {  	s5 =	rddreg [dreg:$0x1];
	s18 =	simm.s32 $0x1;
	s19 =	simm.s32 $0xC800  }
0x4: {  	s20 =	simm.s32 $0x2;
	s1 =	sand.u32 $0x1, s1;
	s3 =	sshll.u32 s2, $0x1  }
0x5: {  	s21 =	simm.s32 $0x12C00;
	s4 =	sor.u32 s1, s3;
	s1 =	ssub.s32 $0x2, s1  }
0x6: {  	s24 =	simm.s32 $0x0;
	s4 =	smul.u32 $0x6400, s4;
	s6 =	sshrl.u32 s1, $0x1  }
0x7: {  	s2 =	rddreg [dreg:$0x2];
	s3 =	simm.s32 $0x0;
	s1 =	ssub.s32 s1, s6  }
0x8: {  	[smem:$0x7FF] =	sst s3;
	s7 =	sshrl.u32 s4, $0x3;
	s31 =	smax.u32 s1, $0x1  }
0x9: {  	_ =	strace $0x80000047;
	s0 =	sadd.s32 s0, s7;
	[dreg:$0x5] =	wrdreg s31  }
0xa: {  	s5 =	sadd.s32 $0xF42800, s5;
	s7 =	sor.u32 $0xC8, s4;
	[dreg:$0x4] =	wrdreg s0  }
.LBB2_1:
0xb: {  	s0 =	rddreg [dreg:$0x4];
	s25 =	simm.s32 $0x5  }
0xc: {  	[tilespmem:s3], [sflag:$0x5] =	stream.linear.gather [hbm4b:s0+s3], $0x6400, $0x38;
	[tilespmem:$0x19000] =	vst v63  }
0xd: {  	_ =	swait.ge [sflag:s25], $0x6400  }
0xe: {  	[sflag:s25] =	ssyncset.done $0x0  }
0xf: {  	s26 =	simm.s32 $0x80;
	s1 =	simm.s32 $0x6400;
	[sflag:s25] =	ssyncadd.s32 $0xFFFF9C00  }
0x10: {  	[tilespmem:s1], [sflag:$0x1] =	stream.indirect.gather [hbm4b:s5+s26], $0x40, s3, s26, $0xb8;
	[tilespmem:$0x19000] =	vst v63  }
0x11: {  	s28 =	simm.s32 $0x48;
	s6 =	simm.s32 $0x8400  }
0x12: {  	[tilespmem:s6], [sflag:$0x1] =	stream.indirect.gather [hbm4b:s5+s28], $0x40, s26, s28, $0xb8;
	[tilespmem:$0x19000] =	vst v63  }
0x13: {  	s29 =	simm.s32 $0xC8;
	s8 =	simm.s32 $0x9600  }
0x14: {  	[tilespmem:s8], [sflag:$0x2] =	stream.indirect.gather [hbm4b:s5+s26], $0x40, s29, s26, $0xb8;
	[tilespmem:$0x19000] =	vst v63  }
0x15: {  	s30 =	simm.s32 $0x148;
	s31 =	simm.s32 $0xB600;
	s25 =	simm.s32 $0x0  }
0x16: {  	[tilespmem:s31], [sflag:$0x2] =	stream.indirect.gather [hbm4b:s5+s28], $0x40, s30, s28, $0xb8;
	[tilespmem:$0x19000] =	vst v63  }
.LBB2_2:
0x17: {  	_ =	swait.ge [sflag:s18], $0x2000  }
0x18: {  	[sflag:s18] =	ssyncset.done $0x0  }
0x19: {  	[sflag:s18] =	ssyncadd.s32 $0xFFFFE000  }
0x1a: {  	_ =	swait.ge [sflag:s18], $0x1200  }
0x1b: {  	p1 =	seq.s32 s25, $0x0;
	[sflag:s18] =	ssyncset.done $0x0  }
0x1c: {  	s0 =	simm.s32 @!p1 $0x3;
	[sflag:s18] =	ssyncadd.s32 $0xFFFFEE00  }
0x1d: {  	_ =	swait.ge @!p1 [sflag:s0], $0x6400  }
0x1e: {  	[sflag:s0] =	ssyncset.done @!p1 $0x0  }
0x1f: {  	s6 =	simm.s32 $0x6500;
	[sflag:s0] =	ssyncadd.s32 @!p1 $0xFFFF9C00  }
0x20: {  	v0 =	vld [tilespmem:s6+$0xFFFFFF00];
	_ =	sdelay $0x4  }
0x21: {  	v0 =	vmul.f32 $8.000000000e+00, v0  }
0x22: {  	s12 =	simm.s32 $0xCA00  }
0x23: {  	[tilespmem:s12+$0xFFFFFE00] =	vst v0  }
0x24: {  	v0 =	vld [tilespmem:s6+$0xFFFFFF10];
	_ =	sdelay $0x4  }
0x25: {  	v0 =	vmul.f32 $8.000000000e+00, v0;
	_ =	sdelay $0x1  }
0x26: {  	[tilespmem:s12+$0xFFFFFE10] =	vst v0  }
0x27: {  	v0 =	vld [tilespmem:s6+$0xFFFFFF20];
	_ =	sdelay $0x4  }
0x28: {  	v0 =	vmul.f32 $8.000000000e+00, v0;
	_ =	sdelay $0x1  }
0x29: {  	[tilespmem:s12+$0xFFFFFE20] =	vst v0  }
0x2a: {  	v0 =	vld [tilespmem:s6+$0xFFFFFF30];
	_ =	sdelay $0x4  }
0x2b: {  	v0 =	vmul.f32 $8.000000000e+00, v0  }
0x2c: {  	s28 =	simm.s32 $0x6700  }
0x2d: {  	[tilespmem:s12+$0xFFFFFE30] =	vst v0;
	v0 =	vld [tilespmem:s28+$0xFFFFFF00]  }
0x2e: {  	v1 =	vld [tilespmem:s6+$0xFFFFFF40];
	_ =	sdelay $0x3  }
0x2f: {  	v0 =	vmul.f32 $8.000000000e+00, v0  }
0x30: {  	s26 =	simm.s32 $0xCE00;
	v1 =	vmul.f32 $8.000000000e+00, v1  }
0x31: {  	[tilespmem:s26+$0xFFFFFE00] =	vst v0  }
0x32: {  	v0 =	vld [tilespmem:s28+$0xFFFFFF10];
	[tilespmem:s12+$0xFFFFFE80] =	vst v1  }
0x33: {  	v1 =	vld [tilespmem:s6+$0xFFFFFF50];
	_ =	sdelay $0x3  }
0x34: {  	v0 =	vmul.f32 $8.000000000e+00, v0  }
0x35: {  	v1 =	vmul.f32 $8.000000000e+00, v1  }
0x36: {  	[tilespmem:s26+$0xFFFFFE10] =	vst v0  }
0x37: {  	v0 =	vld [tilespmem:s28+$0xFFFFFF20];
	[tilespmem:s12+$0xFFFFFE90] =	vst v1  }
0x38: {  	v1 =	vld [tilespmem:s6+$0xFFFFFF60];
	_ =	sdelay $0x3  }
0x39: {  	v0 =	vmul.f32 $8.000000000e+00, v0  }
0x3a: {  	v1 =	vmul.f32 $8.000000000e+00, v1  }
0x3b: {  	[tilespmem:s26+$0xFFFFFE20] =	vst v0  }
0x3c: {  	v0 =	vld [tilespmem:s28+$0xFFFFFF30];
	[tilespmem:s12+$0xFFFFFEA0] =	vst v1  }
0x3d: {  	v1 =	vld [tilespmem:s6+$0xFFFFFF70];
	_ =	sdelay $0x3  }
0x3e: {  	v0 =	vmul.f32 $8.000000000e+00, v0  }
0x3f: {  	s30 =	simm.s32 $0x6900;
	v1 =	vmul.f32 $8.000000000e+00, v1  }
0x40: {  	[tilespmem:s26+$0xFFFFFE30] =	vst v0;
	v0 =	vld [tilespmem:s30+$0xFFFFFF00]  }
0x41: {  	[tilespmem:s12+$0xFFFFFEB0] =	vst v1;
	v1 =	vld [tilespmem:s28+$0xFFFFFF40]  }
0x42: {  	v2 =	vld [tilespmem:s6+$0xFFFFFF80];
	_ =	sdelay $0x2  }
0x43: {  	v0 =	vmul.f32 $8.000000000e+00, v0  }
0x44: {  	s29 =	simm.s32 $0xD200;
	v1 =	vmul.f32 $8.000000000e+00, v1  }
0x45: {  	[tilespmem:s29+$0xFFFFFE00] =	vst v0;
	v0 =	vmul.f32 $8.000000000e+00, v2  }
0x46: {  	v2 =	vld [tilespmem:s30+$0xFFFFFF10];
	[tilespmem:s26+$0xFFFFFE80] =	vst v1  }
0x47: {  	v1 =	vld [tilespmem:s28+$0xFFFFFF50];
	[tilespmem:s12+$0xFFFFFF00] =	vst v0  }
0x48: {  	v0 =	vld [tilespmem:s6+$0xFFFFFF90];
	_ =	sdelay $0x2  }
0x49: {  	v2 =	vmul.f32 $8.000000000e+00, v2  }
0x4a: {  	v1 =	vmul.f32 $8.000000000e+00, v1  }
0x4b: {  	[tilespmem:s29+$0xFFFFFE10] =	vst v2;
	v0 =	vmul.f32 $8.000000000e+00, v0  }
0x4c: {  	v2 =	vld [tilespmem:s30+$0xFFFFFF20];
	[tilespmem:s26+$0xFFFFFE90] =	vst v1  }
0x4d: {  	v1 =	vld [tilespmem:s28+$0xFFFFFF60];
	[tilespmem:s12+$0xFFFFFF10] =	vst v0  }
0x4e: {  	v0 =	vld [tilespmem:s6+$0xFFFFFFA0];
	_ =	sdelay $0x2  }
0x4f: {  	v2 =	vmul.f32 $8.000000000e+00, v2  }
0x50: {  	v1 =	vmul.f32 $8.000000000e+00, v1  }
0x51: {  	[tilespmem:s29+$0xFFFFFE20] =	vst v2;
	v0 =	vmul.f32 $8.000000000e+00, v0  }
0x52: {  	v2 =	vld [tilespmem:s30+$0xFFFFFF30];
	[tilespmem:s26+$0xFFFFFEA0] =	vst v1  }
0x53: {  	v1 =	vld [tilespmem:s28+$0xFFFFFF70];
	[tilespmem:s12+$0xFFFFFF20] =	vst v0  }
0x54: {  	v0 =	vld [tilespmem:s6+$0xFFFFFFB0];
	_ =	sdelay $0x2  }
0x55: {  	v2 =	vmul.f32 $8.000000000e+00, v2  }
0x56: {  	s0 =	simm.s32 $0x6B00;
	v1 =	vmul.f32 $8.000000000e+00, v1  }
0x57: {  	[tilespmem:s29+$0xFFFFFE30] =	vst v2;
	v0 =	vmul.f32 $8.000000000e+00, v0;
	v2 =	vld [tilespmem:s0+$0xFFFFFF00]  }
0x58: {  	[tilespmem:s26+$0xFFFFFEB0] =	vst v1;
	v1 =	vld [tilespmem:s30+$0xFFFFFF40]  }
0x59: {  	[tilespmem:s12+$0xFFFFFF30] =	vst v0;
	v0 =	vld [tilespmem:s28+$0xFFFFFF80]  }
0x5a: {  	v3 =	vld [tilespmem:s6+$0xFFFFFFC0];
	_ =	sdelay $0x1  }
0x5b: {  	v2 =	vmul.f32 $8.000000000e+00, v2  }
0x5c: {  	s1 =	simm.s32 $0xD600;
	v1 =	vmul.f32 $8.000000000e+00, v1  }
0x5d: {  	[tilespmem:s1+$0xFFFFFE00] =	vst v2;
	v0 =	vmul.f32 $8.000000000e+00, v0  }
0x5e: {  	v2 =	vld [tilespmem:s0+$0xFFFFFF10];
	[tilespmem:s29+$0xFFFFFE80] =	vst v1;
	v1 =	vmul.f32 $8.000000000e+00, v3  }
0x5f: {  	v3 =	vld [tilespmem:s30+$0xFFFFFF50];
	[tilespmem:s26+$0xFFFFFF00] =	vst v0  }
0x60: {  	v0 =	vld [tilespmem:s28+$0xFFFFFF90];
	[tilespmem:s12+$0xFFFFFF80] =	vst v1  }
0x61: {  	v1 =	vld [tilespmem:s6+$0xFFFFFFD0];
	_ =	sdelay $0x1  }
0x62: {  	v2 =	vmul.f32 $8.000000000e+00, v2  }
0x63: {  	v3 =	vmul.f32 $8.000000000e+00, v3  }
0x64: {  	[tilespmem:s1+$0xFFFFFE10] =	vst v2;
	v0 =	vmul.f32 $8.000000000e+00, v0  }
0x65: {  	v2 =	vld [tilespmem:s0+$0xFFFFFF20];
	[tilespmem:s29+$0xFFFFFE90] =	vst v3;
	v1 =	vmul.f32 $8.000000000e+00, v1  }
0x66: {  	v3 =	vld [tilespmem:s30+$0xFFFFFF60];
	[tilespmem:s26+$0xFFFFFF10] =	vst v0  }
0x67: {  	v0 =	vld [tilespmem:s28+$0xFFFFFFA0];
	[tilespmem:s12+$0xFFFFFF90] =	vst v1  }
0x68: {  	v1 =	vld [tilespmem:s6+$0xFFFFFFE0];
	_ =	sdelay $0x1  }
0x69: {  	v2 =	vmul.f32 $8.000000000e+00, v2  }
0x6a: {  	v3 =	vmul.f32 $8.000000000e+00, v3  }
0x6b: {  	[tilespmem:s1+$0xFFFFFE20] =	vst v2;
	v0 =	vmul.f32 $8.000000000e+00, v0  }
0x6c: {  	v2 =	vld [tilespmem:s0+$0xFFFFFF30];
	[tilespmem:s29+$0xFFFFFEA0] =	vst v3;
	v1 =	vmul.f32 $8.000000000e+00, v1  }
0x6d: {  	v3 =	vld [tilespmem:s30+$0xFFFFFF70];
	[tilespmem:s26+$0xFFFFFF20] =	vst v0  }
0x6e: {  	v0 =	vld [tilespmem:s28+$0xFFFFFFB0];
	[tilespmem:s12+$0xFFFFFFA0] =	vst v1  }
0x6f: {  	v1 =	vld [tilespmem:s6+$0xFFFFFFF0];
	_ =	sdelay $0x1  }
0x70: {  	v2 =	vmul.f32 $8.000000000e+00, v2  }
0x71: {  	s11 =	simm.s32 $0x6D00;
	v3 =	vmul.f32 $8.000000000e+00, v3  }
0x72: {  	[tilespmem:s1+$0xFFFFFE30] =	vst v2;
	v0 =	vmul.f32 $8.000000000e+00, v0;
	v2 =	vld [tilespmem:s11+$0xFFFFFF00]  }
0x73: {  	[tilespmem:s29+$0xFFFFFEB0] =	vst v3;
	v1 =	vmul.f32 $8.000000000e+00, v1;
	v3 =	vld [tilespmem:s0+$0xFFFFFF40]  }
0x74: {  	[tilespmem:s26+$0xFFFFFF30] =	vst v0;
	v0 =	vld [tilespmem:s30+$0xFFFFFF80]  }
0x75: {  	[tilespmem:s12+$0xFFFFFFB0] =	vst v1;
	v1 =	vld [tilespmem:s28+$0xFFFFFFC0]  }
0x76: {  	v4 =	vld [tilespmem:s6+$0x0]  }
0x77: {  	v2 =	vmul.f32 $8.000000000e+00, v2  }
0x78: {  	s13 =	simm.s32 $0xDA00;
	v3 =	vmul.f32 $8.000000000e+00, v3  }
0x79: {  	[tilespmem:s13+$0xFFFFFE00] =	vst v2;
	v0 =	vmul.f32 $8.000000000e+00, v0  }
0x7a: {  	v2 =	vld [tilespmem:s11+$0xFFFFFF10];
	[tilespmem:s1+$0xFFFFFE80] =	vst v3;
	v1 =	vmul.f32 $8.000000000e+00, v1  }
0x7b: {  	v3 =	vld [tilespmem:s0+$0xFFFFFF50];
	[tilespmem:s29+$0xFFFFFF00] =	vst v0;
	v0 =	vmul.f32 $8.000000000e+00, v4  }
0x7c: {  	v4 =	vld [tilespmem:s30+$0xFFFFFF90];
	[tilespmem:s26+$0xFFFFFF80] =	vst v1  }
0x7d: {  	v1 =	vld [tilespmem:s28+$0xFFFFFFD0];
	[tilespmem:s12+$0x0] =	vst v0  }
0x7e: {  	v0 =	vld [tilespmem:s6+$0x10]  }
0x7f: {  	v2 =	vmul.f32 $8.000000000e+00, v2  }
0x80: {  	v3 =	vmul.f32 $8.000000000e+00, v3  }
0x81: {  	[tilespmem:s13+$0xFFFFFE10] =	vst v2;
	v2 =	vmul.f32 $8.000000000e+00, v4  }
0x82: {  	v4 =	vld [tilespmem:s11+$0xFFFFFF20];
	[tilespmem:s1+$0xFFFFFE90] =	vst v3;
	v1 =	vmul.f32 $8.000000000e+00, v1  }
0x83: {  	v3 =	vld [tilespmem:s0+$0xFFFFFF60];
	[tilespmem:s29+$0xFFFFFF10] =	vst v2;
	v0 =	vmul.f32 $8.000000000e+00, v0  }
0x84: {  	v2 =	vld [tilespmem:s30+$0xFFFFFFA0];
	[tilespmem:s26+$0xFFFFFF90] =	vst v1  }
0x85: {  	v1 =	vld [tilespmem:s28+$0xFFFFFFE0];
	[tilespmem:s12+$0x10] =	vst v0  }
0x86: {  	v0 =	vld [tilespmem:s6+$0x20]  }
0x87: {  	v4 =	vmul.f32 $8.000000000e+00, v4  }
0x88: {  	v3 =	vmul.f32 $8.000000000e+00, v3  }
0x89: {  	[tilespmem:s13+$0xFFFFFE20] =	vst v4;
	v2 =	vmul.f32 $8.000000000e+00, v2  }
0x8a: {  	v4 =	vld [tilespmem:s11+$0xFFFFFF30];
	[tilespmem:s1+$0xFFFFFEA0] =	vst v3;
	v1 =	vmul.f32 $8.000000000e+00, v1  }
0x8b: {  	v3 =	vld [tilespmem:s0+$0xFFFFFF70];
	[tilespmem:s29+$0xFFFFFF20] =	vst v2;
	v0 =	vmul.f32 $8.000000000e+00, v0  }
0x8c: {  	v2 =	vld [tilespmem:s30+$0xFFFFFFB0];
	[tilespmem:s26+$0xFFFFFFA0] =	vst v1  }
0x8d: {  	v1 =	vld [tilespmem:s28+$0xFFFFFFF0];
	[tilespmem:s12+$0x20] =	vst v0  }
0x8e: {  	v0 =	vld [tilespmem:s6+$0x30]  }
0x8f: {  	v4 =	vmul.f32 $8.000000000e+00, v4  }
0x90: {  	s15 =	simm.s32 $0x6F00;
	v3 =	vmul.f32 $8.000000000e+00, v3  }
0x91: {  	[tilespmem:s13+$0xFFFFFE30] =	vst v4;
	v2 =	vmul.f32 $8.000000000e+00, v2;
	v4 =	vld [tilespmem:s15+$0xFFFFFF00]  }
0x92: {  	[tilespmem:s1+$0xFFFFFEB0] =	vst v3;
	v1 =	vmul.f32 $8.000000000e+00, v1;
	v3 =	vld [tilespmem:s11+$0xFFFFFF40]  }
0x93: {  	[tilespmem:s29+$0xFFFFFF30] =	vst v2;
	v0 =	vmul.f32 $8.000000000e+00, v0;
	v2 =	vld [tilespmem:s0+$0xFFFFFF80]  }
0x94: {  	[tilespmem:s26+$0xFFFFFFB0] =	vst v1;
	v1 =	vld [tilespmem:s30+$0xFFFFFFC0]  }
0x95: {  	[tilespmem:s12+$0x30] =	vst v0;
	v0 =	vld [tilespmem:s28+$0x0]  }
0x96: {  	v4 =	vmul.f32 $8.000000000e+00, v4;
	v5 =	vld [tilespmem:s6+$0x40]  }
0x97: {  	s14 =	simm.s32 $0xDE00;
	v3 =	vmul.f32 $8.000000000e+00, v3  }
0x98: {  	[tilespmem:s14+$0xFFFFFE00] =	vst v4;
	v2 =	vmul.f32 $8.000000000e+00, v2  }
0x99: {  	v4 =	vld [tilespmem:s15+$0xFFFFFF10];
	[tilespmem:s13+$0xFFFFFE80] =	vst v3;
	v1 =	vmul.f32 $8.000000000e+00, v1  }
0x9a: {  	v3 =	vld [tilespmem:s11+$0xFFFFFF50];
	[tilespmem:s1+$0xFFFFFF00] =	vst v2;
	v0 =	vmul.f32 $8.000000000e+00, v0  }
0x9b: {  	v2 =	vld [tilespmem:s0+$0xFFFFFF90];
	[tilespmem:s29+$0xFFFFFF80] =	vst v1;
	v1 =	vmul.f32 $8.000000000e+00, v5  }
0x9c: {  	v5 =	vld [tilespmem:s30+$0xFFFFFFD0];
	[tilespmem:s26+$0x0] =	vst v0  }
0x9d: {  	v0 =	vld [tilespmem:s28+$0x10];
	[tilespmem:s12+$0x80] =	vst v1  }
0x9e: {  	v1 =	vmul.f32 $8.000000000e+00, v4;
	v4 =	vld [tilespmem:s6+$0x50]  }
0x9f: {  	v3 =	vmul.f32 $8.000000000e+00, v3  }
0xa0: {  	[tilespmem:s14+$0xFFFFFE10] =	vst v1;
	v1 =	vmul.f32 $8.000000000e+00, v2  }
0xa1: {  	v2 =	vld [tilespmem:s15+$0xFFFFFF20];
	[tilespmem:s13+$0xFFFFFE90] =	vst v3;
	v3 =	vmul.f32 $8.000000000e+00, v5  }
0xa2: {  	v5 =	vld [tilespmem:s11+$0xFFFFFF60];
	[tilespmem:s1+$0xFFFFFF10] =	vst v1;
	v0 =	vmul.f32 $8.000000000e+00, v0  }
0xa3: {  	v1 =	vld [tilespmem:s0+$0xFFFFFFA0];
	[tilespmem:s29+$0xFFFFFF90] =	vst v3;
	v3 =	vmul.f32 $8.000000000e+00, v4  }
0xa4: {  	v4 =	vld [tilespmem:s30+$0xFFFFFFE0];
	[tilespmem:s26+$0x10] =	vst v0  }
0xa5: {  	v0 =	vld [tilespmem:s28+$0x20];
	[tilespmem:s12+$0x90] =	vst v3  }
0xa6: {  	v2 =	vmul.f32 $8.000000000e+00, v2;
	v3 =	vld [tilespmem:s6+$0x60]  }
0xa7: {  	v5 =	vmul.f32 $8.000000000e+00, v5  }
0xa8: {  	[tilespmem:s14+$0xFFFFFE20] =	vst v2;
	v1 =	vmul.f32 $8.000000000e+00, v1  }
0xa9: {  	v2 =	vld [tilespmem:s15+$0xFFFFFF30];
	[tilespmem:s13+$0xFFFFFEA0] =	vst v5;
	v4 =	vmul.f32 $8.000000000e+00, v4  }
0xaa: {  	v5 =	vld [tilespmem:s11+$0xFFFFFF70];
	[tilespmem:s1+$0xFFFFFF20] =	vst v1;
	v0 =	vmul.f32 $8.000000000e+00, v0  }
0xab: {  	v1 =	vld [tilespmem:s0+$0xFFFFFFB0];
	[tilespmem:s29+$0xFFFFFFA0] =	vst v4;
	v3 =	vmul.f32 $8.000000000e+00, v3  }
0xac: {  	v4 =	vld [tilespmem:s30+$0xFFFFFFF0];
	[tilespmem:s26+$0x20] =	vst v0  }
0xad: {  	v0 =	vld [tilespmem:s28+$0x30];
	[tilespmem:s12+$0xA0] =	vst v3  }
0xae: {  	v2 =	vmul.f32 $8.000000000e+00, v2;
	v3 =	vld [tilespmem:s6+$0x70]  }
0xaf: {  	s16 =	simm.s32 $0x7100;
	v5 =	vmul.f32 $8.000000000e+00, v5  }
0xb0: {  	[tilespmem:s14+$0xFFFFFE30] =	vst v2;
	v1 =	vmul.f32 $8.000000000e+00, v1;
	v2 =	vld [tilespmem:s16+$0xFFFFFF00]  }
0xb1: {  	[tilespmem:s13+$0xFFFFFEB0] =	vst v5;
	v4 =	vmul.f32 $8.000000000e+00, v4;
	v5 =	vld [tilespmem:s15+$0xFFFFFF40]  }
0xb2: {  	[tilespmem:s1+$0xFFFFFF30] =	vst v1;
	v0 =	vmul.f32 $8.000000000e+00, v0;
	v1 =	vld [tilespmem:s11+$0xFFFFFF80]  }
0xb3: {  	[tilespmem:s29+$0xFFFFFFB0] =	vst v4;
	v3 =	vmul.f32 $8.000000000e+00, v3;
	v4 =	vld [tilespmem:s0+$0xFFFFFFC0]  }
0xb4: {  	[tilespmem:s26+$0x30] =	vst v0;
	v0 =	vld [tilespmem:s30+$0x0]  }
0xb5: {  	[tilespmem:s12+$0xB0] =	vst v3;
	v2 =	vmul.f32 $8.000000000e+00, v2;
	v3 =	vld [tilespmem:s28+$0x40]  }
0xb6: {  	s17 =	simm.s32 $0xE200;
	v5 =	vmul.f32 $8.000000000e+00, v5;
	v6 =	vld [tilespmem:s6+$0x80]  }
0xb7: {  	[tilespmem:s17+$0xFFFFFE00] =	vst v2;
	v1 =	vmul.f32 $8.000000000e+00, v1  }
0xb8: {  	v2 =	vld [tilespmem:s16+$0xFFFFFF10];
	[tilespmem:s14+$0xFFFFFE80] =	vst v5;
	v4 =	vmul.f32 $8.000000000e+00, v4  }
0xb9: {  	v5 =	vld [tilespmem:s15+$0xFFFFFF50];
	[tilespmem:s13+$0xFFFFFF00] =	vst v1;
	v0 =	vmul.f32 $8.000000000e+00, v0  }
0xba: {  	v1 =	vld [tilespmem:s11+$0xFFFFFF90];
	[tilespmem:s1+$0xFFFFFF80] =	vst v4;
	v3 =	vmul.f32 $8.000000000e+00, v3  }
0xbb: {  	v4 =	vld [tilespmem:s0+$0xFFFFFFD0];
	[tilespmem:s29+$0x0] =	vst v0;
	v0 =	vmul.f32 $8.000000000e+00, v6  }
0xbc: {  	v6 =	vld [tilespmem:s30+$0x10];
	[tilespmem:s26+$0x80] =	vst v3  }
0xbd: {  	v2 =	vmul.f32 $8.000000000e+00, v2;
	v3 =	vld [tilespmem:s28+$0x50];
	[tilespmem:s12+$0x100] =	vst v0  }
0xbe: {  	v0 =	vmul.f32 $8.000000000e+00, v5;
	v5 =	vld [tilespmem:s6+$0x90]  }
0xbf: {  	[tilespmem:s17+$0xFFFFFE10] =	vst v2;
	v1 =	vmul.f32 $8.000000000e+00, v1  }
0xc0: {  	v2 =	vld [tilespmem:s16+$0xFFFFFF20];
	[tilespmem:s14+$0xFFFFFE90] =	vst v0;
	v0 =	vmul.f32 $8.000000000e+00, v4  }
0xc1: {  	v4 =	vld [tilespmem:s15+$0xFFFFFF60];
	[tilespmem:s13+$0xFFFFFF10] =	vst v1;
	v1 =	vmul.f32 $8.000000000e+00, v6  }
0xc2: {  	v6 =	vld [tilespmem:s11+$0xFFFFFFA0];
	[tilespmem:s1+$0xFFFFFF90] =	vst v0;
	v0 =	vmul.f32 $8.000000000e+00, v3  }
0xc3: {  	v3 =	vld [tilespmem:s0+$0xFFFFFFE0];
	[tilespmem:s29+$0x10] =	vst v1;
	v1 =	vmul.f32 $8.000000000e+00, v5  }
0xc4: {  	v5 =	vld [tilespmem:s30+$0x20];
	[tilespmem:s26+$0x90] =	vst v0  }
0xc5: {  	v0 =	vmul.f32 $8.000000000e+00, v2;
	v2 =	vld [tilespmem:s28+$0x60];
	[tilespmem:s12+$0x110] =	vst v1  }
0xc6: {  	v1 =	vmul.f32 $8.000000000e+00, v4;
	v4 =	vld [tilespmem:s6+$0xA0]  }
0xc7: {  	[tilespmem:s17+$0xFFFFFE20] =	vst v0;
	v0 =	vmul.f32 $8.000000000e+00, v6  }
0xc8: {  	v6 =	vld [tilespmem:s16+$0xFFFFFF30];
	[tilespmem:s14+$0xFFFFFEA0] =	vst v1;
	v1 =	vmul.f32 $8.000000000e+00, v3  }
0xc9: {  	v3 =	vld [tilespmem:s15+$0xFFFFFF70];
	[tilespmem:s13+$0xFFFFFF20] =	vst v0;
	v0 =	vmul.f32 $8.000000000e+00, v5  }
0xca: {  	v5 =	vld [tilespmem:s11+$0xFFFFFFB0];
	[tilespmem:s1+$0xFFFFFFA0] =	vst v1;
	v1 =	vmul.f32 $8.000000000e+00, v2  }
0xcb: {  	v2 =	vld [tilespmem:s0+$0xFFFFFFF0];
	[tilespmem:s29+$0x20] =	vst v0;
	v0 =	vmul.f32 $8.000000000e+00, v4  }
0xcc: {  	v4 =	vld [tilespmem:s30+$0x30];
	[tilespmem:s26+$0xA0] =	vst v1  }
0xcd: {  	v1 =	vmul.f32 $8.000000000e+00, v6;
	v6 =	vld [tilespmem:s28+$0x70];
	[tilespmem:s12+$0x120] =	vst v0  }
0xce: {  	s31 =	simm.s32 $0x7300;
	v0 =	vmul.f32 $8.000000000e+00, v3;
	v3 =	vld [tilespmem:s6+$0xB0]  }
0xcf: {  	[tilespmem:s17+$0xFFFFFE30] =	vst v1;
	v1 =	vmul.f32 $8.000000000e+00, v5;
	v5 =	vld [tilespmem:s31+$0xFFFFFF00]  }
0xd0: {  	[tilespmem:s14+$0xFFFFFEB0] =	vst v0;
	v0 =	vmul.f32 $8.000000000e+00, v2;
	v2 =	vld [tilespmem:s16+$0xFFFFFF40]  }
0xd1: {  	[tilespmem:s13+$0xFFFFFF30] =	vst v1;
	v1 =	vmul.f32 $8.000000000e+00, v4;
	v4 =	vld [tilespmem:s15+$0xFFFFFF80]  }
0xd2: {  	[tilespmem:s1+$0xFFFFFFB0] =	vst v0;
	v0 =	vmul.f32 $8.000000000e+00, v6;
	v6 =	vld [tilespmem:s11+$0xFFFFFFC0]  }
0xd3: {  	[tilespmem:s29+$0x30] =	vst v1;
	v1 =	vmul.f32 $8.000000000e+00, v3;
	v3 =	vld [tilespmem:s0+$0x0]  }
0xd4: {  	[tilespmem:s26+$0xB0] =	vst v0;
	v0 =	vmul.f32 $8.000000000e+00, v5;
	v5 =	vld [tilespmem:s30+$0x40]  }
0xd5: {  	s8 =	simm.s32 $0xE600;
	[tilespmem:s12+$0x130] =	vst v1;
	v1 =	vmul.f32 $8.000000000e+00, v2;
	v2 =	vld [tilespmem:s28+$0x80]  }
0xd6: {  	[tilespmem:s8+$0xFFFFFE00] =	vst v0;
	v0 =	vmul.f32 $8.000000000e+00, v4;
	v4 =	vld [tilespmem:s6+$0xC0]  }
0xd7: {  	v7 =	vld [tilespmem:s31+$0xFFFFFF10];
	[tilespmem:s17+$0xFFFFFE80] =	vst v1;
	v1 =	vmul.f32 $8.000000000e+00, v6  }
0xd8: {  	v6 =	vld [tilespmem:s16+$0xFFFFFF50];
	[tilespmem:s14+$0xFFFFFF00] =	vst v0;
	v0 =	vmul.f32 $8.000000000e+00, v3  }
0xd9: {  	v3 =	vld [tilespmem:s15+$0xFFFFFF90];
	[tilespmem:s13+$0xFFFFFF80] =	vst v1;
	v1 =	vmul.f32 $8.000000000e+00, v5  }
0xda: {  	v5 =	vld [tilespmem:s11+$0xFFFFFFD0];
	[tilespmem:s1+$0x0] =	vst v0;
	v0 =	vmul.f32 $8.000000000e+00, v2  }
0xdb: {  	v2 =	vld [tilespmem:s0+$0x10];
	[tilespmem:s29+$0x80] =	vst v1;
	v1 =	vmul.f32 $8.000000000e+00, v4  }
0xdc: {  	v4 =	vmul.f32 $8.000000000e+00, v7;
	v7 =	vld [tilespmem:s30+$0x50];
	[tilespmem:s26+$0x100] =	vst v0  }
0xdd: {  	v0 =	vmul.f32 $8.000000000e+00, v6;
	v6 =	vld [tilespmem:s28+$0x90];
	[tilespmem:s12+$0x180] =	vst v1  }
0xde: {  	[tilespmem:s8+$0xFFFFFE10] =	vst v4;
	v1 =	vmul.f32 $8.000000000e+00, v3;
	v3 =	vld [tilespmem:s6+$0xD0]  }
0xdf: {  	v4 =	vld [tilespmem:s31+$0xFFFFFF20];
	[tilespmem:s17+$0xFFFFFE90] =	vst v0;
	v0 =	vmul.f32 $8.000000000e+00, v5  }
0xe0: {  	v5 =	vld [tilespmem:s16+$0xFFFFFF60];
	[tilespmem:s14+$0xFFFFFF10] =	vst v1;
	v1 =	vmul.f32 $8.000000000e+00, v2  }
0xe1: {  	v2 =	vld [tilespmem:s15+$0xFFFFFFA0];
	[tilespmem:s13+$0xFFFFFF90] =	vst v0;
	v0 =	vmul.f32 $8.000000000e+00, v7  }
0xe2: {  	v7 =	vld [tilespmem:s11+$0xFFFFFFE0];
	[tilespmem:s1+$0x10] =	vst v1;
	v1 =	vmul.f32 $8.000000000e+00, v6  }
0xe3: {  	v6 =	vld [tilespmem:s0+$0x20];
	[tilespmem:s29+$0x90] =	vst v0;
	v0 =	vmul.f32 $8.000000000e+00, v3  }
0xe4: {  	v3 =	vmul.f32 $8.000000000e+00, v4;
	v4 =	vld [tilespmem:s30+$0x60];
	[tilespmem:s26+$0x110] =	vst v1  }
0xe5: {  	v1 =	vmul.f32 $8.000000000e+00, v5;
	v5 =	vld [tilespmem:s28+$0xA0];
	[tilespmem:s12+$0x190] =	vst v0  }
0xe6: {  	[tilespmem:s8+$0xFFFFFE20] =	vst v3;
	v0 =	vmul.f32 $8.000000000e+00, v2;
	v8 =	vld [tilespmem:s6+$0xE0]  }
0xe7: {  	v9 =	vld [tilespmem:s31+$0xFFFFFF30];
	[tilespmem:s17+$0xFFFFFEA0] =	vst v1;
	v1 =	vmul.f32 $8.000000000e+00, v7  }
0xe8: {  	v7 =	vld [tilespmem:s16+$0xFFFFFF70];
	[tilespmem:s14+$0xFFFFFF20] =	vst v0;
	v0 =	vmul.f32 $8.000000000e+00, v6  }
0xe9: {  	v6 =	vld [tilespmem:s15+$0xFFFFFFB0];
	[tilespmem:s13+$0xFFFFFFA0] =	vst v1;
	v1 =	vmul.f32 $8.000000000e+00, v4  }
0xea: {  	v3 =	vld [tilespmem:s11+$0xFFFFFFF0];
	[tilespmem:s1+$0x20] =	vst v0;
	v0 =	vmul.f32 $8.000000000e+00, v5  }
0xeb: {  	v2 =	vld [tilespmem:s0+$0x30];
	[tilespmem:s29+$0xA0] =	vst v1;
	v4 =	vmul.f32 $8.000000000e+00, v8  }
0xec: {  	v8 =	vmul.f32 $8.000000000e+00, v9;
	v1 =	vld [tilespmem:s30+$0x70];
	[tilespmem:s26+$0x120] =	vst v0  }
0xed: {  	v0 =	vld [tilespmem:s28+$0xB0];
	[tilespmem:s12+$0x1A0] =	vst v4;
	v5 =	vmul.f32 $8.000000000e+00, v7  }
0xee: {  	s9 =	simm.s32 $0x38;
	s10 =	simm.s32 $0x7500;
	[tilespmem:s8+$0xFFFFFE30] =	vst v8;
	v6 =	vmul.f32 $8.000000000e+00, v6;
	v4 =	vld [tilespmem:s6+$0xF0];
	s6 =	simm.s32 $0xE600  }
.LBB2_3:
0xef: {  	v7 =	vld [tilespmem:s10+$0xFFFFFF00];
	[tilespmem:s17+$0xFFFFFEB0] =	vst v5;
	v3 =	vmul.f32 $8.000000000e+00, v3;
	s22 =	smov.u32 s0;
	s0 =	smov.u32 s11;
	s11 =	smov.u32 s15  }
0xf0: {  	s15 =	smov.u32 s16;
	s16 =	smov.u32 s31;
	v5 =	vld [tilespmem:s31+$0xFFFFFF40];
	[tilespmem:s14+$0xFFFFFF30] =	vst v6;
	v2 =	vmul.f32 $8.000000000e+00, v2;
	s31 =	smov.u32 s10  }
0xf1: {  	v6 =	vld [tilespmem:s15+$0xFFFFFF80];
	[tilespmem:s13+$0xFFFFFFB0] =	vst v3;
	v1 =	vmul.f32 $8.000000000e+00, v1  }
0xf2: {  	v3 =	vld [tilespmem:s11+$0xFFFFFFC0];
	[tilespmem:s1+$0x30] =	vst v2;
	v0 =	vmul.f32 $8.000000000e+00, v0  }
0xf3: {  	v2 =	vld [tilespmem:s0+$0x0];
	[tilespmem:s29+$0xB0] =	vst v1;
	v1 =	vmul.f32 $8.000000000e+00, v4  }
0xf4: {  	v4 =	vmul.f32 $8.000000000e+00, v7;
	v7 =	vld [tilespmem:s22+$0x40];
	[tilespmem:s26+$0x130] =	vst v0  }
0xf5: {  	s8 =	sadd.s32 $0x400, s8;
	v0 =	vmul.f32 $8.000000000e+00, v5;
	v5 =	vld [tilespmem:s30+$0x80];
	[tilespmem:s12+$0x1B0] =	vst v1;
	s12 =	smov.u32 s26;
	s26 =	smov.u32 s29  }
0xf6: {  	s9 =	sadd.s32 $0x8, s9;
	s29 =	smov.u32 s1;
	s1 =	smov.u32 s13;
	[tilespmem:s8+$0xFFFFFE00] =	vst v4;
	v1 =	vmul.f32 $8.000000000e+00, v6;
	v4 =	vld [tilespmem:s28+$0xC0]  }
0xf7: {  	p0 =	slt.u32 s9, $0xC0;
	s13 =	smov.u32 s14;
	s14 =	smov.u32 s17;
	v6 =	vld [tilespmem:s10+$0xFFFFFF10];
	[tilespmem:s6+$0xFFFFFE80] =	vst v0;
	v0 =	vmul.f32 $8.000000000e+00, v3  }
0xf8: {  	s17 =	smov.u32 s6;
	s6 =	smov.u32 s8;
	v3 =	vld [tilespmem:s16+$0xFFFFFF50];
	[tilespmem:s14+$0xFFFFFF00] =	vst v1;
	v1 =	vmul.f32 $8.000000000e+00, v2  }
0xf9: {  	v2 =	vld [tilespmem:s15+$0xFFFFFF90];
	[tilespmem:s13+$0xFFFFFF80] =	vst v0;
	v0 =	vmul.f32 $8.000000000e+00, v7  }
0xfa: {  	v7 =	vld [tilespmem:s11+$0xFFFFFFD0];
	[tilespmem:s1+$0x0] =	vst v1;
	v1 =	vmul.f32 $8.000000000e+00, v5  }
0xfb: {  	v5 =	vld [tilespmem:s0+$0x10];
	[tilespmem:s29+$0x80] =	vst v0;
	v0 =	vmul.f32 $8.000000000e+00, v4  }
0xfc: {  	v4 =	vmul.f32 $8.000000000e+00, v6;
	v6 =	vld [tilespmem:s22+$0x50];
	[tilespmem:s26+$0x100] =	vst v1  }
0xfd: {  	v1 =	vmul.f32 $8.000000000e+00, v3;
	v3 =	vld [tilespmem:s30+$0x90];
	[tilespmem:s12+$0x180] =	vst v0  }
0xfe: {  	[tilespmem:s8+$0xFFFFFE10] =	vst v4;
	v0 =	vmul.f32 $8.000000000e+00, v2;
	v2 =	vld [tilespmem:s28+$0xD0]  }
0xff: {  	v4 =	vld [tilespmem:s10+$0xFFFFFF20];
	[tilespmem:s17+$0xFFFFFE90] =	vst v1;
	v1 =	vmul.f32 $8.000000000e+00, v7  }
0x100: {  	v7 =	vld [tilespmem:s16+$0xFFFFFF60];
	[tilespmem:s14+$0xFFFFFF10] =	vst v0;
	v0 =	vmul.f32 $8.000000000e+00, v5  }
0x101: {  	v5 =	vld [tilespmem:s15+$0xFFFFFFA0];
	[tilespmem:s13+$0xFFFFFF90] =	vst v1;
	v1 =	vmul.f32 $8.000000000e+00, v6  }
0x102: {  	v6 =	vld [tilespmem:s11+$0xFFFFFFE0];
	[tilespmem:s1+$0x10] =	vst v0;
	v0 =	vmul.f32 $8.000000000e+00, v3  }
0x103: {  	v3 =	vld [tilespmem:s0+$0x20];
	[tilespmem:s29+$0x90] =	vst v1;
	v1 =	vmul.f32 $8.000000000e+00, v2  }
0x104: {  	v2 =	vmul.f32 $8.000000000e+00, v4;
	v4 =	vld [tilespmem:s22+$0x60];
	[tilespmem:s26+$0x110] =	vst v0  }
0x105: {  	v0 =	vmul.f32 $8.000000000e+00, v7;
	v7 =	vld [tilespmem:s30+$0xA0];
	[tilespmem:s12+$0x190] =	vst v1  }
0x106: {  	[tilespmem:s8+$0xFFFFFE20] =	vst v2;
	v1 =	vmul.f32 $8.000000000e+00, v5;
	v5 =	vld [tilespmem:s28+$0xE0]  }
0x107: {  	v8 =	vld [tilespmem:s10+$0xFFFFFF30];
	[tilespmem:s17+$0xFFFFFEA0] =	vst v0;
	v0 =	vmul.f32 $8.000000000e+00, v6  }
0x108: {  	v6 =	vld [tilespmem:s16+$0xFFFFFF70];
	[tilespmem:s14+$0xFFFFFF20] =	vst v1;
	v1 =	vmul.f32 $8.000000000e+00, v3  }
0x109: {  	v9 =	vld [tilespmem:s15+$0xFFFFFFB0];
	[tilespmem:s13+$0xFFFFFFA0] =	vst v0;
	v0 =	vmul.f32 $8.000000000e+00, v4  }
.Ltmp0:
0x10a: {  	v3 =	vld [tilespmem:s11+$0xFFFFFFF0];
	[tilespmem:s1+$0x20] =	vst v1;
	v4 =	vmul.f32 $8.000000000e+00, v7;
	(pc) =	sbr.rel @p0 .LBB2_3-.Ltmp0, $4  }
0x10b: {  	v2 =	vld [tilespmem:s0+$0x30];
	[tilespmem:s29+$0xA0] =	vst v0;
	v7 =	vmul.f32 $8.000000000e+00, v5  }
0x10c: {  	v8 =	vmul.f32 $8.000000000e+00, v8;
	v1 =	vld [tilespmem:s22+$0x70];
	[tilespmem:s26+$0x120] =	vst v4  }
0x10d: {  	v5 =	vmul.f32 $8.000000000e+00, v6;
	v0 =	vld [tilespmem:s30+$0xB0];
	[tilespmem:s12+$0x1A0] =	vst v7  }
0x10e: {  	s10 =	sadd.s32 $0x200, s10;
	[tilespmem:s8+$0xFFFFFE30] =	vst v8;
	v6 =	vmul.f32 $8.000000000e+00, v9;
	v4 =	vld [tilespmem:s28+$0xF0];
	s28 =	smov.u32 s30;
	s30 =	smov.u32 s22  }
0x10f: {  	v7 =	vld [tilespmem:s31+$0xFFFFFF40];
	_ =	sdelay $0x2  }
0x110: {  	[tilespmem:s17+$0xFFFFFEB0] =	vst v5;
	v3 =	vmul.f32 $8.000000000e+00, v3  }
0x111: {  	[tilespmem:s14+$0xFFFFFF30] =	vst v6;
	v2 =	vmul.f32 $8.000000000e+00, v2;
	v5 =	vld [tilespmem:s16+$0xFFFFFF80]  }
0x112: {  	[tilespmem:s13+$0xFFFFFFB0] =	vst v3;
	v3 =	vld [tilespmem:s15+$0xFFFFFFC0];
	v6 =	vmul.f32 $8.000000000e+00, v7  }
0x113: {  	v1 =	vmul.f32 $8.000000000e+00, v1;
	[tilespmem:s1+$0x30] =	vst v2;
	v2 =	vld [tilespmem:s11+$0x0]  }
0x114: {  	v0 =	vmul.f32 $8.000000000e+00, v0;
	[tilespmem:s6+$0xFFFFFE80] =	vst v6  }
0x115: {  	[tilespmem:s29+$0xB0] =	vst v1;
	v4 =	vmul.f32 $8.000000000e+00, v4;
	v6 =	vld [tilespmem:s31+$0xFFFFFF50]  }
0x116: {  	[tilespmem:s26+$0x130] =	vst v0;
	v5 =	vmul.f32 $8.000000000e+00, v5  }
0x117: {  	v7 =	vld [tilespmem:s0+$0x40];
	[tilespmem:s12+$0x1B0] =	vst v4;
	v3 =	vmul.f32 $8.000000000e+00, v3  }
0x118: {  	v1 =	vld [tilespmem:s30+$0x80];
	[tilespmem:s17+$0xFFFFFF00] =	vst v5;
	v2 =	vmul.f32 $8.000000000e+00, v2  }
0x119: {  	v0 =	vld [tilespmem:s28+$0xC0];
	[tilespmem:s14+$0xFFFFFF80] =	vst v3  }
0x11a: {  	v4 =	vld [tilespmem:s16+$0xFFFFFF90];
	[tilespmem:s13+$0x0] =	vst v2;
	v2 =	vmul.f32 $8.000000000e+00, v6  }
0x11b: {  	v3 =	vld [tilespmem:s15+$0xFFFFFFD0]  }
0x11c: {  	v5 =	vld [tilespmem:s11+$0x10];
	[tilespmem:s6+$0xFFFFFE90] =	vst v2  }
0x11d: {  	v2 =	vld [tilespmem:s31+$0xFFFFFF60];
	_ =	sdelay $0x4  }
0x11e: {  	v2 =	vmul.f32 $8.000000000e+00, v2;
	_ =	sdelay $0x1  }
0x11f: {  	[tilespmem:s6+$0xFFFFFEA0] =	vst v2  }
0x120: {  	v2 =	vld [tilespmem:s31+$0xFFFFFF70];
	_ =	sdelay $0x4  }
0x121: {  	v2 =	vmul.f32 $8.000000000e+00, v2;
	_ =	sdelay $0x1  }
0x122: {  	[tilespmem:s6+$0xFFFFFEB0] =	vst v2  }
0x123: {  	v2 =	vld [tilespmem:s31+$0xFFFFFF80];
	_ =	sdelay $0x4  }
0x124: {  	v2 =	vmul.f32 $8.000000000e+00, v2;
	_ =	sdelay $0x1  }
0x125: {  	[tilespmem:s6+$0xFFFFFF00] =	vst v2  }
0x126: {  	v2 =	vld [tilespmem:s31+$0xFFFFFF90];
	_ =	sdelay $0x3  }
0x127: {  	v4 =	vmul.f32 $8.000000000e+00, v4  }
0x128: {  	v2 =	vmul.f32 $8.000000000e+00, v2  }
0x129: {  	[tilespmem:s17+$0xFFFFFF10] =	vst v4  }
0x12a: {  	v4 =	vld [tilespmem:s16+$0xFFFFFFA0];
	[tilespmem:s6+$0xFFFFFF10] =	vst v2  }
0x12b: {  	v2 =	vld [tilespmem:s31+$0xFFFFFFA0];
	_ =	sdelay $0x3  }
0x12c: {  	v4 =	vmul.f32 $8.000000000e+00, v4  }
0x12d: {  	v2 =	vmul.f32 $8.000000000e+00, v2  }
0x12e: {  	[tilespmem:s17+$0xFFFFFF20] =	vst v4  }
0x12f: {  	v4 =	vld [tilespmem:s16+$0xFFFFFFB0];
	[tilespmem:s6+$0xFFFFFF20] =	vst v2  }
0x130: {  	v2 =	vld [tilespmem:s31+$0xFFFFFFB0];
	_ =	sdelay $0x3  }
0x131: {  	v4 =	vmul.f32 $8.000000000e+00, v4  }
0x132: {  	v2 =	vmul.f32 $8.000000000e+00, v2  }
0x133: {  	[tilespmem:s17+$0xFFFFFF30] =	vst v4  }
0x134: {  	v4 =	vld [tilespmem:s16+$0xFFFFFFC0];
	[tilespmem:s6+$0xFFFFFF30] =	vst v2  }
0x135: {  	v2 =	vld [tilespmem:s31+$0xFFFFFFC0];
	_ =	sdelay $0x3  }
0x136: {  	v4 =	vmul.f32 $8.000000000e+00, v4  }
0x137: {  	v2 =	vmul.f32 $8.000000000e+00, v2  }
0x138: {  	[tilespmem:s17+$0xFFFFFF80] =	vst v4  }
0x139: {  	v4 =	vld [tilespmem:s16+$0xFFFFFFD0];
	[tilespmem:s6+$0xFFFFFF80] =	vst v2  }
0x13a: {  	v2 =	vld [tilespmem:s31+$0xFFFFFFD0];
	_ =	sdelay $0x2  }
0x13b: {  	v3 =	vmul.f32 $8.000000000e+00, v3  }
0x13c: {  	v4 =	vmul.f32 $8.000000000e+00, v4  }
0x13d: {  	[tilespmem:s14+$0xFFFFFF90] =	vst v3;
	v2 =	vmul.f32 $8.000000000e+00, v2  }
0x13e: {  	v3 =	vld [tilespmem:s15+$0xFFFFFFE0];
	[tilespmem:s17+$0xFFFFFF90] =	vst v4  }
0x13f: {  	v4 =	vld [tilespmem:s16+$0xFFFFFFE0];
	[tilespmem:s6+$0xFFFFFF90] =	vst v2  }
0x140: {  	v2 =	vld [tilespmem:s31+$0xFFFFFFE0];
	_ =	sdelay $0x2  }
0x141: {  	v3 =	vmul.f32 $8.000000000e+00, v3  }
0x142: {  	v4 =	vmul.f32 $8.000000000e+00, v4  }
0x143: {  	[tilespmem:s14+$0xFFFFFFA0] =	vst v3;
	v2 =	vmul.f32 $8.000000000e+00, v2  }
0x144: {  	v3 =	vld [tilespmem:s15+$0xFFFFFFF0];
	[tilespmem:s17+$0xFFFFFFA0] =	vst v4  }
0x145: {  	v4 =	vld [tilespmem:s16+$0xFFFFFFF0];
	[tilespmem:s6+$0xFFFFFFA0] =	vst v2  }
0x146: {  	v2 =	vld [tilespmem:s31+$0xFFFFFFF0];
	_ =	sdelay $0x2  }
0x147: {  	v3 =	vmul.f32 $8.000000000e+00, v3  }
0x148: {  	v4 =	vmul.f32 $8.000000000e+00, v4  }
0x149: {  	[tilespmem:s14+$0xFFFFFFB0] =	vst v3;
	v2 =	vmul.f32 $8.000000000e+00, v2  }
0x14a: {  	v3 =	vld [tilespmem:s15+$0x0];
	[tilespmem:s17+$0xFFFFFFB0] =	vst v4  }
0x14b: {  	v4 =	vld [tilespmem:s16+$0x0];
	[tilespmem:s6+$0xFFFFFFB0] =	vst v2  }
0x14c: {  	v2 =	vld [tilespmem:s31+$0x0];
	_ =	sdelay $0x2  }
0x14d: {  	v3 =	vmul.f32 $8.000000000e+00, v3  }
0x14e: {  	v4 =	vmul.f32 $8.000000000e+00, v4  }
0x14f: {  	[tilespmem:s14+$0x0] =	vst v3;
	v2 =	vmul.f32 $8.000000000e+00, v2  }
0x150: {  	v3 =	vld [tilespmem:s15+$0x10];
	[tilespmem:s17+$0x0] =	vst v4  }
0x151: {  	v4 =	vld [tilespmem:s16+$0x10];
	[tilespmem:s6+$0x0] =	vst v2  }
0x152: {  	v2 =	vld [tilespmem:s31+$0x10];
	_ =	sdelay $0x1  }
0x153: {  	v5 =	vmul.f32 $8.000000000e+00, v5  }
0x154: {  	v3 =	vmul.f32 $8.000000000e+00, v3  }
0x155: {  	[tilespmem:s13+$0x10] =	vst v5;
	v4 =	vmul.f32 $8.000000000e+00, v4  }
0x156: {  	v5 =	vld [tilespmem:s11+$0x20];
	[tilespmem:s14+$0x10] =	vst v3;
	v2 =	vmul.f32 $8.000000000e+00, v2  }
0x157: {  	v3 =	vld [tilespmem:s15+$0x20];
	[tilespmem:s17+$0x10] =	vst v4  }
0x158: {  	v4 =	vld [tilespmem:s16+$0x20];
	[tilespmem:s6+$0x10] =	vst v2  }
0x159: {  	v2 =	vld [tilespmem:s31+$0x20];
	_ =	sdelay $0x1  }
0x15a: {  	v5 =	vmul.f32 $8.000000000e+00, v5  }
0x15b: {  	v3 =	vmul.f32 $8.000000000e+00, v3  }
0x15c: {  	[tilespmem:s13+$0x20] =	vst v5;
	v4 =	vmul.f32 $8.000000000e+00, v4  }
0x15d: {  	v5 =	vld [tilespmem:s11+$0x30];
	[tilespmem:s14+$0x20] =	vst v3;
	v2 =	vmul.f32 $8.000000000e+00, v2  }
0x15e: {  	v3 =	vld [tilespmem:s15+$0x30];
	[tilespmem:s17+$0x20] =	vst v4  }
0x15f: {  	v4 =	vld [tilespmem:s16+$0x30];
	[tilespmem:s6+$0x20] =	vst v2  }
0x160: {  	v2 =	vld [tilespmem:s31+$0x30];
	_ =	sdelay $0x1  }
0x161: {  	v5 =	vmul.f32 $8.000000000e+00, v5  }
0x162: {  	v3 =	vmul.f32 $8.000000000e+00, v3  }
0x163: {  	[tilespmem:s13+$0x30] =	vst v5;
	v4 =	vmul.f32 $8.000000000e+00, v4  }
0x164: {  	v5 =	vld [tilespmem:s11+$0x40];
	[tilespmem:s14+$0x30] =	vst v3;
	v2 =	vmul.f32 $8.000000000e+00, v2  }
0x165: {  	v3 =	vld [tilespmem:s15+$0x40];
	[tilespmem:s17+$0x30] =	vst v4  }
0x166: {  	v4 =	vld [tilespmem:s16+$0x40];
	[tilespmem:s6+$0x30] =	vst v2  }
0x167: {  	v2 =	vld [tilespmem:s31+$0x40]  }
0x168: {  	v6 =	vmul.f32 $8.000000000e+00, v7  }
0x169: {  	v5 =	vmul.f32 $8.000000000e+00, v5  }
0x16a: {  	[tilespmem:s1+$0x80] =	vst v6;
	v3 =	vmul.f32 $8.000000000e+00, v3  }
0x16b: {  	v6 =	vld [tilespmem:s0+$0x50];
	[tilespmem:s13+$0x80] =	vst v5;
	v4 =	vmul.f32 $8.000000000e+00, v4  }
0x16c: {  	v5 =	vld [tilespmem:s11+$0x50];
	[tilespmem:s14+$0x80] =	vst v3;
	v2 =	vmul.f32 $8.000000000e+00, v2  }
0x16d: {  	v3 =	vld [tilespmem:s15+$0x50];
	[tilespmem:s17+$0x80] =	vst v4  }
0x16e: {  	v4 =	vld [tilespmem:s16+$0x50];
	[tilespmem:s6+$0x80] =	vst v2  }
0x16f: {  	v2 =	vld [tilespmem:s31+$0x50]  }
0x170: {  	v6 =	vmul.f32 $8.000000000e+00, v6  }
0x171: {  	v5 =	vmul.f32 $8.000000000e+00, v5  }
0x172: {  	[tilespmem:s1+$0x90] =	vst v6;
	v3 =	vmul.f32 $8.000000000e+00, v3  }
0x173: {  	v6 =	vld [tilespmem:s0+$0x60];
	[tilespmem:s13+$0x90] =	vst v5;
	v4 =	vmul.f32 $8.000000000e+00, v4  }
0x174: {  	v5 =	vld [tilespmem:s11+$0x60];
	[tilespmem:s14+$0x90] =	vst v3;
	v2 =	vmul.f32 $8.000000000e+00, v2  }
0x175: {  	v3 =	vld [tilespmem:s15+$0x60];
	[tilespmem:s17+$0x90] =	vst v4  }
0x176: {  	v4 =	vld [tilespmem:s16+$0x60];
	[tilespmem:s6+$0x90] =	vst v2  }
0x177: {  	v2 =	vld [tilespmem:s31+$0x60]  }
0x178: {  	v6 =	vmul.f32 $8.000000000e+00, v6  }
0x179: {  	v5 =	vmul.f32 $8.000000000e+00, v5  }
0x17a: {  	[tilespmem:s1+$0xA0] =	vst v6;
	v3 =	vmul.f32 $8.000000000e+00, v3  }
0x17b: {  	v6 =	vld [tilespmem:s0+$0x70];
	[tilespmem:s13+$0xA0] =	vst v5;
	v4 =	vmul.f32 $8.000000000e+00, v4  }
0x17c: {  	v5 =	vld [tilespmem:s11+$0x70];
	[tilespmem:s14+$0xA0] =	vst v3;
	v2 =	vmul.f32 $8.000000000e+00, v2  }
0x17d: {  	v3 =	vld [tilespmem:s15+$0x70];
	[tilespmem:s17+$0xA0] =	vst v4  }
0x17e: {  	v4 =	vld [tilespmem:s16+$0x70];
	[tilespmem:s6+$0xA0] =	vst v2  }
0x17f: {  	v2 =	vld [tilespmem:s31+$0x70]  }
0x180: {  	v6 =	vmul.f32 $8.000000000e+00, v6  }
0x181: {  	v5 =	vmul.f32 $8.000000000e+00, v5  }
0x182: {  	[tilespmem:s1+$0xB0] =	vst v6;
	v3 =	vmul.f32 $8.000000000e+00, v3  }
0x183: {  	v6 =	vld [tilespmem:s0+$0x80];
	[tilespmem:s13+$0xB0] =	vst v5;
	v4 =	vmul.f32 $8.000000000e+00, v4  }
0x184: {  	v5 =	vld [tilespmem:s11+$0x80];
	[tilespmem:s14+$0xB0] =	vst v3;
	v2 =	vmul.f32 $8.000000000e+00, v2  }
0x185: {  	v3 =	vld [tilespmem:s15+$0x80];
	[tilespmem:s17+$0xB0] =	vst v4  }
0x186: {  	v4 =	vld [tilespmem:s16+$0x80];
	[tilespmem:s6+$0xB0] =	vst v2  }
0x187: {  	v1 =	vmul.f32 $8.000000000e+00, v1;
	v2 =	vld [tilespmem:s31+$0x80]  }
0x188: {  	v6 =	vmul.f32 $8.000000000e+00, v6  }
0x189: {  	[tilespmem:s29+$0x100] =	vst v1;
	v1 =	vmul.f32 $8.000000000e+00, v5  }
0x18a: {  	[tilespmem:s1+$0x100] =	vst v6;
	v5 =	vld [tilespmem:s30+$0x90];
	v3 =	vmul.f32 $8.000000000e+00, v3  }
0x18b: {  	v6 =	vld [tilespmem:s0+$0x90];
	[tilespmem:s13+$0x100] =	vst v1;
	v1 =	vmul.f32 $8.000000000e+00, v4  }
0x18c: {  	[tilespmem:s14+$0x100] =	vst v3;
	v4 =	vld [tilespmem:s11+$0x90];
	v2 =	vmul.f32 $8.000000000e+00, v2  }
0x18d: {  	v3 =	vld [tilespmem:s15+$0x90];
	[tilespmem:s17+$0x100] =	vst v1  }
0x18e: {  	v1 =	vld [tilespmem:s16+$0x90];
	[tilespmem:s6+$0x100] =	vst v2  }
0x18f: {  	v2 =	vmul.f32 $8.000000000e+00, v5;
	v5 =	vld [tilespmem:s31+$0x90]  }
0x190: {  	v6 =	vmul.f32 $8.000000000e+00, v6  }
0x191: {  	[tilespmem:s29+$0x110] =	vst v2;
	v2 =	vmul.f32 $8.000000000e+00, v4  }
0x192: {  	[tilespmem:s1+$0x110] =	vst v6;
	v3 =	vmul.f32 $8.000000000e+00, v3;
	v4 =	vld [tilespmem:s30+$0xA0]  }
0x193: {  	v6 =	vld [tilespmem:s0+$0xA0];
	v1 =	vmul.f32 $8.000000000e+00, v1;
	[tilespmem:s13+$0x110] =	vst v2  }
0x194: {  	[tilespmem:s14+$0x110] =	vst v3;
	v2 =	vld [tilespmem:s11+$0xA0];
	v3 =	vmul.f32 $8.000000000e+00, v5  }
0x195: {  	[tilespmem:s17+$0x110] =	vst v1;
	v5 =	vld [tilespmem:s15+$0xA0]  }
0x196: {  	v1 =	vld [tilespmem:s16+$0xA0];
	[tilespmem:s6+$0x110] =	vst v3  }
0x197: {  	v3 =	vmul.f32 $8.000000000e+00, v4;
	v4 =	vld [tilespmem:s31+$0xA0]  }
0x198: {  	v6 =	vmul.f32 $8.000000000e+00, v6  }
0x199: {  	[tilespmem:s29+$0x120] =	vst v3;
	v2 =	vmul.f32 $8.000000000e+00, v2  }
0x19a: {  	[tilespmem:s1+$0x120] =	vst v6;
	v3 =	vld [tilespmem:s30+$0xB0];
	v5 =	vmul.f32 $8.000000000e+00, v5  }
0x19b: {  	v6 =	vld [tilespmem:s0+$0xB0];
	v1 =	vmul.f32 $8.000000000e+00, v1;
	[tilespmem:s13+$0x120] =	vst v2  }
0x19c: {  	v2 =	vld [tilespmem:s11+$0xB0];
	[tilespmem:s14+$0x120] =	vst v5;
	v4 =	vmul.f32 $8.000000000e+00, v4  }
0x19d: {  	[tilespmem:s17+$0x120] =	vst v1;
	v5 =	vld [tilespmem:s15+$0xB0]  }
0x19e: {  	v1 =	vld [tilespmem:s16+$0xB0];
	[tilespmem:s6+$0x120] =	vst v4  }
0x19f: {  	v3 =	vmul.f32 $8.000000000e+00, v3;
	v4 =	vld [tilespmem:s31+$0xB0]  }
0x1a0: {  	v6 =	vmul.f32 $8.000000000e+00, v6  }
0x1a1: {  	[tilespmem:s29+$0x130] =	vst v3;
	v2 =	vmul.f32 $8.000000000e+00, v2  }
0x1a2: {  	[tilespmem:s1+$0x130] =	vst v6;
	v3 =	vld [tilespmem:s30+$0xC0];
	v5 =	vmul.f32 $8.000000000e+00, v5  }
0x1a3: {  	v6 =	vld [tilespmem:s0+$0xC0];
	v1 =	vmul.f32 $8.000000000e+00, v1;
	[tilespmem:s13+$0x130] =	vst v2  }
0x1a4: {  	v2 =	vld [tilespmem:s11+$0xC0];
	[tilespmem:s14+$0x130] =	vst v5;
	v4 =	vmul.f32 $8.000000000e+00, v4  }
0x1a5: {  	[tilespmem:s17+$0x130] =	vst v1;
	v5 =	vld [tilespmem:s15+$0xC0]  }
0x1a6: {  	v0 =	vmul.f32 $8.000000000e+00, v0;
	v1 =	vld [tilespmem:s16+$0xC0];
	[tilespmem:s6+$0x130] =	vst v4  }
0x1a7: {  	v3 =	vmul.f32 $8.000000000e+00, v3;
	v4 =	vld [tilespmem:s31+$0xC0]  }
0x1a8: {  	[tilespmem:s26+$0x180] =	vst v0;
	v0 =	vmul.f32 $8.000000000e+00, v6  }
0x1a9: {  	v6 =	vld [tilespmem:s28+$0xD0];
	[tilespmem:s29+$0x180] =	vst v3;
	v2 =	vmul.f32 $8.000000000e+00, v2  }
0x1aa: {  	[tilespmem:s1+$0x180] =	vst v0;
	v3 =	vld [tilespmem:s30+$0xD0];
	v0 =	vmul.f32 $8.000000000e+00, v5  }
0x1ab: {  	v1 =	vmul.f32 $8.000000000e+00, v1;
	v5 =	vld [tilespmem:s0+$0xD0];
	[tilespmem:s13+$0x180] =	vst v2  }
0x1ac: {  	v2 =	vld [tilespmem:s11+$0xD0];
	[tilespmem:s14+$0x180] =	vst v0;
	v0 =	vmul.f32 $8.000000000e+00, v4  }
0x1ad: {  	[tilespmem:s17+$0x180] =	vst v1;
	v4 =	vld [tilespmem:s15+$0xD0]  }
0x1ae: {  	v1 =	vmul.f32 $8.000000000e+00, v6;
	v6 =	vld [tilespmem:s16+$0xD0];
	[tilespmem:s6+$0x180] =	vst v0  }
0x1af: {  	v0 =	vmul.f32 $8.000000000e+00, v3;
	v3 =	vld [tilespmem:s31+$0xD0]  }
0x1b0: {  	[tilespmem:s26+$0x190] =	vst v1;
	v1 =	vmul.f32 $8.000000000e+00, v5  }
0x1b1: {  	v5 =	vld [tilespmem:s28+$0xE0];
	[tilespmem:s29+$0x190] =	vst v0;
	v0 =	vmul.f32 $8.000000000e+00, v2  }
0x1b2: {  	[tilespmem:s1+$0x190] =	vst v1;
	v2 =	vld [tilespmem:s30+$0xE0];
	v1 =	vmul.f32 $8.000000000e+00, v4  }
0x1b3: {  	v4 =	vld [tilespmem:s0+$0xE0];
	[tilespmem:s13+$0x190] =	vst v0;
	v0 =	vmul.f32 $8.000000000e+00, v6  }
0x1b4: {  	v6 =	vld [tilespmem:s11+$0xE0];
	[tilespmem:s14+$0x190] =	vst v1;
	v1 =	vmul.f32 $8.000000000e+00, v3  }
0x1b5: {  	v3 =	vld [tilespmem:s15+$0xE0];
	[tilespmem:s17+$0x190] =	vst v0  }
0x1b6: {  	v0 =	vmul.f32 $8.000000000e+00, v5;
	v5 =	vld [tilespmem:s16+$0xE0];
	[tilespmem:s6+$0x190] =	vst v1  }
0x1b7: {  	v1 =	vmul.f32 $8.000000000e+00, v2;
	v2 =	vld [tilespmem:s31+$0xE0]  }
0x1b8: {  	[tilespmem:s26+$0x1A0] =	vst v0;
	v0 =	vmul.f32 $8.000000000e+00, v4  }
0x1b9: {  	v4 =	vld [tilespmem:s28+$0xF0];
	[tilespmem:s29+$0x1A0] =	vst v1;
	v1 =	vmul.f32 $8.000000000e+00, v6  }
0x1ba: {  	[tilespmem:s1+$0x1A0] =	vst v0;
	v6 =	vld [tilespmem:s30+$0xF0];
	v0 =	vmul.f32 $8.000000000e+00, v3  }
0x1bb: {  	v3 =	vld [tilespmem:s0+$0xF0];
	[tilespmem:s13+$0x1A0] =	vst v1;
	v1 =	vmul.f32 $8.000000000e+00, v5  }
0x1bc: {  	v5 =	vld [tilespmem:s11+$0xF0];
	[tilespmem:s14+$0x1A0] =	vst v0;
	v0 =	vmul.f32 $8.000000000e+00, v2  }
0x1bd: {  	v2 =	vld [tilespmem:s15+$0xF0];
	[tilespmem:s17+$0x1A0] =	vst v1  }
0x1be: {  	v1 =	vmul.f32 $8.000000000e+00, v4;
	v4 =	vld [tilespmem:s16+$0xF0];
	[tilespmem:s6+$0x1A0] =	vst v0  }
0x1bf: {  	v0 =	vmul.f32 $8.000000000e+00, v6;
	v6 =	vld [tilespmem:s31+$0xF0]  }
0x1c0: {  	[tilespmem:s26+$0x1B0] =	vst v1;
	v1 =	vmul.f32 $8.000000000e+00, v3  }
0x1c1: {  	[tilespmem:s29+$0x1B0] =	vst v0;
	v0 =	vmul.f32 $8.000000000e+00, v5  }
0x1c2: {  	p0 =	seq.s32 s25, $0x3F;
	[tilespmem:s1+$0x1B0] =	vst v1;
	v1 =	vmul.f32 $8.000000000e+00, v2  }
0x1c3: {  	s0 =	smul.u32 @!p0 $0x640, s25;
	[tilespmem:s13+$0x1B0] =	vst v0;
	v0 =	vmul.f32 $8.000000000e+00, v4  }
0x1c4: {  	[tilespmem:s14+$0x1B0] =	vst v1;
	v1 =	vmul.f32 $8.000000000e+00, v6  }
0x1c5: {  	s8 =	simm.s32 @!p0 $0x6400;
	s0 =	sshra.s32 @!p0 s0, $0x2;
	s26 =	smul.u32 $0x190, s25;
	[tilespmem:s17+$0x1B0] =	vst v0  }
0x1c6: {  	s1 =	sadd.s32 @!p0 $0x190, s0;
	s0 =	sadd.s32 @!p0 $0x210, s0;
	[tilespmem:s6+$0x1B0] =	vst v1;
	s6 =	simm.s32 @!p0 $0x80  }
0x1c7: {  	[tilespmem:s8], [sflag:$0x1] =	stream.indirect.gather @!p0 [hbm4b:s5+s6], $0x40, s1, s6, $0xb8;
	[tilespmem:$0x19000] =	vst v63  }
0x1c8: {  	s22 =	sadd.s32 s4, s26;
	s1 =	simm.s32 @!p0 $0x48;
	s6 =	simm.s32 @!p0 $0x8400  }
0x1c9: {  	[tilespmem:s6], [sflag:$0x1] =	stream.indirect.gather @!p0 [hbm4b:s5+s1], $0x40, s0, s1, $0xb8;
	[tilespmem:$0x19000] =	vst v63  }
0x1ca: {  	s0 =	sshll.u32 s22, $0x4  }
0x1cb: {  	s0 =	sadd.s32 s2, s0  }
0x1cc: {  	[hbm4b:s0+s3] =	stream.linear.scatter [tilespmem:s19], [sflag:$0x3], $0x6400, $0x38;
	[tilespmem:$0x19000] =	vst v63  }
0x1cd: {  	_ =	swait.ge [sflag:s20], $0x2000  }
0x1ce: {  	[sflag:s20] =	ssyncset.done $0x0  }
0x1cf: {  	[sflag:s20] =	ssyncadd.s32 $0xFFFFE000  }
0x1d0: {  	_ =	swait.ge [sflag:s20], $0x1200  }
0x1d1: {  	[sflag:s20] =	ssyncset.done $0x0  }
0x1d2: {  	s0 =	simm.s32 @!p1 $0x4;
	[sflag:s20] =	ssyncadd.s32 $0xFFFFEE00  }
0x1d3: {  	_ =	swait.ge @!p1 [sflag:s0], $0x6400  }
0x1d4: {  	[sflag:s0] =	ssyncset.done @!p1 $0x0  }
0x1d5: {  	s23 =	simm.s32 $0x9700;
	[sflag:s0] =	ssyncadd.s32 @!p1 $0xFFFF9C00  }
0x1d6: {  	v0 =	vld [tilespmem:s23+$0xFFFFFF00];
	_ =	sdelay $0x4  }
0x1d7: {  	v0 =	vmul.f32 $8.000000000e+00, v0  }
0x1d8: {  	s28 =	simm.s32 $0x12E00  }
0x1d9: {  	[tilespmem:s28+$0xFFFFFE00] =	vst v0  }
0x1da: {  	v0 =	vld [tilespmem:s23+$0xFFFFFF10];
	_ =	sdelay $0x4  }
0x1db: {  	v0 =	vmul.f32 $8.000000000e+00, v0;
	_ =	sdelay $0x1  }
0x1dc: {  	[tilespmem:s28+$0xFFFFFE10] =	vst v0  }
0x1dd: {  	v0 =	vld [tilespmem:s23+$0xFFFFFF20];
	_ =	sdelay $0x4  }
0x1de: {  	v0 =	vmul.f32 $8.000000000e+00, v0;
	_ =	sdelay $0x1  }
0x1df: {  	[tilespmem:s28+$0xFFFFFE20] =	vst v0  }
0x1e0: {  	v0 =	vld [tilespmem:s23+$0xFFFFFF30];
	_ =	sdelay $0x4  }
0x1e1: {  	v0 =	vmul.f32 $8.000000000e+00, v0  }
0x1e2: {  	s30 =	simm.s32 $0x9900  }
0x1e3: {  	[tilespmem:s28+$0xFFFFFE30] =	vst v0;
	v0 =	vld [tilespmem:s30+$0xFFFFFF00]  }
0x1e4: {  	v1 =	vld [tilespmem:s23+$0xFFFFFF40];
	_ =	sdelay $0x3  }
0x1e5: {  	v0 =	vmul.f32 $8.000000000e+00, v0  }
0x1e6: {  	s29 =	simm.s32 $0x13200;
	v1 =	vmul.f32 $8.000000000e+00, v1  }
0x1e7: {  	[tilespmem:s29+$0xFFFFFE00] =	vst v0  }
0x1e8: {  	v0 =	vld [tilespmem:s30+$0xFFFFFF10];
	[tilespmem:s28+$0xFFFFFE80] =	vst v1  }
0x1e9: {  	v1 =	vld [tilespmem:s23+$0xFFFFFF50];
	_ =	sdelay $0x3  }
0x1ea: {  	v0 =	vmul.f32 $8.000000000e+00, v0  }
0x1eb: {  	v1 =	vmul.f32 $8.000000000e+00, v1  }
0x1ec: {  	[tilespmem:s29+$0xFFFFFE10] =	vst v0  }
0x1ed: {  	v0 =	vld [tilespmem:s30+$0xFFFFFF20];
	[tilespmem:s28+$0xFFFFFE90] =	vst v1  }
0x1ee: {  	v1 =	vld [tilespmem:s23+$0xFFFFFF60];
	_ =	sdelay $0x3  }
0x1ef: {  	v0 =	vmul.f32 $8.000000000e+00, v0  }
0x1f0: {  	v1 =	vmul.f32 $8.000000000e+00, v1  }
0x1f1: {  	[tilespmem:s29+$0xFFFFFE20] =	vst v0  }
0x1f2: {  	v0 =	vld [tilespmem:s30+$0xFFFFFF30];
	[tilespmem:s28+$0xFFFFFEA0] =	vst v1  }
0x1f3: {  	v1 =	vld [tilespmem:s23+$0xFFFFFF70];
	_ =	sdelay $0x3  }
0x1f4: {  	v0 =	vmul.f32 $8.000000000e+00, v0  }
0x1f5: {  	s1 =	simm.s32 $0x9B00;
	v1 =	vmul.f32 $8.000000000e+00, v1  }
0x1f6: {  	[tilespmem:s29+$0xFFFFFE30] =	vst v0;
	v0 =	vld [tilespmem:s1+$0xFFFFFF00]  }
0x1f7: {  	[tilespmem:s28+$0xFFFFFEB0] =	vst v1;
	v1 =	vld [tilespmem:s30+$0xFFFFFF40]  }
0x1f8: {  	v2 =	vld [tilespmem:s23+$0xFFFFFF80];
	_ =	sdelay $0x2  }
0x1f9: {  	v0 =	vmul.f32 $8.000000000e+00, v0  }
0x1fa: {  	s31 =	simm.s32 $0x13600;
	v1 =	vmul.f32 $8.000000000e+00, v1  }
0x1fb: {  	[tilespmem:s31+$0xFFFFFE00] =	vst v0;
	v0 =	vmul.f32 $8.000000000e+00, v2  }
0x1fc: {  	v2 =	vld [tilespmem:s1+$0xFFFFFF10];
	[tilespmem:s29+$0xFFFFFE80] =	vst v1  }
0x1fd: {  	v1 =	vld [tilespmem:s30+$0xFFFFFF50];
	[tilespmem:s28+$0xFFFFFF00] =	vst v0  }
0x1fe: {  	v0 =	vld [tilespmem:s23+$0xFFFFFF90];
	_ =	sdelay $0x2  }
0x1ff: {  	v2 =	vmul.f32 $8.000000000e+00, v2  }
0x200: {  	v1 =	vmul.f32 $8.000000000e+00, v1  }
0x201: {  	[tilespmem:s31+$0xFFFFFE10] =	vst v2;
	v0 =	vmul.f32 $8.000000000e+00, v0  }
0x202: {  	v2 =	vld [tilespmem:s1+$0xFFFFFF20];
	[tilespmem:s29+$0xFFFFFE90] =	vst v1  }
0x203: {  	v1 =	vld [tilespmem:s30+$0xFFFFFF60];
	[tilespmem:s28+$0xFFFFFF10] =	vst v0  }
0x204: {  	v0 =	vld [tilespmem:s23+$0xFFFFFFA0];
	_ =	sdelay $0x2  }
0x205: {  	v2 =	vmul.f32 $8.000000000e+00, v2  }
0x206: {  	v1 =	vmul.f32 $8.000000000e+00, v1  }
0x207: {  	[tilespmem:s31+$0xFFFFFE20] =	vst v2;
	v0 =	vmul.f32 $8.000000000e+00, v0  }
0x208: {  	v2 =	vld [tilespmem:s1+$0xFFFFFF30];
	[tilespmem:s29+$0xFFFFFEA0] =	vst v1  }
0x209: {  	v1 =	vld [tilespmem:s30+$0xFFFFFF70];
	[tilespmem:s28+$0xFFFFFF20] =	vst v0  }
0x20a: {  	v0 =	vld [tilespmem:s23+$0xFFFFFFB0];
	_ =	sdelay $0x2  }
0x20b: {  	v2 =	vmul.f32 $8.000000000e+00, v2  }
0x20c: {  	s11 =	simm.s32 $0x9D00;
	v1 =	vmul.f32 $8.000000000e+00, v1  }
0x20d: {  	[tilespmem:s31+$0xFFFFFE30] =	vst v2;
	v0 =	vmul.f32 $8.000000000e+00, v0;
	v2 =	vld [tilespmem:s11+$0xFFFFFF00]  }
0x20e: {  	[tilespmem:s29+$0xFFFFFEB0] =	vst v1;
	v1 =	vld [tilespmem:s1+$0xFFFFFF40]  }
0x20f: {  	[tilespmem:s28+$0xFFFFFF30] =	vst v0;
	v0 =	vld [tilespmem:s30+$0xFFFFFF80]  }
0x210: {  	v3 =	vld [tilespmem:s23+$0xFFFFFFC0];
	_ =	sdelay $0x1  }
0x211: {  	v2 =	vmul.f32 $8.000000000e+00, v2  }
0x212: {  	s0 =	simm.s32 $0x13A00;
	v1 =	vmul.f32 $8.000000000e+00, v1  }
0x213: {  	[tilespmem:s0+$0xFFFFFE00] =	vst v2;
	v0 =	vmul.f32 $8.000000000e+00, v0  }
0x214: {  	v2 =	vld [tilespmem:s11+$0xFFFFFF10];
	[tilespmem:s31+$0xFFFFFE80] =	vst v1;
	v1 =	vmul.f32 $8.000000000e+00, v3  }
0x215: {  	v3 =	vld [tilespmem:s1+$0xFFFFFF50];
	[tilespmem:s29+$0xFFFFFF00] =	vst v0  }
0x216: {  	v0 =	vld [tilespmem:s30+$0xFFFFFF90];
	[tilespmem:s28+$0xFFFFFF80] =	vst v1  }
0x217: {  	v1 =	vld [tilespmem:s23+$0xFFFFFFD0];
	_ =	sdelay $0x1  }
0x218: {  	v2 =	vmul.f32 $8.000000000e+00, v2  }
0x219: {  	v3 =	vmul.f32 $8.000000000e+00, v3  }
0x21a: {  	[tilespmem:s0+$0xFFFFFE10] =	vst v2;
	v0 =	vmul.f32 $8.000000000e+00, v0  }
0x21b: {  	v2 =	vld [tilespmem:s11+$0xFFFFFF20];
	[tilespmem:s31+$0xFFFFFE90] =	vst v3;
	v1 =	vmul.f32 $8.000000000e+00, v1  }
0x21c: {  	v3 =	vld [tilespmem:s1+$0xFFFFFF60];
	[tilespmem:s29+$0xFFFFFF10] =	vst v0  }
0x21d: {  	v0 =	vld [tilespmem:s30+$0xFFFFFFA0];
	[tilespmem:s28+$0xFFFFFF90] =	vst v1  }
0x21e: {  	v1 =	vld [tilespmem:s23+$0xFFFFFFE0];
	_ =	sdelay $0x1  }
0x21f: {  	v2 =	vmul.f32 $8.000000000e+00, v2  }
0x220: {  	v3 =	vmul.f32 $8.000000000e+00, v3  }
0x221: {  	[tilespmem:s0+$0xFFFFFE20] =	vst v2;
	v0 =	vmul.f32 $8.000000000e+00, v0  }
0x222: {  	v2 =	vld [tilespmem:s11+$0xFFFFFF30];
	[tilespmem:s31+$0xFFFFFEA0] =	vst v3;
	v1 =	vmul.f32 $8.000000000e+00, v1  }
0x223: {  	v3 =	vld [tilespmem:s1+$0xFFFFFF70];
	[tilespmem:s29+$0xFFFFFF20] =	vst v0  }
0x224: {  	v0 =	vld [tilespmem:s30+$0xFFFFFFB0];
	[tilespmem:s28+$0xFFFFFFA0] =	vst v1  }
0x225: {  	v1 =	vld [tilespmem:s23+$0xFFFFFFF0];
	_ =	sdelay $0x1  }
0x226: {  	v2 =	vmul.f32 $8.000000000e+00, v2  }
0x227: {  	s13 =	simm.s32 $0x9F00;
	v3 =	vmul.f32 $8.000000000e+00, v3  }
0x228: {  	[tilespmem:s0+$0xFFFFFE30] =	vst v2;
	v0 =	vmul.f32 $8.000000000e+00, v0;
	v2 =	vld [tilespmem:s13+$0xFFFFFF00]  }
0x229: {  	[tilespmem:s31+$0xFFFFFEB0] =	vst v3;
	v1 =	vmul.f32 $8.000000000e+00, v1;
	v3 =	vld [tilespmem:s11+$0xFFFFFF40]  }
0x22a: {  	[tilespmem:s29+$0xFFFFFF30] =	vst v0;
	v0 =	vld [tilespmem:s1+$0xFFFFFF80]  }
0x22b: {  	[tilespmem:s28+$0xFFFFFFB0] =	vst v1;
	v1 =	vld [tilespmem:s30+$0xFFFFFFC0]  }
0x22c: {  	v4 =	vld [tilespmem:s23+$0x0]  }
0x22d: {  	v2 =	vmul.f32 $8.000000000e+00, v2  }
0x22e: {  	s14 =	simm.s32 $0x13E00;
	v3 =	vmul.f32 $8.000000000e+00, v3  }
0x22f: {  	[tilespmem:s14+$0xFFFFFE00] =	vst v2;
	v0 =	vmul.f32 $8.000000000e+00, v0  }
0x230: {  	v2 =	vld [tilespmem:s13+$0xFFFFFF10];
	[tilespmem:s0+$0xFFFFFE80] =	vst v3;
	v1 =	vmul.f32 $8.000000000e+00, v1  }
0x231: {  	v3 =	vld [tilespmem:s11+$0xFFFFFF50];
	[tilespmem:s31+$0xFFFFFF00] =	vst v0;
	v0 =	vmul.f32 $8.000000000e+00, v4  }
0x232: {  	v4 =	vld [tilespmem:s1+$0xFFFFFF90];
	[tilespmem:s29+$0xFFFFFF80] =	vst v1  }
0x233: {  	v1 =	vld [tilespmem:s30+$0xFFFFFFD0];
	[tilespmem:s28+$0x0] =	vst v0  }
0x234: {  	v0 =	vld [tilespmem:s23+$0x10]  }
0x235: {  	v2 =	vmul.f32 $8.000000000e+00, v2  }
0x236: {  	v3 =	vmul.f32 $8.000000000e+00, v3  }
0x237: {  	[tilespmem:s14+$0xFFFFFE10] =	vst v2;
	v2 =	vmul.f32 $8.000000000e+00, v4  }
0x238: {  	v4 =	vld [tilespmem:s13+$0xFFFFFF20];
	[tilespmem:s0+$0xFFFFFE90] =	vst v3;
	v1 =	vmul.f32 $8.000000000e+00, v1  }
0x239: {  	v3 =	vld [tilespmem:s11+$0xFFFFFF60];
	[tilespmem:s31+$0xFFFFFF10] =	vst v2;
	v0 =	vmul.f32 $8.000000000e+00, v0  }
0x23a: {  	v2 =	vld [tilespmem:s1+$0xFFFFFFA0];
	[tilespmem:s29+$0xFFFFFF90] =	vst v1  }
0x23b: {  	v1 =	vld [tilespmem:s30+$0xFFFFFFE0];
	[tilespmem:s28+$0x10] =	vst v0  }
0x23c: {  	v0 =	vld [tilespmem:s23+$0x20]  }
0x23d: {  	v4 =	vmul.f32 $8.000000000e+00, v4  }
0x23e: {  	v3 =	vmul.f32 $8.000000000e+00, v3  }
0x23f: {  	[tilespmem:s14+$0xFFFFFE20] =	vst v4;
	v2 =	vmul.f32 $8.000000000e+00, v2  }
0x240: {  	v4 =	vld [tilespmem:s13+$0xFFFFFF30];
	[tilespmem:s0+$0xFFFFFEA0] =	vst v3;
	v1 =	vmul.f32 $8.000000000e+00, v1  }
0x241: {  	v3 =	vld [tilespmem:s11+$0xFFFFFF70];
	[tilespmem:s31+$0xFFFFFF20] =	vst v2;
	v0 =	vmul.f32 $8.000000000e+00, v0  }
0x242: {  	v2 =	vld [tilespmem:s1+$0xFFFFFFB0];
	[tilespmem:s29+$0xFFFFFFA0] =	vst v1  }
0x243: {  	v1 =	vld [tilespmem:s30+$0xFFFFFFF0];
	[tilespmem:s28+$0x20] =	vst v0  }
0x244: {  	v0 =	vld [tilespmem:s23+$0x30]  }
0x245: {  	v4 =	vmul.f32 $8.000000000e+00, v4  }
0x246: {  	s16 =	simm.s32 $0xA100;
	v3 =	vmul.f32 $8.000000000e+00, v3  }
0x247: {  	[tilespmem:s14+$0xFFFFFE30] =	vst v4;
	v2 =	vmul.f32 $8.000000000e+00, v2;
	v4 =	vld [tilespmem:s16+$0xFFFFFF00]  }
0x248: {  	[tilespmem:s0+$0xFFFFFEB0] =	vst v3;
	v1 =	vmul.f32 $8.000000000e+00, v1;
	v3 =	vld [tilespmem:s13+$0xFFFFFF40]  }
0x249: {  	[tilespmem:s31+$0xFFFFFF30] =	vst v2;
	v0 =	vmul.f32 $8.000000000e+00, v0;
	v2 =	vld [tilespmem:s11+$0xFFFFFF80]  }
0x24a: {  	[tilespmem:s29+$0xFFFFFFB0] =	vst v1;
	v1 =	vld [tilespmem:s1+$0xFFFFFFC0]  }
0x24b: {  	[tilespmem:s28+$0x30] =	vst v0;
	v0 =	vld [tilespmem:s30+$0x0]  }
0x24c: {  	v4 =	vmul.f32 $8.000000000e+00, v4;
	v5 =	vld [tilespmem:s23+$0x40]  }
0x24d: {  	s15 =	simm.s32 $0x14200;
	v3 =	vmul.f32 $8.000000000e+00, v3  }
0x24e: {  	[tilespmem:s15+$0xFFFFFE00] =	vst v4;
	v2 =	vmul.f32 $8.000000000e+00, v2  }
0x24f: {  	v4 =	vld [tilespmem:s16+$0xFFFFFF10];
	[tilespmem:s14+$0xFFFFFE80] =	vst v3;
	v1 =	vmul.f32 $8.000000000e+00, v1  }
0x250: {  	v3 =	vld [tilespmem:s13+$0xFFFFFF50];
	[tilespmem:s0+$0xFFFFFF00] =	vst v2;
	v0 =	vmul.f32 $8.000000000e+00, v0  }
0x251: {  	v2 =	vld [tilespmem:s11+$0xFFFFFF90];
	[tilespmem:s31+$0xFFFFFF80] =	vst v1;
	v1 =	vmul.f32 $8.000000000e+00, v5  }
0x252: {  	v5 =	vld [tilespmem:s1+$0xFFFFFFD0];
	[tilespmem:s29+$0x0] =	vst v0  }
0x253: {  	v0 =	vld [tilespmem:s30+$0x10];
	[tilespmem:s28+$0x80] =	vst v1  }
0x254: {  	v1 =	vmul.f32 $8.000000000e+00, v4;
	v4 =	vld [tilespmem:s23+$0x50]  }
0x255: {  	v3 =	vmul.f32 $8.000000000e+00, v3  }
0x256: {  	[tilespmem:s15+$0xFFFFFE10] =	vst v1;
	v1 =	vmul.f32 $8.000000000e+00, v2  }
0x257: {  	v2 =	vld [tilespmem:s16+$0xFFFFFF20];
	[tilespmem:s14+$0xFFFFFE90] =	vst v3;
	v3 =	vmul.f32 $8.000000000e+00, v5  }
0x258: {  	v5 =	vld [tilespmem:s13+$0xFFFFFF60];
	[tilespmem:s0+$0xFFFFFF10] =	vst v1;
	v0 =	vmul.f32 $8.000000000e+00, v0  }
0x259: {  	v1 =	vld [tilespmem:s11+$0xFFFFFFA0];
	[tilespmem:s31+$0xFFFFFF90] =	vst v3;
	v3 =	vmul.f32 $8.000000000e+00, v4  }
0x25a: {  	v4 =	vld [tilespmem:s1+$0xFFFFFFE0];
	[tilespmem:s29+$0x10] =	vst v0  }
0x25b: {  	v0 =	vld [tilespmem:s30+$0x20];
	[tilespmem:s28+$0x90] =	vst v3  }
0x25c: {  	v2 =	vmul.f32 $8.000000000e+00, v2;
	v3 =	vld [tilespmem:s23+$0x60]  }
0x25d: {  	v5 =	vmul.f32 $8.000000000e+00, v5  }
0x25e: {  	[tilespmem:s15+$0xFFFFFE20] =	vst v2;
	v1 =	vmul.f32 $8.000000000e+00, v1  }
0x25f: {  	v2 =	vld [tilespmem:s16+$0xFFFFFF30];
	[tilespmem:s14+$0xFFFFFEA0] =	vst v5;
	v4 =	vmul.f32 $8.000000000e+00, v4  }
0x260: {  	v5 =	vld [tilespmem:s13+$0xFFFFFF70];
	[tilespmem:s0+$0xFFFFFF20] =	vst v1;
	v0 =	vmul.f32 $8.000000000e+00, v0  }
0x261: {  	v1 =	vld [tilespmem:s11+$0xFFFFFFB0];
	[tilespmem:s31+$0xFFFFFFA0] =	vst v4;
	v3 =	vmul.f32 $8.000000000e+00, v3  }
0x262: {  	v4 =	vld [tilespmem:s1+$0xFFFFFFF0];
	[tilespmem:s29+$0x20] =	vst v0  }
0x263: {  	v0 =	vld [tilespmem:s30+$0x30];
	[tilespmem:s28+$0xA0] =	vst v3  }
0x264: {  	v2 =	vmul.f32 $8.000000000e+00, v2;
	v3 =	vld [tilespmem:s23+$0x70]  }
0x265: {  	s17 =	simm.s32 $0xA300;
	v5 =	vmul.f32 $8.000000000e+00, v5  }
0x266: {  	[tilespmem:s15+$0xFFFFFE30] =	vst v2;
	v1 =	vmul.f32 $8.000000000e+00, v1;
	v2 =	vld [tilespmem:s17+$0xFFFFFF00]  }
0x267: {  	[tilespmem:s14+$0xFFFFFEB0] =	vst v5;
	v4 =	vmul.f32 $8.000000000e+00, v4;
	v5 =	vld [tilespmem:s16+$0xFFFFFF40]  }
0x268: {  	[tilespmem:s0+$0xFFFFFF30] =	vst v1;
	v0 =	vmul.f32 $8.000000000e+00, v0;
	v1 =	vld [tilespmem:s13+$0xFFFFFF80]  }
0x269: {  	[tilespmem:s31+$0xFFFFFFB0] =	vst v4;
	v3 =	vmul.f32 $8.000000000e+00, v3;
	v4 =	vld [tilespmem:s11+$0xFFFFFFC0]  }
0x26a: {  	[tilespmem:s29+$0x30] =	vst v0;
	v0 =	vld [tilespmem:s1+$0x0]  }
0x26b: {  	[tilespmem:s28+$0xB0] =	vst v3;
	v2 =	vmul.f32 $8.000000000e+00, v2;
	v3 =	vld [tilespmem:s30+$0x40]  }
0x26c: {  	s12 =	simm.s32 $0x14600;
	v5 =	vmul.f32 $8.000000000e+00, v5;
	v6 =	vld [tilespmem:s23+$0x80]  }
0x26d: {  	[tilespmem:s12+$0xFFFFFE00] =	vst v2;
	v1 =	vmul.f32 $8.000000000e+00, v1  }
0x26e: {  	v2 =	vld [tilespmem:s17+$0xFFFFFF10];
	[tilespmem:s15+$0xFFFFFE80] =	vst v5;
	v4 =	vmul.f32 $8.000000000e+00, v4  }
0x26f: {  	v5 =	vld [tilespmem:s16+$0xFFFFFF50];
	[tilespmem:s14+$0xFFFFFF00] =	vst v1;
	v0 =	vmul.f32 $8.000000000e+00, v0  }
0x270: {  	v1 =	vld [tilespmem:s13+$0xFFFFFF90];
	[tilespmem:s0+$0xFFFFFF80] =	vst v4;
	v3 =	vmul.f32 $8.000000000e+00, v3  }
0x271: {  	v4 =	vld [tilespmem:s11+$0xFFFFFFD0];
	[tilespmem:s31+$0x0] =	vst v0;
	v0 =	vmul.f32 $8.000000000e+00, v6  }
0x272: {  	v6 =	vld [tilespmem:s1+$0x10];
	[tilespmem:s29+$0x80] =	vst v3  }
0x273: {  	v2 =	vmul.f32 $8.000000000e+00, v2;
	v3 =	vld [tilespmem:s30+$0x50];
	[tilespmem:s28+$0x100] =	vst v0  }
0x274: {  	v0 =	vmul.f32 $8.000000000e+00, v5;
	v5 =	vld [tilespmem:s23+$0x90]  }
0x275: {  	[tilespmem:s12+$0xFFFFFE10] =	vst v2;
	v1 =	vmul.f32 $8.000000000e+00, v1  }
0x276: {  	v2 =	vld [tilespmem:s17+$0xFFFFFF20];
	[tilespmem:s15+$0xFFFFFE90] =	vst v0;
	v0 =	vmul.f32 $8.000000000e+00, v4  }
0x277: {  	v4 =	vld [tilespmem:s16+$0xFFFFFF60];
	[tilespmem:s14+$0xFFFFFF10] =	vst v1;
	v1 =	vmul.f32 $8.000000000e+00, v6  }
0x278: {  	v6 =	vld [tilespmem:s13+$0xFFFFFFA0];
	[tilespmem:s0+$0xFFFFFF90] =	vst v0;
	v0 =	vmul.f32 $8.000000000e+00, v3  }
0x279: {  	v3 =	vld [tilespmem:s11+$0xFFFFFFE0];
	[tilespmem:s31+$0x10] =	vst v1;
	v1 =	vmul.f32 $8.000000000e+00, v5  }
0x27a: {  	v5 =	vld [tilespmem:s1+$0x20];
	[tilespmem:s29+$0x90] =	vst v0  }
0x27b: {  	v0 =	vmul.f32 $8.000000000e+00, v2;
	v2 =	vld [tilespmem:s30+$0x60];
	[tilespmem:s28+$0x110] =	vst v1  }
0x27c: {  	v1 =	vmul.f32 $8.000000000e+00, v4;
	v4 =	vld [tilespmem:s23+$0xA0]  }
0x27d: {  	[tilespmem:s12+$0xFFFFFE20] =	vst v0;
	v0 =	vmul.f32 $8.000000000e+00, v6  }
0x27e: {  	v6 =	vld [tilespmem:s17+$0xFFFFFF30];
	[tilespmem:s15+$0xFFFFFEA0] =	vst v1;
	v1 =	vmul.f32 $8.000000000e+00, v3  }
0x27f: {  	v3 =	vld [tilespmem:s16+$0xFFFFFF70];
	[tilespmem:s14+$0xFFFFFF20] =	vst v0;
	v0 =	vmul.f32 $8.000000000e+00, v5  }
0x280: {  	v5 =	vld [tilespmem:s13+$0xFFFFFFB0];
	[tilespmem:s0+$0xFFFFFFA0] =	vst v1;
	v1 =	vmul.f32 $8.000000000e+00, v2  }
0x281: {  	v2 =	vld [tilespmem:s11+$0xFFFFFFF0];
	[tilespmem:s31+$0x20] =	vst v0;
	v0 =	vmul.f32 $8.000000000e+00, v4  }
0x282: {  	v4 =	vld [tilespmem:s1+$0x30];
	[tilespmem:s29+$0xA0] =	vst v1  }
0x283: {  	v1 =	vmul.f32 $8.000000000e+00, v6;
	v6 =	vld [tilespmem:s30+$0x70];
	[tilespmem:s28+$0x120] =	vst v0  }
0x284: {  	s6 =	simm.s32 $0xA500;
	v0 =	vmul.f32 $8.000000000e+00, v3;
	v3 =	vld [tilespmem:s23+$0xB0]  }
0x285: {  	[tilespmem:s12+$0xFFFFFE30] =	vst v1;
	v1 =	vmul.f32 $8.000000000e+00, v5;
	v5 =	vld [tilespmem:s6+$0xFFFFFF00]  }
0x286: {  	[tilespmem:s15+$0xFFFFFEB0] =	vst v0;
	v0 =	vmul.f32 $8.000000000e+00, v2;
	v2 =	vld [tilespmem:s17+$0xFFFFFF40]  }
0x287: {  	[tilespmem:s14+$0xFFFFFF30] =	vst v1;
	v1 =	vmul.f32 $8.000000000e+00, v4;
	v4 =	vld [tilespmem:s16+$0xFFFFFF80]  }
0x288: {  	[tilespmem:s0+$0xFFFFFFB0] =	vst v0;
	v0 =	vmul.f32 $8.000000000e+00, v6;
	v6 =	vld [tilespmem:s13+$0xFFFFFFC0]  }
0x289: {  	[tilespmem:s31+$0x30] =	vst v1;
	v1 =	vmul.f32 $8.000000000e+00, v3;
	v3 =	vld [tilespmem:s11+$0x0]  }
0x28a: {  	[tilespmem:s29+$0xB0] =	vst v0;
	v0 =	vmul.f32 $8.000000000e+00, v5;
	v5 =	vld [tilespmem:s1+$0x40]  }
0x28b: {  	s9 =	simm.s32 $0x14A00;
	[tilespmem:s28+$0x130] =	vst v1;
	v1 =	vmul.f32 $8.000000000e+00, v2;
	v2 =	vld [tilespmem:s30+$0x80]  }
0x28c: {  	[tilespmem:s9+$0xFFFFFE00] =	vst v0;
	v0 =	vmul.f32 $8.000000000e+00, v4;
	v4 =	vld [tilespmem:s23+$0xC0]  }
0x28d: {  	v7 =	vld [tilespmem:s6+$0xFFFFFF10];
	[tilespmem:s12+$0xFFFFFE80] =	vst v1;
	v1 =	vmul.f32 $8.000000000e+00, v6  }
0x28e: {  	v6 =	vld [tilespmem:s17+$0xFFFFFF50];
	[tilespmem:s15+$0xFFFFFF00] =	vst v0;
	v0 =	vmul.f32 $8.000000000e+00, v3  }
0x28f: {  	v3 =	vld [tilespmem:s16+$0xFFFFFF90];
	[tilespmem:s14+$0xFFFFFF80] =	vst v1;
	v1 =	vmul.f32 $8.000000000e+00, v5  }
0x290: {  	v5 =	vld [tilespmem:s13+$0xFFFFFFD0];
	[tilespmem:s0+$0x0] =	vst v0;
	v0 =	vmul.f32 $8.000000000e+00, v2  }
0x291: {  	v2 =	vld [tilespmem:s11+$0x10];
	[tilespmem:s31+$0x80] =	vst v1;
	v1 =	vmul.f32 $8.000000000e+00, v4  }
0x292: {  	v4 =	vmul.f32 $8.000000000e+00, v7;
	v7 =	vld [tilespmem:s1+$0x50];
	[tilespmem:s29+$0x100] =	vst v0  }
0x293: {  	v0 =	vmul.f32 $8.000000000e+00, v6;
	v6 =	vld [tilespmem:s30+$0x90];
	[tilespmem:s28+$0x180] =	vst v1  }
0x294: {  	[tilespmem:s9+$0xFFFFFE10] =	vst v4;
	v1 =	vmul.f32 $8.000000000e+00, v3;
	v3 =	vld [tilespmem:s23+$0xD0]  }
0x295: {  	v4 =	vld [tilespmem:s6+$0xFFFFFF20];
	[tilespmem:s12+$0xFFFFFE90] =	vst v0;
	v0 =	vmul.f32 $8.000000000e+00, v5  }
0x296: {  	v5 =	vld [tilespmem:s17+$0xFFFFFF60];
	[tilespmem:s15+$0xFFFFFF10] =	vst v1;
	v1 =	vmul.f32 $8.000000000e+00, v2  }
0x297: {  	v2 =	vld [tilespmem:s16+$0xFFFFFFA0];
	[tilespmem:s14+$0xFFFFFF90] =	vst v0;
	v0 =	vmul.f32 $8.000000000e+00, v7  }
0x298: {  	v7 =	vld [tilespmem:s13+$0xFFFFFFE0];
	[tilespmem:s0+$0x10] =	vst v1;
	v1 =	vmul.f32 $8.000000000e+00, v6  }
0x299: {  	v6 =	vld [tilespmem:s11+$0x20];
	[tilespmem:s31+$0x90] =	vst v0;
	v0 =	vmul.f32 $8.000000000e+00, v3  }
0x29a: {  	v3 =	vmul.f32 $8.000000000e+00, v4;
	v4 =	vld [tilespmem:s1+$0x60];
	[tilespmem:s29+$0x110] =	vst v1  }
0x29b: {  	v1 =	vmul.f32 $8.000000000e+00, v5;
	v5 =	vld [tilespmem:s30+$0xA0];
	[tilespmem:s28+$0x190] =	vst v0  }
0x29c: {  	[tilespmem:s9+$0xFFFFFE20] =	vst v3;
	v0 =	vmul.f32 $8.000000000e+00, v2;
	v2 =	vld [tilespmem:s23+$0xE0]  }
0x29d: {  	v8 =	vld [tilespmem:s6+$0xFFFFFF30];
	[tilespmem:s12+$0xFFFFFEA0] =	vst v1;
	v1 =	vmul.f32 $8.000000000e+00, v7  }
0x29e: {  	v7 =	vld [tilespmem:s17+$0xFFFFFF70];
	[tilespmem:s15+$0xFFFFFF20] =	vst v0;
	v0 =	vmul.f32 $8.000000000e+00, v6  }
0x29f: {  	v9 =	vld [tilespmem:s16+$0xFFFFFFB0];
	[tilespmem:s14+$0xFFFFFFA0] =	vst v1;
	v1 =	vmul.f32 $8.000000000e+00, v4  }
0x2a0: {  	v4 =	vld [tilespmem:s13+$0xFFFFFFF0];
	[tilespmem:s0+$0x20] =	vst v0;
	v0 =	vmul.f32 $8.000000000e+00, v5  }
0x2a1: {  	v3 =	vld [tilespmem:s11+$0x30];
	[tilespmem:s31+$0xA0] =	vst v1;
	v5 =	vmul.f32 $8.000000000e+00, v2  }
0x2a2: {  	v8 =	vmul.f32 $8.000000000e+00, v8;
	v2 =	vld [tilespmem:s1+$0x70];
	[tilespmem:s29+$0x120] =	vst v0  }
0x2a3: {  	v1 =	vld [tilespmem:s30+$0xB0];
	[tilespmem:s28+$0x1A0] =	vst v5;
	v6 =	vmul.f32 $8.000000000e+00, v7  }
0x2a4: {  	s10 =	simm.s32 $0x38;
	s8 =	simm.s32 $0x14A00;
	s22 =	simm.s32 $0xA700;
	[tilespmem:s9+$0xFFFFFE30] =	vst v8;
	v5 =	vmul.f32 $8.000000000e+00, v9;
	v0 =	vld [tilespmem:s23+$0xF0]  }
.LBB2_5:
0x2a5: {  	v7 =	vld [tilespmem:s22+$0xFFFFFF00];
	[tilespmem:s12+$0xFFFFFEB0] =	vst v6;
	v4 =	vmul.f32 $8.000000000e+00, v4;
	s23 =	smov.u32 s11;
	s11 =	smov.u32 s13;
	s13 =	smov.u32 s16  }
0x2a6: {  	s16 =	smov.u32 s17;
	s17 =	smov.u32 s6;
	v6 =	vld [tilespmem:s6+$0xFFFFFF40];
	[tilespmem:s15+$0xFFFFFF30] =	vst v5;
	v3 =	vmul.f32 $8.000000000e+00, v3;
	s6 =	smov.u32 s22  }
0x2a7: {  	v5 =	vld [tilespmem:s16+$0xFFFFFF80];
	[tilespmem:s14+$0xFFFFFFB0] =	vst v4;
	v2 =	vmul.f32 $8.000000000e+00, v2  }
0x2a8: {  	v4 =	vld [tilespmem:s13+$0xFFFFFFC0];
	[tilespmem:s0+$0x30] =	vst v3;
	v1 =	vmul.f32 $8.000000000e+00, v1  }
0x2a9: {  	v3 =	vld [tilespmem:s11+$0x0];
	[tilespmem:s31+$0xB0] =	vst v2;
	v0 =	vmul.f32 $8.000000000e+00, v0  }
0x2aa: {  	v2 =	vmul.f32 $8.000000000e+00, v7;
	v7 =	vld [tilespmem:s23+$0x40];
	[tilespmem:s29+$0x130] =	vst v1  }
0x2ab: {  	s9 =	sadd.s32 $0x400, s9;
	v1 =	vmul.f32 $8.000000000e+00, v6;
	v6 =	vld [tilespmem:s1+$0x80];
	[tilespmem:s28+$0x1B0] =	vst v0;
	s28 =	smov.u32 s29;
	s29 =	smov.u32 s31  }
0x2ac: {  	s10 =	sadd.s32 $0x8, s10;
	s31 =	smov.u32 s0;
	s0 =	smov.u32 s14;
	[tilespmem:s9+$0xFFFFFE00] =	vst v2;
	v0 =	vmul.f32 $8.000000000e+00, v5;
	v2 =	vld [tilespmem:s30+$0xC0]  }
0x2ad: {  	p1 =	slt.u32 s10, $0xC0;
	s14 =	smov.u32 s15;
	s15 =	smov.u32 s12;
	v5 =	vld [tilespmem:s22+$0xFFFFFF10];
	[tilespmem:s8+$0xFFFFFE80] =	vst v1;
	v1 =	vmul.f32 $8.000000000e+00, v4  }
0x2ae: {  	s12 =	smov.u32 s8;
	s8 =	smov.u32 s9;
	v4 =	vld [tilespmem:s17+$0xFFFFFF50];
	[tilespmem:s15+$0xFFFFFF00] =	vst v0;
	v0 =	vmul.f32 $8.000000000e+00, v3  }
0x2af: {  	v3 =	vld [tilespmem:s16+$0xFFFFFF90];
	[tilespmem:s14+$0xFFFFFF80] =	vst v1;
	v1 =	vmul.f32 $8.000000000e+00, v7  }
0x2b0: {  	v7 =	vld [tilespmem:s13+$0xFFFFFFD0];
	[tilespmem:s0+$0x0] =	vst v0;
	v0 =	vmul.f32 $8.000000000e+00, v6  }
0x2b1: {  	v6 =	vld [tilespmem:s11+$0x10];
	[tilespmem:s31+$0x80] =	vst v1;
	v1 =	vmul.f32 $8.000000000e+00, v2  }
0x2b2: {  	v2 =	vmul.f32 $8.000000000e+00, v5;
	v5 =	vld [tilespmem:s23+$0x50];
	[tilespmem:s29+$0x100] =	vst v0  }
0x2b3: {  	v0 =	vmul.f32 $8.000000000e+00, v4;
	v4 =	vld [tilespmem:s1+$0x90];
	[tilespmem:s28+$0x180] =	vst v1  }
0x2b4: {  	[tilespmem:s9+$0xFFFFFE10] =	vst v2;
	v1 =	vmul.f32 $8.000000000e+00, v3;
	v2 =	vld [tilespmem:s30+$0xD0]  }
0x2b5: {  	v3 =	vld [tilespmem:s22+$0xFFFFFF20];
	[tilespmem:s12+$0xFFFFFE90] =	vst v0;
	v0 =	vmul.f32 $8.000000000e+00, v7  }
0x2b6: {  	v7 =	vld [tilespmem:s17+$0xFFFFFF60];
	[tilespmem:s15+$0xFFFFFF10] =	vst v1;
	v1 =	vmul.f32 $8.000000000e+00, v6  }
0x2b7: {  	v6 =	vld [tilespmem:s16+$0xFFFFFFA0];
	[tilespmem:s14+$0xFFFFFF90] =	vst v0;
	v0 =	vmul.f32 $8.000000000e+00, v5  }
0x2b8: {  	v5 =	vld [tilespmem:s13+$0xFFFFFFE0];
	[tilespmem:s0+$0x10] =	vst v1;
	v1 =	vmul.f32 $8.000000000e+00, v4  }
0x2b9: {  	v4 =	vld [tilespmem:s11+$0x20];
	[tilespmem:s31+$0x90] =	vst v0;
	v0 =	vmul.f32 $8.000000000e+00, v2  }
0x2ba: {  	v2 =	vmul.f32 $8.000000000e+00, v3;
	v3 =	vld [tilespmem:s23+$0x60];
	[tilespmem:s29+$0x110] =	vst v1  }
0x2bb: {  	v1 =	vmul.f32 $8.000000000e+00, v7;
	v7 =	vld [tilespmem:s1+$0xA0];
	[tilespmem:s28+$0x190] =	vst v0  }
0x2bc: {  	[tilespmem:s9+$0xFFFFFE20] =	vst v2;
	v0 =	vmul.f32 $8.000000000e+00, v6;
	v2 =	vld [tilespmem:s30+$0xE0]  }
0x2bd: {  	v6 =	vld [tilespmem:s22+$0xFFFFFF30];
	[tilespmem:s12+$0xFFFFFEA0] =	vst v1;
	v1 =	vmul.f32 $8.000000000e+00, v5  }
0x2be: {  	v5 =	vld [tilespmem:s17+$0xFFFFFF70];
	[tilespmem:s15+$0xFFFFFF20] =	vst v0;
	v0 =	vmul.f32 $8.000000000e+00, v4  }
0x2bf: {  	v8 =	vld [tilespmem:s16+$0xFFFFFFB0];
	[tilespmem:s14+$0xFFFFFFA0] =	vst v1;
	v1 =	vmul.f32 $8.000000000e+00, v3  }
.Ltmp1:
0x2c0: {  	v4 =	vld [tilespmem:s13+$0xFFFFFFF0];
	[tilespmem:s0+$0x20] =	vst v0;
	v0 =	vmul.f32 $8.000000000e+00, v7;
	(pc) =	sbr.rel @p1 .LBB2_5-.Ltmp1, $4  }
0x2c1: {  	v3 =	vld [tilespmem:s11+$0x30];
	[tilespmem:s31+$0xA0] =	vst v1;
	v7 =	vmul.f32 $8.000000000e+00, v2  }
0x2c2: {  	v9 =	vmul.f32 $8.000000000e+00, v6;
	v2 =	vld [tilespmem:s23+$0x70];
	[tilespmem:s29+$0x120] =	vst v0  }
0x2c3: {  	v6 =	vmul.f32 $8.000000000e+00, v5;
	v1 =	vld [tilespmem:s1+$0xB0];
	[tilespmem:s28+$0x1A0] =	vst v7  }
0x2c4: {  	s22 =	sadd.s32 $0x200, s22;
	[tilespmem:s9+$0xFFFFFE30] =	vst v9;
	v5 =	vmul.f32 $8.000000000e+00, v8;
	v0 =	vld [tilespmem:s30+$0xF0];
	s30 =	smov.u32 s1;
	s1 =	smov.u32 s23  }
0x2c5: {  	v7 =	vld [tilespmem:s6+$0xFFFFFF40];
	_ =	sdelay $0x4  }
0x2c6: {  	v7 =	vmul.f32 $8.000000000e+00, v7;
	_ =	sdelay $0x1  }
0x2c7: {  	[tilespmem:s8+$0xFFFFFE80] =	vst v7  }
0x2c8: {  	v7 =	vld [tilespmem:s6+$0xFFFFFF50];
	_ =	sdelay $0x4  }
0x2c9: {  	v7 =	vmul.f32 $8.000000000e+00, v7;
	_ =	sdelay $0x1  }
0x2ca: {  	[tilespmem:s8+$0xFFFFFE90] =	vst v7  }
0x2cb: {  	v7 =	vld [tilespmem:s6+$0xFFFFFF60];
	_ =	sdelay $0x4  }
0x2cc: {  	v7 =	vmul.f32 $8.000000000e+00, v7;
	_ =	sdelay $0x1  }
0x2cd: {  	[tilespmem:s8+$0xFFFFFEA0] =	vst v7  }
0x2ce: {  	v7 =	vld [tilespmem:s6+$0xFFFFFF70];
	_ =	sdelay $0x2  }
0x2cf: {  	[tilespmem:s12+$0xFFFFFEB0] =	vst v6  }
0x2d0: {  	v6 =	vld [tilespmem:s17+$0xFFFFFF80]  }
0x2d1: {  	v7 =	vmul.f32 $8.000000000e+00, v7;
	_ =	sdelay $0x1  }
0x2d2: {  	[tilespmem:s8+$0xFFFFFEB0] =	vst v7  }
0x2d3: {  	v7 =	vld [tilespmem:s6+$0xFFFFFF80]  }
0x2d4: {  	v6 =	vmul.f32 $8.000000000e+00, v6;
	_ =	sdelay $0x1  }
0x2d5: {  	[tilespmem:s12+$0xFFFFFF00] =	vst v6  }
0x2d6: {  	v6 =	vld [tilespmem:s17+$0xFFFFFF90]  }
0x2d7: {  	v7 =	vmul.f32 $8.000000000e+00, v7;
	_ =	sdelay $0x1  }
0x2d8: {  	[tilespmem:s8+$0xFFFFFF00] =	vst v7  }
0x2d9: {  	v7 =	vld [tilespmem:s6+$0xFFFFFF90]  }
0x2da: {  	v6 =	vmul.f32 $8.000000000e+00, v6;
	_ =	sdelay $0x1  }
0x2db: {  	[tilespmem:s12+$0xFFFFFF10] =	vst v6  }
0x2dc: {  	v6 =	vld [tilespmem:s17+$0xFFFFFFA0]  }
0x2dd: {  	v7 =	vmul.f32 $8.000000000e+00, v7;
	_ =	sdelay $0x1  }
0x2de: {  	[tilespmem:s8+$0xFFFFFF10] =	vst v7  }
0x2df: {  	v7 =	vld [tilespmem:s6+$0xFFFFFFA0]  }
0x2e0: {  	v6 =	vmul.f32 $8.000000000e+00, v6;
	_ =	sdelay $0x1  }
0x2e1: {  	[tilespmem:s12+$0xFFFFFF20] =	vst v6  }
0x2e2: {  	v6 =	vld [tilespmem:s17+$0xFFFFFFB0]  }
0x2e3: {  	v7 =	vmul.f32 $8.000000000e+00, v7;
	_ =	sdelay $0x1  }
0x2e4: {  	[tilespmem:s8+$0xFFFFFF20] =	vst v7  }
0x2e5: {  	v7 =	vld [tilespmem:s6+$0xFFFFFFB0]  }
0x2e6: {  	v6 =	vmul.f32 $8.000000000e+00, v6;
	_ =	sdelay $0x1  }
0x2e7: {  	[tilespmem:s12+$0xFFFFFF30] =	vst v6  }
0x2e8: {  	v6 =	vld [tilespmem:s17+$0xFFFFFFC0]  }
0x2e9: {  	v47 =	vmul.f32 $8.000000000e+00, v7  }
0x2ea: {  	[tilespmem:s15+$0xFFFFFF30] =	vst v5  }
0x2eb: {  	v48 =	vld [tilespmem:s16+$0xFFFFFFC0];
	[tilespmem:s8+$0xFFFFFF30] =	vst v47  }
0x2ec: {  	v5 =	vld [tilespmem:s6+$0xFFFFFFC0]  }
0x2ed: {  	v6 =	vmul.f32 $8.000000000e+00, v6;
	_ =	sdelay $0x1  }
0x2ee: {  	[tilespmem:s12+$0xFFFFFF80] =	vst v6  }
0x2ef: {  	v6 =	vld [tilespmem:s17+$0xFFFFFFD0];
	v7 =	vmul.f32 $8.000000000e+00, v48  }
0x2f0: {  	v5 =	vmul.f32 $8.000000000e+00, v5  }
0x2f1: {  	[tilespmem:s15+$0xFFFFFF80] =	vst v7  }
0x2f2: {  	v7 =	vld [tilespmem:s16+$0xFFFFFFD0];
	[tilespmem:s8+$0xFFFFFF80] =	vst v5  }
0x2f3: {  	v5 =	vld [tilespmem:s6+$0xFFFFFFD0]  }
0x2f4: {  	v6 =	vmul.f32 $8.000000000e+00, v6;
	_ =	sdelay $0x1  }
0x2f5: {  	[tilespmem:s12+$0xFFFFFF90] =	vst v6  }
0x2f6: {  	v6 =	vld [tilespmem:s17+$0xFFFFFFE0];
	v7 =	vmul.f32 $8.000000000e+00, v7  }
0x2f7: {  	v5 =	vmul.f32 $8.000000000e+00, v5  }
0x2f8: {  	[tilespmem:s15+$0xFFFFFF90] =	vst v7  }
0x2f9: {  	v7 =	vld [tilespmem:s16+$0xFFFFFFE0];
	[tilespmem:s8+$0xFFFFFF90] =	vst v5  }
0x2fa: {  	v5 =	vld [tilespmem:s6+$0xFFFFFFE0]  }
0x2fb: {  	v6 =	vmul.f32 $8.000000000e+00, v6;
	_ =	sdelay $0x1  }
0x2fc: {  	[tilespmem:s12+$0xFFFFFFA0] =	vst v6  }
0x2fd: {  	v6 =	vld [tilespmem:s17+$0xFFFFFFF0];
	v7 =	vmul.f32 $8.000000000e+00, v7  }
0x2fe: {  	v5 =	vmul.f32 $8.000000000e+00, v5  }
0x2ff: {  	[tilespmem:s15+$0xFFFFFFA0] =	vst v7  }
0x300: {  	v7 =	vld [tilespmem:s16+$0xFFFFFFF0];
	[tilespmem:s8+$0xFFFFFFA0] =	vst v5  }
0x301: {  	v5 =	vld [tilespmem:s6+$0xFFFFFFF0]  }
0x302: {  	v49 =	vmul.f32 $8.000000000e+00, v6  }
0x303: {  	v4 =	vmul.f32 $8.000000000e+00, v4  }
0x304: {  	[tilespmem:s12+$0xFFFFFFB0] =	vst v49  }
0x305: {  	[tilespmem:s14+$0xFFFFFFB0] =	vst v4;
	v4 =	vld [tilespmem:s17+$0x0];
	v7 =	vmul.f32 $8.000000000e+00, v7  }
0x306: {  	v5 =	vmul.f32 $8.000000000e+00, v5  }
0x307: {  	v50 =	vld [tilespmem:s13+$0x0];
	[tilespmem:s15+$0xFFFFFFB0] =	vst v7  }
0x308: {  	v7 =	vld [tilespmem:s16+$0x0];
	[tilespmem:s8+$0xFFFFFFB0] =	vst v5  }
0x309: {  	v5 =	vld [tilespmem:s6+$0x0]  }
0x30a: {  	v4 =	vmul.f32 $8.000000000e+00, v4;
	_ =	sdelay $0x1  }
0x30b: {  	v6 =	vmul.f32 $8.000000000e+00, v50;
	[tilespmem:s12+$0x0] =	vst v4  }
0x30c: {  	v4 =	vld [tilespmem:s17+$0x10];
	v7 =	vmul.f32 $8.000000000e+00, v7  }
0x30d: {  	[tilespmem:s14+$0x0] =	vst v6;
	v5 =	vmul.f32 $8.000000000e+00, v5  }
0x30e: {  	v6 =	vld [tilespmem:s13+$0x10];
	[tilespmem:s15+$0x0] =	vst v7  }
0x30f: {  	v7 =	vld [tilespmem:s16+$0x10];
	[tilespmem:s8+$0x0] =	vst v5  }
0x310: {  	v5 =	vld [tilespmem:s6+$0x10]  }
0x311: {  	v4 =	vmul.f32 $8.000000000e+00, v4;
	_ =	sdelay $0x1  }
0x312: {  	v6 =	vmul.f32 $8.000000000e+00, v6;
	[tilespmem:s12+$0x10] =	vst v4  }
0x313: {  	v4 =	vld [tilespmem:s17+$0x20];
	v7 =	vmul.f32 $8.000000000e+00, v7  }
0x314: {  	[tilespmem:s14+$0x10] =	vst v6;
	v5 =	vmul.f32 $8.000000000e+00, v5  }
0x315: {  	v6 =	vld [tilespmem:s13+$0x20];
	[tilespmem:s15+$0x10] =	vst v7  }
0x316: {  	v7 =	vld [tilespmem:s16+$0x20];
	[tilespmem:s8+$0x10] =	vst v5  }
0x317: {  	v5 =	vld [tilespmem:s6+$0x20]  }
0x318: {  	v4 =	vmul.f32 $8.000000000e+00, v4;
	_ =	sdelay $0x1  }
0x319: {  	v6 =	vmul.f32 $8.000000000e+00, v6;
	[tilespmem:s12+$0x20] =	vst v4  }
0x31a: {  	v4 =	vld [tilespmem:s17+$0x30];
	v7 =	vmul.f32 $8.000000000e+00, v7  }
0x31b: {  	[tilespmem:s14+$0x20] =	vst v6;
	v5 =	vmul.f32 $8.000000000e+00, v5  }
0x31c: {  	v6 =	vld [tilespmem:s13+$0x30];
	[tilespmem:s15+$0x20] =	vst v7  }
0x31d: {  	v7 =	vld [tilespmem:s16+$0x30];
	[tilespmem:s8+$0x20] =	vst v5  }
0x31e: {  	v5 =	vld [tilespmem:s6+$0x30]  }
0x31f: {  	v4 =	vmul.f32 $8.000000000e+00, v4  }
0x320: {  	v3 =	vmul.f32 $8.000000000e+00, v3  }
0x321: {  	v6 =	vmul.f32 $8.000000000e+00, v6;
	[tilespmem:s12+$0x30] =	vst v4  }
0x322: {  	[tilespmem:s0+$0x30] =	vst v3;
	v4 =	vld [tilespmem:s17+$0x40];
	v51 =	vmul.f32 $8.000000000e+00, v7  }
0x323: {  	v52 =	vld [tilespmem:s11+$0x40];
	[tilespmem:s14+$0x30] =	vst v6;
	v53 =	vmul.f32 $8.000000000e+00, v5  }
0x324: {  	v6 =	vld [tilespmem:s13+$0x40];
	[tilespmem:s15+$0x30] =	vst v51  }
0x325: {  	v54 =	vld [tilespmem:s16+$0x40];
	[tilespmem:s8+$0x30] =	vst v53  }
0x326: {  	v3 =	vld [tilespmem:s6+$0x40]  }
0x327: {  	v4 =	vmul.f32 $8.000000000e+00, v4  }
0x328: {  	v7 =	vmul.f32 $8.000000000e+00, v52  }
0x329: {  	v6 =	vmul.f32 $8.000000000e+00, v6;
	[tilespmem:s12+$0x80] =	vst v4  }
0x32a: {  	v4 =	vld [tilespmem:s17+$0x50];
	[tilespmem:s0+$0x80] =	vst v7;
	v5 =	vmul.f32 $8.000000000e+00, v54  }
0x32b: {  	[tilespmem:s14+$0x80] =	vst v6;
	v7 =	vld [tilespmem:s11+$0x50];
	v3 =	vmul.f32 $8.000000000e+00, v3  }
0x32c: {  	v6 =	vld [tilespmem:s13+$0x50];
	[tilespmem:s15+$0x80] =	vst v5  }
0x32d: {  	v5 =	vld [tilespmem:s16+$0x50];
	[tilespmem:s8+$0x80] =	vst v3  }
0x32e: {  	v3 =	vld [tilespmem:s6+$0x50]  }
0x32f: {  	v4 =	vmul.f32 $8.000000000e+00, v4  }
0x330: {  	v7 =	vmul.f32 $8.000000000e+00, v7  }
0x331: {  	v6 =	vmul.f32 $8.000000000e+00, v6;
	[tilespmem:s12+$0x90] =	vst v4  }
0x332: {  	v4 =	vld [tilespmem:s17+$0x60];
	[tilespmem:s0+$0x90] =	vst v7;
	v5 =	vmul.f32 $8.000000000e+00, v5  }
0x333: {  	[tilespmem:s14+$0x90] =	vst v6;
	v7 =	vld [tilespmem:s11+$0x60];
	v3 =	vmul.f32 $8.000000000e+00, v3  }
0x334: {  	v6 =	vld [tilespmem:s13+$0x60];
	[tilespmem:s15+$0x90] =	vst v5  }
0x335: {  	v5 =	vld [tilespmem:s16+$0x60];
	[tilespmem:s8+$0x90] =	vst v3  }
0x336: {  	v3 =	vld [tilespmem:s6+$0x60]  }
0x337: {  	v4 =	vmul.f32 $8.000000000e+00, v4  }
0x338: {  	v7 =	vmul.f32 $8.000000000e+00, v7  }
0x339: {  	v6 =	vmul.f32 $8.000000000e+00, v6;
	[tilespmem:s12+$0xA0] =	vst v4  }
0x33a: {  	v4 =	vld [tilespmem:s17+$0x70];
	[tilespmem:s0+$0xA0] =	vst v7;
	v5 =	vmul.f32 $8.000000000e+00, v5  }
0x33b: {  	[tilespmem:s14+$0xA0] =	vst v6;
	v7 =	vld [tilespmem:s11+$0x70];
	v3 =	vmul.f32 $8.000000000e+00, v3  }
0x33c: {  	v6 =	vld [tilespmem:s13+$0x70];
	[tilespmem:s15+$0xA0] =	vst v5  }
0x33d: {  	v5 =	vld [tilespmem:s16+$0x70];
	[tilespmem:s8+$0xA0] =	vst v3  }
0x33e: {  	v2 =	vmul.f32 $8.000000000e+00, v2;
	v3 =	vld [tilespmem:s6+$0x70]  }
0x33f: {  	v57 =	vmul.f32 $8.000000000e+00, v4  }
0x340: {  	[tilespmem:s31+$0xB0] =	vst v2;
	v7 =	vmul.f32 $8.000000000e+00, v7  }
0x341: {  	v56 =	vld [tilespmem:s1+$0x80];
	v55 =	vmul.f32 $8.000000000e+00, v6;
	[tilespmem:s12+$0xB0] =	vst v57  }
0x342: {  	v2 =	vld [tilespmem:s17+$0x80];
	[tilespmem:s0+$0xB0] =	vst v7;
	v5 =	vmul.f32 $8.000000000e+00, v5  }
0x343: {  	[tilespmem:s14+$0xB0] =	vst v55;
	v7 =	vld [tilespmem:s11+$0x80];
	v3 =	vmul.f32 $8.000000000e+00, v3  }
0x344: {  	v58 =	vld [tilespmem:s13+$0x80];
	[tilespmem:s15+$0xB0] =	vst v5  }
0x345: {  	v5 =	vld [tilespmem:s16+$0x80];
	[tilespmem:s8+$0xB0] =	vst v3  }
0x346: {  	v59 =	vmul.f32 $8.000000000e+00, v56;
	v60 =	vld [tilespmem:s6+$0x80]  }
0x347: {  	v2 =	vmul.f32 $8.000000000e+00, v2  }
0x348: {  	[tilespmem:s31+$0x100] =	vst v59;
	v7 =	vmul.f32 $8.000000000e+00, v7  }
0x349: {  	v62 =	vld [tilespmem:s1+$0x90];
	v61 =	vmul.f32 $8.000000000e+00, v58;
	[tilespmem:s12+$0x100] =	vst v2  }
0x34a: {  	v2 =	vld [tilespmem:s17+$0x90];
	[tilespmem:s0+$0x100] =	vst v7;
	v5 =	vmul.f32 $8.000000000e+00, v5  }
0x34b: {  	[tilespmem:s14+$0x100] =	vst v61;
	v7 =	vld [tilespmem:s11+$0x90];
	v63 =	vmul.f32 $8.000000000e+00, v60  }
0x34c: {  	v3 =	vld [tilespmem:s13+$0x90];
	[tilespmem:s15+$0x100] =	vst v5  }
0x34d: {  	v9 =	vld [tilespmem:s16+$0x90];
	[tilespmem:s8+$0x100] =	vst v63  }
0x34e: {  	v4 =	vmul.f32 $8.000000000e+00, v62;
	v5 =	vld [tilespmem:s6+$0x90]  }
0x34f: {  	v2 =	vmul.f32 $8.000000000e+00, v2  }
0x350: {  	[tilespmem:s31+$0x110] =	vst v4;
	v7 =	vmul.f32 $8.000000000e+00, v7  }
0x351: {  	v4 =	vld [tilespmem:s1+$0xA0];
	[tilespmem:s12+$0x110] =	vst v2;
	v3 =	vmul.f32 $8.000000000e+00, v3  }
0x352: {  	v2 =	vld [tilespmem:s17+$0xA0];
	[tilespmem:s0+$0x110] =	vst v7;
	v6 =	vmul.f32 $8.000000000e+00, v9  }
0x353: {  	v7 =	vld [tilespmem:s11+$0xA0];
	[tilespmem:s14+$0x110] =	vst v3;
	v5 =	vmul.f32 $8.000000000e+00, v5  }
0x354: {  	v3 =	vld [tilespmem:s13+$0xA0];
	[tilespmem:s15+$0x110] =	vst v6  }
0x355: {  	v6 =	vld [tilespmem:s16+$0xA0];
	[tilespmem:s8+$0x110] =	vst v5  }
0x356: {  	v4 =	vmul.f32 $8.000000000e+00, v4;
	v5 =	vld [tilespmem:s6+$0xA0]  }
0x357: {  	v2 =	vmul.f32 $8.000000000e+00, v2  }
0x358: {  	[tilespmem:s31+$0x120] =	vst v4;
	v7 =	vmul.f32 $8.000000000e+00, v7  }
0x359: {  	v4 =	vld [tilespmem:s1+$0xB0];
	[tilespmem:s12+$0x120] =	vst v2;
	v3 =	vmul.f32 $8.000000000e+00, v3  }
0x35a: {  	v2 =	vld [tilespmem:s17+$0xB0];
	[tilespmem:s0+$0x120] =	vst v7;
	v6 =	vmul.f32 $8.000000000e+00, v6  }
0x35b: {  	v7 =	vld [tilespmem:s11+$0xB0];
	[tilespmem:s14+$0x120] =	vst v3;
	v5 =	vmul.f32 $8.000000000e+00, v5  }
0x35c: {  	v3 =	vld [tilespmem:s13+$0xB0];
	[tilespmem:s15+$0x120] =	vst v6  }
0x35d: {  	v1 =	vmul.f32 $8.000000000e+00, v1;
	v6 =	vld [tilespmem:s16+$0xB0];
	[tilespmem:s8+$0x120] =	vst v5  }
0x35e: {  	v4 =	vmul.f32 $8.000000000e+00, v4;
	v5 =	vld [tilespmem:s6+$0xB0]  }
0x35f: {  	[tilespmem:s29+$0x130] =	vst v1;
	v2 =	vmul.f32 $8.000000000e+00, v2  }
0x360: {  	v11 =	vld [tilespmem:s30+$0xC0];
	[tilespmem:s31+$0x130] =	vst v4;
	v10 =	vmul.f32 $8.000000000e+00, v7  }
0x361: {  	v4 =	vld [tilespmem:s1+$0xC0];
	[tilespmem:s12+$0x130] =	vst v2;
	v3 =	vmul.f32 $8.000000000e+00, v3  }
0x362: {  	v17 =	vld [tilespmem:s17+$0xC0];
	[tilespmem:s0+$0x130] =	vst v10;
	v12 =	vmul.f32 $8.000000000e+00, v6  }
0x363: {  	v13 =	vld [tilespmem:s11+$0xC0];
	[tilespmem:s14+$0x130] =	vst v3;
	v14 =	vmul.f32 $8.000000000e+00, v5  }
0x364: {  	v3 =	vld [tilespmem:s13+$0xC0];
	[tilespmem:s15+$0x130] =	vst v12  }
0x365: {  	v16 =	vmul.f32 $8.000000000e+00, v11;
	v15 =	vld [tilespmem:s16+$0xC0];
	[tilespmem:s8+$0x130] =	vst v14  }
0x366: {  	v18 =	vmul.f32 $8.000000000e+00, v4;
	v19 =	vld [tilespmem:s6+$0xC0]  }
0x367: {  	[tilespmem:s29+$0x180] =	vst v16;
	v26 =	vmul.f32 $8.000000000e+00, v17  }
0x368: {  	v21 =	vld [tilespmem:s30+$0xD0];
	[tilespmem:s31+$0x180] =	vst v18;
	v20 =	vmul.f32 $8.000000000e+00, v13  }
0x369: {  	v23 =	vld [tilespmem:s1+$0xD0];
	[tilespmem:s12+$0x180] =	vst v26;
	v22 =	vmul.f32 $8.000000000e+00, v3  }
0x36a: {  	v31 =	vld [tilespmem:s17+$0xD0];
	[tilespmem:s0+$0x180] =	vst v20;
	v24 =	vmul.f32 $8.000000000e+00, v15  }
0x36b: {  	v25 =	vld [tilespmem:s11+$0xD0];
	[tilespmem:s14+$0x180] =	vst v22;
	v28 =	vmul.f32 $8.000000000e+00, v19  }
0x36c: {  	v27 =	vld [tilespmem:s13+$0xD0];
	[tilespmem:s15+$0x180] =	vst v24  }
0x36d: {  	v30 =	vmul.f32 $8.000000000e+00, v21;
	v29 =	vld [tilespmem:s16+$0xD0];
	[tilespmem:s8+$0x180] =	vst v28  }
0x36e: {  	v32 =	vmul.f32 $8.000000000e+00, v23;
	v33 =	vld [tilespmem:s6+$0xD0]  }
0x36f: {  	[tilespmem:s29+$0x190] =	vst v30;
	v40 =	vmul.f32 $8.000000000e+00, v31  }
0x370: {  	v35 =	vld [tilespmem:s30+$0xE0];
	[tilespmem:s31+$0x190] =	vst v32;
	v34 =	vmul.f32 $8.000000000e+00, v25  }
0x371: {  	v37 =	vld [tilespmem:s1+$0xE0];
	[tilespmem:s12+$0x190] =	vst v40;
	v36 =	vmul.f32 $8.000000000e+00, v27  }
0x372: {  	v45 =	vld [tilespmem:s17+$0xE0];
	[tilespmem:s0+$0x190] =	vst v34;
	v38 =	vmul.f32 $8.000000000e+00, v29  }
0x373: {  	v39 =	vld [tilespmem:s11+$0xE0];
	[tilespmem:s14+$0x190] =	vst v36;
	v42 =	vmul.f32 $8.000000000e+00, v33  }
0x374: {  	v41 =	vld [tilespmem:s13+$0xE0];
	[tilespmem:s15+$0x190] =	vst v38  }
0x375: {  	v44 =	vmul.f32 $8.000000000e+00, v35;
	v43 =	vld [tilespmem:s16+$0xE0];
	[tilespmem:s8+$0x190] =	vst v42  }
0x376: {  	v46 =	vmul.f32 $8.000000000e+00, v37;
	v47 =	vld [tilespmem:s6+$0xE0]  }
0x377: {  	[tilespmem:s29+$0x1A0] =	vst v44;
	v5 =	vmul.f32 $8.000000000e+00, v45  }
0x378: {  	v49 =	vld [tilespmem:s30+$0xF0];
	[tilespmem:s31+$0x1A0] =	vst v46;
	v48 =	vmul.f32 $8.000000000e+00, v39  }
0x379: {  	v51 =	vld [tilespmem:s1+$0xF0];
	[tilespmem:s12+$0x1A0] =	vst v5;
	v50 =	vmul.f32 $8.000000000e+00, v41  }
0x37a: {  	v56 =	vld [tilespmem:s17+$0xF0];
	[tilespmem:s0+$0x1A0] =	vst v48;
	v3 =	vmul.f32 $8.000000000e+00, v43  }
0x37b: {  	v52 =	vld [tilespmem:s11+$0xF0];
	[tilespmem:s14+$0x1A0] =	vst v50;
	v54 =	vmul.f32 $8.000000000e+00, v47  }
0x37c: {  	v0 =	vmul.f32 $8.000000000e+00, v0;
	[tilespmem:s15+$0x1A0] =	vst v3;
	v53 =	vld [tilespmem:s13+$0xF0]  }
0x37d: {  	v1 =	vmul.f32 $8.000000000e+00, v49;
	v55 =	vld [tilespmem:s16+$0xF0];
	[tilespmem:s8+$0x1A0] =	vst v54  }
0x37e: {  	[tilespmem:s28+$0x1B0] =	vst v0;
	v57 =	vmul.f32 $8.000000000e+00, v51;
	v58 =	vld [tilespmem:s6+$0xF0]  }
0x37f: {  	[tilespmem:s29+$0x1B0] =	vst v1;
	v62 =	vmul.f32 $8.000000000e+00, v56  }
0x380: {  	[tilespmem:s31+$0x1B0] =	vst v57;
	v59 =	vmul.f32 $8.000000000e+00, v52  }
0x381: {  	[tilespmem:s12+$0x1B0] =	vst v62;
	v60 =	vmul.f32 $8.000000000e+00, v53  }
0x382: {  	[tilespmem:s0+$0x1B0] =	vst v59;
	v61 =	vmul.f32 $8.000000000e+00, v55  }
0x383: {  	[tilespmem:s14+$0x1B0] =	vst v60;
	v63 =	vmul.f32 $8.000000000e+00, v58  }
0x384: {  	s25 =	sadd.s32 $0x1, s25;
	[tilespmem:s15+$0x1B0] =	vst v61  }
0x385: {  	s1 =	simm.s32 @!p0 $0x80;
	s0 =	sadd.s32 @!p0 $0x258, s26;
	s6 =	simm.s32 @!p0 $0x9600;
	[tilespmem:s8+$0x1B0] =	vst v63  }
0x386: {  	[tilespmem:s6], [sflag:$0x2] =	stream.indirect.gather @!p0 [hbm4b:s5+s1], $0x40, s0, s1, $0xb8;
	[tilespmem:$0x19000] =	vst v63  }
0x387: {  	s0 =	sadd.s32 @!p0 $0x2D8, s26;
	s1 =	simm.s32 @!p0 $0x48;
	s6 =	simm.s32 @!p0 $0xB600  }
0x388: {  	[tilespmem:s6], [sflag:$0x2] =	stream.indirect.gather @!p0 [hbm4b:s5+s1], $0x40, s0, s1, $0xb8;
	[tilespmem:$0x19000] =	vst v63  }
0x389: {  	p0 =	sne.s32 s25, $0x40  }
.Ltmp2:
0x38a: {  	s31 =	sadd.s32 s26, s7;
	(pc) =	sbr.rel @p0 .LBB2_2-.Ltmp2, $4  }
0x38b: {  	s0 =	sshll.u32 s31, $0x4  }
0x38c: {  	s0 =	sand.u32 $0x1FFFFF80, s0  }
0x38d: {  	s0 =	sadd.s32 s2, s0  }
0x38e: {  	[hbm4b:s0+s3] =	stream.linear.scatter [tilespmem:s21], [sflag:$0x4], $0x6400, $0x38;
	[tilespmem:$0x19000] =	vst v63  }
0x38f: {  	s0 =	simm.s32 $0x3  }
0x390: {  	_ =	swait.ge [sflag:s0], $0x6400  }
0x391: {  	[sflag:s0] =	ssyncset.done $0x0  }
0x392: {  	s1 =	simm.s32 $0x4;
	[sflag:s0] =	ssyncadd.s32 $0xFFFF9C00  }
0x393: {  	_ =	swait.ge [sflag:s1], $0x6400  }
0x394: {  	s24 =	sadd.s32 $0x1, s24;
	s31 =	rddreg [dreg:$0x5]  }
0x395: {  	p0 =	sne.s32 s24, s31  }
.Ltmp3:
0x396: {  	_ = 	snop;
	(pc) =	sbr.rel @p0 .LBB2_1-.Ltmp3, $3  }
0x397: {  	_ =	sdelay $0x1  }
0x398: {  	[sflag:s1] =	ssyncset.done $0x0  }
0x399: {  	[sflag:s1] =	ssyncadd.s32 $0xFFFF9C00  }
0x39a: {  	_ =	sfence.sel $0x180000  }
0x39b: {  	[bflag:$0x0] =	sbarrier.arrive $0xFFFF  }
0x39c: {  	_ =	strace $0x90000047  }
0x39d: {  	s0 =	stileid.u32;
	[bflag:$0x2] =	sbarrier.arrive $0xFFFF  }
0x39e: {  	p0 =	sne.s32 s0, $0x0;
	s0 =	rddreg [dreg:$0x3]  }
0x39f: {  	s0 =	sadd.s32 @!p0 $0x100000, s0  }
0x3a0: {  	[sflag:s0] =	ssyncadd.tile.s32 @!p0 $0x1;
	_ =	shalt  }
.Lfunc_end2:
_tile_overlayer_lowered:
.L_overlay_start_2:
0x3a1: {  	(tag) =	ssettag $0x2  }
0x3a2: {  	s0 =	rddreg [dreg:$0x0];
	s2 =	stileid.u32  }
0x3a3: {  	s1 =	rddreg [dreg:$0x1];
	p0 =	sne.s32 s2, $0x0  }
0x3a4: {  	s3 =	rddreg [dreg:$0x2];
	[bflag:$0x3] =	sbarrier.arrive $0xFFFF;
	s2 =	simm.s32 @!p0 $0x1C05  }
0x3a5: {  	[timem:s3], [sflag:s2] =	dma.local @!p0 [hbm:s0], s1  }
0x3a6: {  	s0 =	simm.s32 @!p0 $0x5  }
0x3a7: {  	_ =	swait.ge @!p0 [sflag:s0], s1  }
0x3a8: {  	s1 =	ssub.s32 @!p0 $0x0, s1;
	[sflag:s0] =	ssyncset.done @!p0 $0x0  }
0x3a9: {  	[sflag:s0] =	ssyncadd.s32 @!p0 s1  }
0x3aa: {  	[bflag:$0x3] =	sbarrier.arrive $0xFFFF  }
0x3ab: {  	_ =	shalt  }

</sc_bundles>
